<compile_context>
chip_gen: v7x
topology: tpu7x:2x2x1
jax: 0.10.2.dev20260603
libtpu: 0.0.44.dev20260713+nightly
codegen_flags: <defaults>
</compile_context>

<pallas_src>
import functools

import jax
import jax.numpy as jnp
from jax import lax
from jax.experimental import pallas as pl
from jax.experimental.pallas import tpu as pltpu
from jax.experimental.pallas import tpu_sc as plsc

B = 16
N = 20
NCLS = 80
NCH = 96
HW = (80, 40, 20)
STRIDE = (8, 16, 32)
BAL = (4.0, 1.0, 0.4)
ANC_PIX = (
    ((80.0, 104.0), (128.0, 240.0), (264.0, 184.0)),
    ((480.0, 976.0), (992.0, 720.0), (944.0, 1904.0)),
    ((3712.0, 2880.0), (4992.0, 6336.0), (11936.0, 10432.0)),
)
F_WIN, F_REP, F_GI, F_GJ, F_AW, F_AH = 0, 1, 2, 3, 4, 5
F_CX, F_CY, F_W, F_H = 6, 7, 8, 9
NF = 12


def _softplus0(x):
    return jnp.maximum(x, 0.0) + jnp.log(1.0 + jnp.exp(-jnp.abs(x)))


def _atan_pos(x):
    big = x > 2.414213562373095
    mid = x > 0.4142135623730950
    x1 = jnp.where(big, -1.0 / x, jnp.where(mid, (x - 1.0) / (x + 1.0), x))
    y0 = jnp.where(big, jnp.pi / 2, jnp.where(mid, jnp.pi / 4, 0.0))
    z = x1 * x1
    p = ((((8.05374449538e-2 * z - 1.38776856032e-1) * z + 1.99777106478e-1)
          * z - 3.33329491539e-1) * z * x1 + x1)
    return y0 + p


def _match_body(boxes_ref, labels_ref, idx_ref, meta_ref):
    bx = boxes_ref[...]
    lb = labels_ref[...]
    gt_cx = (bx[..., 0] + bx[..., 2]) * 0.5
    gt_cy = (bx[..., 1] + bx[..., 3]) * 0.5
    gt_w = bx[..., 2] - bx[..., 0]
    gt_h = bx[..., 3] - bx[..., 1]
    meta_ref[0, F_CX] = gt_cx
    meta_ref[0, F_CY] = gt_cy
    meta_ref[0, F_W] = gt_w
    meta_ref[0, F_H] = gt_h
    b_idx = lax.broadcasted_iota(jnp.int32, (B, N), 0)
    n_iota = lax.broadcasted_iota(jnp.int32, (B, N, N), 1)
    np_iota = lax.broadcasted_iota(jnp.int32, (B, N, N), 2)
    c_iota = lax.broadcasted_iota(jnp.int32, (B, N, NCH), 2)
    lbl_eq = lb[:, :, None] == lb[:, None, :]
    for s in range(3):
        h = w = HW[s]
        gx = gt_cx / float(STRIDE[s])
        gy = gt_cy / float(STRIDE[s])
        gi = jnp.clip(gy.astype(jnp.int32), 0, h - 1)
        gj = jnp.clip(gx.astype(jnp.int32), 0, w - 1)
        r = []
        for a in range(3):
            aw, ah = ANC_PIX[s][a]
            wr = gt_w / aw
            hr = gt_h / ah
            r.append(1.0 / (jnp.maximum(wr, 1.0 / wr) * jnp.maximum(hr, 1.0 / hr)))
        best = jnp.where(
            r[1] > r[0],
            jnp.where(r[2] > r[1], 2, 1),
            jnp.where(r[2] > r[0], 2, 0),
        ).astype(jnp.int32)
        aw0, ah0 = ANC_PIX[s][0]
        aw1, ah1 = ANC_PIX[s][1]
        aw2, ah2 = ANC_PIX[s][2]
        anc_w = jnp.where(best == 0, aw0, jnp.where(best == 1, aw1, aw2))
        anc_h = jnp.where(best == 0, ah0, jnp.where(best == 1, ah1, ah2))
        key = (best * h + gi) * w + gj
        eq = key[:, :, None] == key[:, None, :]
        winner = ~jnp.any(eq & (np_iota > n_iota), axis=-1)
        labelrep = ~jnp.any(eq & lbl_eq & (np_iota < n_iota), axis=-1)
        base = ((b_idx * 255 + best * 85) * h + gi) * w + gj
        c_eff = jnp.where(c_iota == 85, 5 + lb[:, :, None],
                          jnp.minimum(c_iota, 84))
        idx_ref[s] = base[:, :, None] + c_eff * (h * w)
        meta_ref[s, F_WIN] = winner.astype(jnp.float32)
        meta_ref[s, F_REP] = labelrep.astype(jnp.float32)
        meta_ref[s, F_GI] = gi.astype(jnp.float32)
        meta_ref[s, F_GJ] = gj.astype(jnp.float32)
        meta_ref[s, F_AW] = anc_w
        meta_ref[s, F_AH] = anc_h


def _match(boxes, labels):
    return pl.pallas_call(
        _match_body,
        out_shape=(
            jax.ShapeDtypeStruct((3, B, N, NCH), jnp.int32),
            jax.ShapeDtypeStruct((3, NF, B, N), jnp.float32),
        ),
    )(boxes, labels)


def _gather_body(ps_hbm, pm_hbm, pl_hbm, idx_hbm, out_hbm, idx_v, row_v, sem):
    wid = lax.axis_index("s") * 2 + lax.axis_index("c")

    def task(tab, s, b):
        pltpu.sync_copy(idx_hbm.at[s, b], idx_v)
        cp = pltpu.make_async_copy(
            tab.at[idx_v.at[pl.ds(0, 960)]], row_v.at[pl.ds(0, 960)], sem)
        cp.start()
        cp.wait()
        pltpu.sync_copy(row_v, out_hbm.at[s, b])

    @pl.when(wid < B)
    def _():
        task(ps_hbm, 0, wid)
        task(pl_hbm, 2, wid)

    @pl.when(wid >= B)
    def _():
        task(pm_hbm, 1, wid - B)


def _gather(ps_flat, pm_flat, pl_flat, idx):
    mesh = plsc.VectorSubcoreMesh(core_axis_name="c", subcore_axis_name="s")
    k = functools.partial(
        pl.kernel,
        mesh=mesh,
        out_type=jax.ShapeDtypeStruct((3, B, N * NCH), jnp.float32),
        scratch_types=[
            pltpu.VMEM((N * NCH,), jnp.int32),
            pltpu.VMEM((N * NCH,), jnp.float32),
            pltpu.SemaphoreType.DMA,
        ],
    )(_gather_body)
    return k(ps_flat, pm_flat, pl_flat, idx)


def _dense_body(ps_ref, pm_ref, pl_ref, out_ref, acc_ref):
    a = pl.program_id(0)

    @pl.when(a == 0)
    def _init():
        for s in range(3):
            acc_ref[s] = 0.0

    for s, ref in enumerate((ps_ref, pm_ref, pl_ref)):
        acc_ref[s] += jnp.sum(_softplus0(ref[...]))

    @pl.when(a == 2)
    def _out():
        for s in range(3):
            out_ref[0, s] = acc_ref[s]


def _dense(ps, pm, plg):
    return pl.pallas_call(
        _dense_body,
        grid=(3,),
        in_specs=[
            pl.BlockSpec((B, 1, 80, 80), lambda a: (0, a * 85 + 4, 0, 0)),
            pl.BlockSpec((B, 1, 40, 40), lambda a: (0, a * 85 + 4, 0, 0)),
            pl.BlockSpec((B, 1, 20, 20), lambda a: (0, a * 85 + 4, 0, 0)),
        ],
        out_specs=pl.BlockSpec(memory_space=pltpu.SMEM),
        out_shape=jax.ShapeDtypeStruct((1, 4), jnp.float32),
        scratch_shapes=[pltpu.SMEM((8,), jnp.float32)],
    )(ps, pm, plg)


def _final_body(gath_ref, meta_ref, dsum_ref, out_ref):
    g = gath_ref[...]
    mt = meta_ref[...]
    c_iota = lax.broadcasted_iota(jnp.int32, (B, N, NCH), 2)

    def ch(xs, c):
        return jnp.sum(jnp.where(c_iota == c, xs, 0.0), axis=-1)

    gt_cx = mt[0, F_CX]
    gt_cy = mt[0, F_CY]
    gt_w = mt[0, F_W]
    gt_h = mt[0, F_H]
    eps = 1e-7
    total = 0.0
    for s in range(3):
        stride = float(STRIDE[s])
        xs = g[s]
        winner = mt[s, F_WIN]
        labelrep = mt[s, F_REP]
        gi = mt[s, F_GI]
        gj = mt[s, F_GJ]
        anc_w = mt[s, F_AW]
        anc_h = mt[s, F_AH]
        px = (1.0 / (1.0 + jnp.exp(-ch(xs, 0))) + gj) * stride
        py = (1.0 / (1.0 + jnp.exp(-ch(xs, 1))) + gi) * stride
        pw = jnp.exp(ch(xs, 2)) * anc_w
        ph = jnp.exp(ch(xs, 3)) * anc_h
        b1x1 = px - pw / 2; b1x2 = px + pw / 2
        b1y1 = py - ph / 2; b1y2 = py + ph / 2
        b2x1 = gt_cx - gt_w / 2; b2x2 = gt_cx + gt_w / 2
        b2y1 = gt_cy - gt_h / 2; b2y2 = gt_cy + gt_h / 2
        inter = (
            jnp.clip(jnp.minimum(b1x2, b2x2) - jnp.maximum(b1x1, b2x1), 0.0, None)
            * jnp.clip(jnp.minimum(b1y2, b2y2) - jnp.maximum(b1y1, b2y1), 0.0, None)
        )
        union = pw * ph + gt_w * gt_h - inter + eps
        iou = inter / union
        cw = jnp.maximum(b1x2, b2x2) - jnp.minimum(b1x1, b2x1)
        chh = jnp.maximum(b1y2, b2y2) - jnp.minimum(b1y1, b2y1)
        c2 = cw ** 2 + chh ** 2 + eps
        rho2 = (gt_cx - px) ** 2 + (gt_cy - py) ** 2
        v = (4.0 / (jnp.pi ** 2)) * (
            _atan_pos(gt_w / (gt_h + eps)) - _atan_pos(pw / (ph + eps))
        ) ** 2
        alpha = v / (v - iou + (1.0 + eps))
        ciou = iou - (rho2 / c2 + v * alpha)
        n_pos = jnp.sum(winner)
        box_l = jnp.sum((1.0 - ciou) * winner) / jnp.maximum(n_pos, 1.0)
        xo = ch(xs, 4)
        obj_l = BAL[s] * (
            0.5 * dsum_ref[0, s]
            + jnp.sum((0.5 * _softplus0(xo) - xo) * winner)
        )
        cls_mask = (c_iota >= 5) & (c_iota <= 84)
        sp_cls = jnp.sum(jnp.where(cls_mask, _softplus0(xs), 0.0), axis=-1)
        cls_l = jnp.sum(sp_cls * winner)
        cls_l -= jnp.sum(ch(xs, 85) * labelrep)
        total += box_l + obj_l + 0.5 * cls_l
    out_ref[0, 0] = total / float(B)


def _final(gath, meta, dsum):
    return pl.pallas_call(
        _final_body,
        grid=(1,),
        in_specs=[
            pl.BlockSpec((3, B, N, NCH), lambda i: (0, 0, 0, 0)),
            pl.BlockSpec((3, NF, B, N), lambda i: (0, 0, 0, 0)),
            pl.BlockSpec(memory_space=pltpu.SMEM),
        ],
        out_specs=pl.BlockSpec(memory_space=pltpu.SMEM),
        out_shape=jax.ShapeDtypeStruct((1, 1), jnp.float32),
    )(gath, meta, dsum)


def kernel(pred_small, pred_medium, pred_large, boxes, labels):
    idx, meta = _match(boxes, labels)
    gath = _gather(
        pred_small.reshape(-1), pred_medium.reshape(-1),
        pred_large.reshape(-1), idx.reshape(3, B, N * NCH),
    )
    dsum = _dense(pred_small, pred_medium, pred_large)
    out = _final(gath.reshape(3, B, N, NCH), meta, dsum)
    return out[0, 0]

# --- scband reference (transcript-rebuilt; emitter-appended) ---
"""Pipeline reference for scband-yolod11-loss-5626407157760 (READ-ONLY COPY).

The authoritative reference and input builder live on the scoring server;
editing this copy changes nothing except your own understanding.
"""

import jax, jax.numpy as jnp
import numpy as np

ANCHORS = [np.array([[10.,13.],[16.,30.],[33.,23.]], np.float32), np.array([[30.,61.],[62.,45.],[59.,119.]], np.float32), np.array([[116.,90.],[156.,198.],[373.,326.]], np.float32)]
STRIDES = [8, 16, 32]
BALANCE = [4.0, 1.0, 0.4]
NUM_CLASSES = 80


def bce_logits(x, t):
    return jnp.maximum(x, 0.0) - x * t + jnp.log1p(jnp.exp(-jnp.abs(x)))


def bbox_ciou(b1, b2, eps=1e-7):
    b1x1 = b1[..., 0] - b1[..., 2] / 2; b1x2 = b1[..., 0] + b1[..., 2] / 2
    b1y1 = b1[..., 1] - b1[..., 3] / 2; b1y2 = b1[..., 1] + b1[..., 3] / 2
    b2x1 = b2[..., 0] - b2[..., 2] / 2; b2x2 = b2[..., 0] + b2[..., 2] / 2
    b2y1 = b2[..., 1] - b2[..., 3] / 2; b2y2 = b2[..., 1] + b2[..., 3] / 2
    inter = jnp.clip(jnp.minimum(b1x2, b2x2) - jnp.maximum(b1x1, b2x1), 0.0, None) * jnp.clip(jnp.minimum(b1y2, b2y2) - jnp.maximum(b1y1, b2y1), 0.0, None)
    w1, h1 = b1[..., 2], b1[..., 3]
    w2, h2 = b2[..., 2], b2[..., 3]
    union = w1 * h1 + w2 * h2 - inter + eps
    iou = inter / union
    cw = jnp.maximum(b1x2, b2x2) - jnp.minimum(b1x1, b2x1)
    ch = jnp.maximum(b1y2, b2y2) - jnp.minimum(b1y1, b2y1)
    c2 = cw ** 2 + ch ** 2 + eps
    rho2 = (b2[..., 0] - b1[..., 0]) ** 2 + (b2[..., 1] - b1[..., 1]) ** 2
    v = (4.0 / np.pi ** 2) * (jnp.arctan(w2 / (h2 + eps)) - jnp.arctan(w1 / (h1 + eps))) ** 2
    alpha = jax.lax.stop_gradient(v / (v - iou + (1.0 + eps)))
    return iou - (rho2 / c2 + v * alpha)


def _yolo_loss(preds, boxes, labels):
    B = preds[0].shape[0]
    lambda_obj, lambda_cls, lambda_iou = 1.0, 0.5, 1.0
    box_loss = 0.0; obj_loss = 0.0; cls_loss = 0.0
    gt_xy = (boxes[..., :2] + boxes[..., 2:]) / 2.0
    gt_wh = boxes[..., 2:] - boxes[..., :2]
    N = boxes.shape[1]
    b_idx = jnp.broadcast_to(jnp.arange(B)[:, None], (B, N))
    for s_idx, (pred, anc_np, stride) in enumerate(zip(preds, ANCHORS, STRIDES)):
        anc = jnp.asarray(anc_np)
        A = anc.shape[0]
        H, W = pred.shape[2], pred.shape[3]
        na = 5 + NUM_CLASSES
        p = pred.reshape(B, A, na, H, W).transpose(0, 1, 3, 4, 2)
        pred_box = p[..., :4]
        pred_obj = p[..., 4]
        pred_cls = p[..., 5:]
        gy, gx = jnp.meshgrid(jnp.arange(H), jnp.arange(W), indexing='ij')
        grid = jnp.stack([gx, gy], axis=-1).astype(jnp.float32)
        pred_xy = (jax.nn.sigmoid(pred_box[..., :2]) + grid) * stride
        pred_wh = jnp.exp(pred_box[..., 2:4]) * anc[None, :, None, None, :] * stride
        pred_boxes = jnp.concatenate([pred_xy, pred_wh], axis=-1)
        g_xy = gt_xy / stride
        gi = jnp.clip(g_xy[..., 1].astype(jnp.int32), 0, H - 1)
        gj = jnp.clip(g_xy[..., 0].astype(jnp.int32), 0, W - 1)
        anc_wh = anc * stride
        wr = gt_wh[..., 0:1] / anc_wh[None, None, :, 0]
        hr = gt_wh[..., 1:2] / anc_wh[None, None, :, 1]
        metric = jnp.maximum(wr, 1.0 / wr) * jnp.maximum(hr, 1.0 / hr)
        best = jnp.argmax(1.0 / metric, axis=-1)
        tx = g_xy[..., 0] - gj.astype(jnp.float32)
        ty = g_xy[..., 1] - gi.astype(jnp.float32)
        baw = anc_wh[best]
        tw = jnp.log(gt_wh[..., 0] / (baw[..., 0] + 1e-16))
        th = jnp.log(gt_wh[..., 1] / (baw[..., 1] + 1e-16))
        obj_mask = jnp.zeros((B, A, H, W), jnp.float32).at[b_idx, best, gi, gj].set(1.0)
        target_box = jnp.zeros((B, A, H, W, 4), jnp.float32).at[b_idx, best, gi, gj].set(jnp.stack([tx, ty, tw, th], axis=-1))
        target_cls = jnp.zeros((B, A, H, W, NUM_CLASSES), jnp.float32).at[b_idx, best, gi, gj, labels].set(1.0)
        noobj_mask = 1.0 - obj_mask
        t_xy = (grid + target_box[..., :2]) * stride
        t_wh = jnp.exp(target_box[..., 2:4]) * anc[None, :, None, None, :] * stride
        t_boxes = jnp.concatenate([t_xy, t_wh], axis=-1)
        ciou = bbox_ciou(pred_boxes, t_boxes)
        n_pos = jnp.sum(obj_mask)
        box_loss = box_loss + jnp.sum((1.0 - ciou) * obj_mask) / jnp.maximum(n_pos, 1.0) * lambda_iou
        bce_obj = bce_logits(pred_obj, obj_mask)
        pos = jnp.sum(bce_obj * obj_mask)
        neg = jnp.sum(bce_obj * noobj_mask)
        obj_loss = obj_loss + (pos + 0.5 * neg) * lambda_obj * BALANCE[s_idx]
        bce_c = bce_logits(pred_cls, target_cls)
        cls_loss = cls_loss + jnp.sum(bce_c * obj_mask[..., None]) * lambda_cls
    box_loss = box_loss / B
    obj_loss = obj_loss / B
    cls_loss = cls_loss / B
    return box_loss + obj_loss + cls_loss


def setup_inputs(seed: int = 0) -> dict:
    key = jax.random.key(seed)
    ks = jax.random.split(key, 6)
    B, N = 16, 20
    pred_small = jax.random.normal(ks[0], (B, 255, 80, 80), jnp.float32)
    pred_medium = jax.random.normal(ks[1], (B, 255, 40, 40), jnp.float32)
    pred_large = jax.random.normal(ks[2], (B, 255, 20, 20), jnp.float32)
    cxy = jax.random.uniform(ks[3], (B, N, 2), jnp.float32, minval=32.0, maxval=608.0)
    wh = jax.random.uniform(ks[4], (B, N, 2), jnp.float32, minval=8.0, maxval=192.0)
    boxes = jnp.concatenate([cxy - wh / 2, cxy + wh / 2], axis=-1)
    labels = jax.random.randint(ks[5], (B, N), 0, 80, dtype=jnp.int32)
    return {"pred_small": pred_small, "pred_medium": pred_medium, "pred_large": pred_large, "boxes": boxes, "labels": labels}


def reference(pred_small, pred_medium, pred_large, boxes, labels):
    return _yolo_loss((pred_small, pred_medium, pred_large), boxes, labels)

if __name__ == "__main__":
    import jax
    _d = setup_inputs()
    print(jax.jit(kernel)(*tuple(_d.values())))

</pallas_src>

<mosaic_0001>
#map = affine_map<(d0, d1) -> (0)>
#map1 = affine_map<(d0, d1) -> (0, 0, 0)>
module attributes {stable_mosaic.version = 14 : i64} {
  func.func @_gather_body(%arg0: i32, %arg1: i32, %arg2: memref<26112000xf32, #tpu.memory_space<hbm>>, %arg3: memref<6528000xf32, #tpu.memory_space<hbm>>, %arg4: memref<1632000xf32, #tpu.memory_space<hbm>>, %arg5: memref<3x16x1920xi32, #tpu.memory_space<hbm>>, %arg6: memref<3x16x1920xf32, #tpu.memory_space<hbm>>, %arg7: memref<1920xi32, #tpu.memory_space<vmem>>, %arg8: memref<1920xf32, #tpu.memory_space<vmem>>, %arg9: memref<!tpu.dma_semaphore, #tpu.memory_space<semaphore_mem>>) attributes {dimension_semantics = [#tpu.dimension_semantics<core_parallel>, #tpu.dimension_semantics<subcore_parallel>], iteration_bounds = array<i64: 2, 16>, scalar_prefetch = 0 : i64, scratch_operands = 3 : i64, tpu.core_type = #tpu.core_type<sc_vector_subcore>, window_params = [{transform_indices = #map}, {transform_indices = #map}, {transform_indices = #map}, {transform_indices = #map1}, {transform_indices = #map1}]} {
    %mul3A = arith.constant 2 : i32
    %mul3A_0 = arith.muli %arg1, %mul3A : i32
    %add3A = arith.addi %mul3A_0, %arg0 : i32
    %lt3A = arith.constant 16 : i32
    %lt3A_1 = arith.cmpi slt, %add3A, %lt3A : i32
    %convert_element_type3A = arith.extui %lt3A_1 : i1 to i32
    %cond3A = arith.constant 0 : i32
    %cond3A_2 = arith.cmpi ne, %convert_element_type3A, %cond3A : i32
    scf.if %cond3A_2 {
      %run_scoped3A = arith.constant 0 : i32
      "tpu.region"() ({
        %run_scoped3A_32 = tpu.sem_alloc : memref<!tpu.dma_semaphore, #tpu.memory_space<semaphore_mem>>
        %dma_start3A_33 = arith.constant 0 : i32
        %dma_start3A_34 = tpu.memref_slice %arg5[%run_scoped3A, %add3A, %dma_start3A_33] : memref<3x16x1920xi32, #tpu.memory_space<hbm>> -> memref<1x1x1920xi32, #tpu.memory_space<hbm>>
        %dma_start3A_35 = tpu.memref_squeeze %dma_start3A_34 : memref<1x1x1920xi32, #tpu.memory_space<hbm>> -> memref<1920xi32, #tpu.memory_space<hbm>>
        %dma_start3A_36 = arith.constant 0 : i32
        %dma_start3A_37 = tpu.memref_slice %arg5[%run_scoped3A, %add3A, %dma_start3A_36] : memref<3x16x1920xi32, #tpu.memory_space<hbm>> -> memref<1x1x1920xi32, #tpu.memory_space<hbm>>
        %dma_start3A_38 = tpu.memref_squeeze %dma_start3A_37 : memref<1x1x1920xi32, #tpu.memory_space<hbm>> -> memref<1920xi32, #tpu.memory_space<hbm>>
        tpu.enqueue_dma source(%dma_start3A_38 : memref<1920xi32, #tpu.memory_space<hbm>>) target(%arg7 : memref<1920xi32, #tpu.memory_space<vmem>>) target_semaphore(%run_scoped3A_32 : memref<!tpu.dma_semaphore, #tpu.memory_space<semaphore_mem>>)
        %dma_wait3A_39 = arith.constant 0 : i32
        %dma_wait3A_40 = tpu.memref_slice %arg5[%run_scoped3A, %add3A, %dma_wait3A_39] : memref<3x16x1920xi32, #tpu.memory_space<hbm>> -> memref<1x1x1920xi32, #tpu.memory_space<hbm>>
        %dma_wait3A_41 = tpu.memref_squeeze %dma_wait3A_40 : memref<1x1x1920xi32, #tpu.memory_space<hbm>> -> memref<1920xi32, #tpu.memory_space<hbm>>
        %dma_wait3A_42 = arith.constant 0 : i32
        %dma_wait3A_43 = tpu.memref_slice %arg5[%run_scoped3A, %add3A, %dma_wait3A_42] : memref<3x16x1920xi32, #tpu.memory_space<hbm>> -> memref<1x1x1920xi32, #tpu.memory_space<hbm>>
        %dma_wait3A_44 = tpu.memref_squeeze %dma_wait3A_43 : memref<1x1x1920xi32, #tpu.memory_space<hbm>> -> memref<1920xi32, #tpu.memory_space<hbm>>
        tpu.wait_dma2 semaphore(%run_scoped3A_32 : memref<!tpu.dma_semaphore, #tpu.memory_space<semaphore_mem>>) src(%dma_wait3A_44 : memref<1920xi32, #tpu.memory_space<hbm>>) dst(%arg7 : memref<1920xi32, #tpu.memory_space<vmem>>)
        tpu.yield
      }) : () -> ()
      %dma_start3A = arith.constant 0 : i32
      %dma_start3A_7 = tpu.memref_slice %arg8[%dma_start3A] : memref<1920xf32, #tpu.memory_space<vmem>> -> memref<960xf32, #tpu.memory_space<vmem>>
      %dma_start3A_8 = arith.constant 0 : i32
      %dma_start3A_9 = tpu.memref_slice %arg7[%dma_start3A_8] : memref<1920xi32, #tpu.memory_space<vmem>> -> memref<960xi32, #tpu.memory_space<vmem>>
      %dma_start3A_10 = arith.constant 0 : i32
      %dma_start3A_11 = tpu.memref_slice %arg2[%dma_start3A_10] : memref<26112000xf32, #tpu.memory_space<hbm>> -> memref<26112000xf32, #tpu.memory_space<hbm>>
      tpu.enqueue_indirect_dma source(%dma_start3A_11 : memref<26112000xf32, #tpu.memory_space<hbm>>) target(%dma_start3A_7 : memref<960xf32, #tpu.memory_space<vmem>>) offsets(%dma_start3A_9 : memref<960xi32, #tpu.memory_space<vmem>>) semaphore(%arg9 : memref<!tpu.dma_semaphore, #tpu.memory_space<semaphore_mem>>)
      %dma_wait3A = arith.constant 0 : i32
      %dma_wait3A_12 = tpu.memref_slice %arg8[%dma_wait3A] : memref<1920xf32, #tpu.memory_space<vmem>> -> memref<960xf32, #tpu.memory_space<vmem>>
      %dma_wait3A_13 = arith.constant 0 : i32
      %dma_wait3A_14 = tpu.memref_slice %arg7[%dma_wait3A_13] : memref<1920xi32, #tpu.memory_space<vmem>> -> memref<960xi32, #tpu.memory_space<vmem>>
      %dma_wait3A_15 = arith.constant 0 : i32
      %dma_wait3A_16 = tpu.memref_slice %arg2[%dma_wait3A_15] : memref<26112000xf32, #tpu.memory_space<hbm>> -> memref<26112000xf32, #tpu.memory_space<hbm>>
      tpu.wait_indirect_dma semaphore(%arg9 : memref<!tpu.dma_semaphore, #tpu.memory_space<semaphore_mem>>) src(%dma_wait3A_16 : memref<26112000xf32, #tpu.memory_space<hbm>>) dst(%dma_wait3A_12 : memref<960xf32, #tpu.memory_space<vmem>>)
      %run_scoped3A_17 = arith.constant 0 : i32
      "tpu.region"() ({
        %run_scoped3A_32 = tpu.sem_alloc : memref<!tpu.dma_semaphore, #tpu.memory_space<semaphore_mem>>
        %dma_start3A_33 = arith.constant 0 : i32
        %dma_start3A_34 = tpu.memref_slice %arg6[%run_scoped3A_17, %add3A, %dma_start3A_33] : memref<3x16x1920xf32, #tpu.memory_space<hbm>> -> memref<1x1x1920xf32, #tpu.memory_space<hbm>>
        %dma_start3A_35 = tpu.memref_squeeze %dma_start3A_34 : memref<1x1x1920xf32, #tpu.memory_space<hbm>> -> memref<1920xf32, #tpu.memory_space<hbm>>
        %dma_start3A_36 = arith.constant 0 : i32
        %dma_start3A_37 = tpu.memref_slice %arg6[%run_scoped3A_17, %add3A, %dma_start3A_36] : memref<3x16x1920xf32, #tpu.memory_space<hbm>> -> memref<1x1x1920xf32, #tpu.memory_space<hbm>>
        %dma_start3A_38 = tpu.memref_squeeze %dma_start3A_37 : memref<1x1x1920xf32, #tpu.memory_space<hbm>> -> memref<1920xf32, #tpu.memory_space<hbm>>
        tpu.enqueue_dma source(%arg8 : memref<1920xf32, #tpu.memory_space<vmem>>) target(%dma_start3A_38 : memref<1920xf32, #tpu.memory_space<hbm>>) target_semaphore(%run_scoped3A_32 : memref<!tpu.dma_semaphore, #tpu.memory_space<semaphore_mem>>)
        %dma_wait3A_39 = arith.constant 0 : i32
        %dma_wait3A_40 = tpu.memref_slice %arg6[%run_scoped3A_17, %add3A, %dma_wait3A_39] : memref<3x16x1920xf32, #tpu.memory_space<hbm>> -> memref<1x1x1920xf32, #tpu.memory_space<hbm>>
        %dma_wait3A_41 = tpu.memref_squeeze %dma_wait3A_40 : memref<1x1x1920xf32, #tpu.memory_space<hbm>> -> memref<1920xf32, #tpu.memory_space<hbm>>
        %dma_wait3A_42 = arith.constant 0 : i32
        %dma_wait3A_43 = tpu.memref_slice %arg6[%run_scoped3A_17, %add3A, %dma_wait3A_42] : memref<3x16x1920xf32, #tpu.memory_space<hbm>> -> memref<1x1x1920xf32, #tpu.memory_space<hbm>>
        %dma_wait3A_44 = tpu.memref_squeeze %dma_wait3A_43 : memref<1x1x1920xf32, #tpu.memory_space<hbm>> -> memref<1920xf32, #tpu.memory_space<hbm>>
        tpu.wait_dma2 semaphore(%run_scoped3A_32 : memref<!tpu.dma_semaphore, #tpu.memory_space<semaphore_mem>>) src(%arg8 : memref<1920xf32, #tpu.memory_space<vmem>>) dst(%dma_wait3A_44 : memref<1920xf32, #tpu.memory_space<hbm>>)
        tpu.yield
      }) : () -> ()
      %run_scoped3A_18 = arith.constant 2 : i32
      "tpu.region"() ({
        %run_scoped3A_32 = tpu.sem_alloc : memref<!tpu.dma_semaphore, #tpu.memory_space<semaphore_mem>>
        %dma_start3A_33 = arith.constant 0 : i32
        %dma_start3A_34 = tpu.memref_slice %arg5[%run_scoped3A_18, %add3A, %dma_start3A_33] : memref<3x16x1920xi32, #tpu.memory_space<hbm>> -> memref<1x1x1920xi32, #tpu.memory_space<hbm>>
        %dma_start3A_35 = tpu.memref_squeeze %dma_start3A_34 : memref<1x1x1920xi32, #tpu.memory_space<hbm>> -> memref<1920xi32, #tpu.memory_space<hbm>>
        %dma_start3A_36 = arith.constant 0 : i32
        %dma_start3A_37 = tpu.memref_slice %arg5[%run_scoped3A_18, %add3A, %dma_start3A_36] : memref<3x16x1920xi32, #tpu.memory_space<hbm>> -> memref<1x1x1920xi32, #tpu.memory_space<hbm>>
        %dma_start3A_38 = tpu.memref_squeeze %dma_start3A_37 : memref<1x1x1920xi32, #tpu.memory_space<hbm>> -> memref<1920xi32, #tpu.memory_space<hbm>>
        tpu.enqueue_dma source(%dma_start3A_38 : memref<1920xi32, #tpu.memory_space<hbm>>) target(%arg7 : memref<1920xi32, #tpu.memory_space<vmem>>) target_semaphore(%run_scoped3A_32 : memref<!tpu.dma_semaphore, #tpu.memory_space<semaphore_mem>>)
        %dma_wait3A_39 = arith.constant 0 : i32
        %dma_wait3A_40 = tpu.memref_slice %arg5[%run_scoped3A_18, %add3A, %dma_wait3A_39] : memref<3x16x1920xi32, #tpu.memory_space<hbm>> -> memref<1x1x1920xi32, #tpu.memory_space<hbm>>
        %dma_wait3A_41 = tpu.memref_squeeze %dma_wait3A_40 : memref<1x1x1920xi32, #tpu.memory_space<hbm>> -> memref<1920xi32, #tpu.memory_space<hbm>>
        %dma_wait3A_42 = arith.constant 0 : i32
        %dma_wait3A_43 = tpu.memref_slice %arg5[%run_scoped3A_18, %add3A, %dma_wait3A_42] : memref<3x16x1920xi32, #tpu.memory_space<hbm>> -> memref<1x1x1920xi32, #tpu.memory_space<hbm>>
        %dma_wait3A_44 = tpu.memref_squeeze %dma_wait3A_43 : memref<1x1x1920xi32, #tpu.memory_space<hbm>> -> memref<1920xi32, #tpu.memory_space<hbm>>
        tpu.wait_dma2 semaphore(%run_scoped3A_32 : memref<!tpu.dma_semaphore, #tpu.memory_space<semaphore_mem>>) src(%dma_wait3A_44 : memref<1920xi32, #tpu.memory_space<hbm>>) dst(%arg7 : memref<1920xi32, #tpu.memory_space<vmem>>)
        tpu.yield
      }) : () -> ()
      %dma_start3A_19 = arith.constant 0 : i32
      %dma_start3A_20 = tpu.memref_slice %arg8[%dma_start3A_19] : memref<1920xf32, #tpu.memory_space<vmem>> -> memref<960xf32, #tpu.memory_space<vmem>>
      %dma_start3A_21 = arith.constant 0 : i32
      %dma_start3A_22 = tpu.memref_slice %arg7[%dma_start3A_21] : memref<1920xi32, #tpu.memory_space<vmem>> -> memref<960xi32, #tpu.memory_space<vmem>>
      %dma_start3A_23 = arith.constant 0 : i32
      %dma_start3A_24 = tpu.memref_slice %arg4[%dma_start3A_23] : memref<1632000xf32, #tpu.memory_space<hbm>> -> memref<1632000xf32, #tpu.memory_space<hbm>>
      tpu.enqueue_indirect_dma source(%dma_start3A_24 : memref<1632000xf32, #tpu.memory_space<hbm>>) target(%dma_start3A_20 : memref<960xf32, #tpu.memory_space<vmem>>) offsets(%dma_start3A_22 : memref<960xi32, #tpu.memory_space<vmem>>) semaphore(%arg9 : memref<!tpu.dma_semaphore, #tpu.memory_space<semaphore_mem>>)
      %dma_wait3A_25 = arith.constant 0 : i32
      %dma_wait3A_26 = tpu.memref_slice %arg8[%dma_wait3A_25] : memref<1920xf32, #tpu.memory_space<vmem>> -> memref<960xf32, #tpu.memory_space<vmem>>
      %dma_wait3A_27 = arith.constant 0 : i32
      %dma_wait3A_28 = tpu.memref_slice %arg7[%dma_wait3A_27] : memref<1920xi32, #tpu.memory_space<vmem>> -> memref<960xi32, #tpu.memory_space<vmem>>
      %dma_wait3A_29 = arith.constant 0 : i32
      %dma_wait3A_30 = tpu.memref_slice %arg4[%dma_wait3A_29] : memref<1632000xf32, #tpu.memory_space<hbm>> -> memref<1632000xf32, #tpu.memory_space<hbm>>
      tpu.wait_indirect_dma semaphore(%arg9 : memref<!tpu.dma_semaphore, #tpu.memory_space<semaphore_mem>>) src(%dma_wait3A_30 : memref<1632000xf32, #tpu.memory_space<hbm>>) dst(%dma_wait3A_26 : memref<960xf32, #tpu.memory_space<vmem>>)
      %run_scoped3A_31 = arith.constant 2 : i32
      "tpu.region"() ({
        %run_scoped3A_32 = tpu.sem_alloc : memref<!tpu.dma_semaphore, #tpu.memory_space<semaphore_mem>>
        %dma_start3A_33 = arith.constant 0 : i32
        %dma_start3A_34 = tpu.memref_slice %arg6[%run_scoped3A_31, %add3A, %dma_start3A_33] : memref<3x16x1920xf32, #tpu.memory_space<hbm>> -> memref<1x1x1920xf32, #tpu.memory_space<hbm>>
        %dma_start3A_35 = tpu.memref_squeeze %dma_start3A_34 : memref<1x1x1920xf32, #tpu.memory_space<hbm>> -> memref<1920xf32, #tpu.memory_space<hbm>>
        %dma_start3A_36 = arith.constant 0 : i32
        %dma_start3A_37 = tpu.memref_slice %arg6[%run_scoped3A_31, %add3A, %dma_start3A_36] : memref<3x16x1920xf32, #tpu.memory_space<hbm>> -> memref<1x1x1920xf32, #tpu.memory_space<hbm>>
        %dma_start3A_38 = tpu.memref_squeeze %dma_start3A_37 : memref<1x1x1920xf32, #tpu.memory_space<hbm>> -> memref<1920xf32, #tpu.memory_space<hbm>>
        tpu.enqueue_dma source(%arg8 : memref<1920xf32, #tpu.memory_space<vmem>>) target(%dma_start3A_38 : memref<1920xf32, #tpu.memory_space<hbm>>) target_semaphore(%run_scoped3A_32 : memref<!tpu.dma_semaphore, #tpu.memory_space<semaphore_mem>>)
        %dma_wait3A_39 = arith.constant 0 : i32
        %dma_wait3A_40 = tpu.memref_slice %arg6[%run_scoped3A_31, %add3A, %dma_wait3A_39] : memref<3x16x1920xf32, #tpu.memory_space<hbm>> -> memref<1x1x1920xf32, #tpu.memory_space<hbm>>
        %dma_wait3A_41 = tpu.memref_squeeze %dma_wait3A_40 : memref<1x1x1920xf32, #tpu.memory_space<hbm>> -> memref<1920xf32, #tpu.memory_space<hbm>>
        %dma_wait3A_42 = arith.constant 0 : i32
        %dma_wait3A_43 = tpu.memref_slice %arg6[%run_scoped3A_31, %add3A, %dma_wait3A_42] : memref<3x16x1920xf32, #tpu.memory_space<hbm>> -> memref<1x1x1920xf32, #tpu.memory_space<hbm>>
        %dma_wait3A_44 = tpu.memref_squeeze %dma_wait3A_43 : memref<1x1x1920xf32, #tpu.memory_space<hbm>> -> memref<1920xf32, #tpu.memory_space<hbm>>
        tpu.wait_dma2 semaphore(%run_scoped3A_32 : memref<!tpu.dma_semaphore, #tpu.memory_space<semaphore_mem>>) src(%arg8 : memref<1920xf32, #tpu.memory_space<vmem>>) dst(%dma_wait3A_44 : memref<1920xf32, #tpu.memory_space<hbm>>)
        tpu.yield
      }) : () -> ()
    } else {
    }
    %ge3A = arith.constant 16 : i32
    %ge3A_3 = arith.cmpi sge, %add3A, %ge3A : i32
    %convert_element_type3A_4 = arith.extui %ge3A_3 : i1 to i32
    %cond3A_5 = arith.constant 0 : i32
    %cond3A_6 = arith.cmpi ne, %convert_element_type3A_4, %cond3A_5 : i32
    scf.if %cond3A_6 {
      %sub3A = arith.constant 16 : i32
      %sub3A_7 = arith.subi %add3A, %sub3A : i32
      %run_scoped3A = arith.constant 1 : i32
      "tpu.region"() ({
        %run_scoped3A_19 = tpu.sem_alloc : memref<!tpu.dma_semaphore, #tpu.memory_space<semaphore_mem>>
        %dma_start3A_20 = arith.constant 0 : i32
        %dma_start3A_21 = tpu.memref_slice %arg5[%run_scoped3A, %sub3A_7, %dma_start3A_20] : memref<3x16x1920xi32, #tpu.memory_space<hbm>> -> memref<1x1x1920xi32, #tpu.memory_space<hbm>>
        %dma_start3A_22 = tpu.memref_squeeze %dma_start3A_21 : memref<1x1x1920xi32, #tpu.memory_space<hbm>> -> memref<1920xi32, #tpu.memory_space<hbm>>
        %dma_start3A_23 = arith.constant 0 : i32
        %dma_start3A_24 = tpu.memref_slice %arg5[%run_scoped3A, %sub3A_7, %dma_start3A_23] : memref<3x16x1920xi32, #tpu.memory_space<hbm>> -> memref<1x1x1920xi32, #tpu.memory_space<hbm>>
        %dma_start3A_25 = tpu.memref_squeeze %dma_start3A_24 : memref<1x1x1920xi32, #tpu.memory_space<hbm>> -> memref<1920xi32, #tpu.memory_space<hbm>>
        tpu.enqueue_dma source(%dma_start3A_25 : memref<1920xi32, #tpu.memory_space<hbm>>) target(%arg7 : memref<1920xi32, #tpu.memory_space<vmem>>) target_semaphore(%run_scoped3A_19 : memref<!tpu.dma_semaphore, #tpu.memory_space<semaphore_mem>>)
        %dma_wait3A_26 = arith.constant 0 : i32
        %dma_wait3A_27 = tpu.memref_slice %arg5[%run_scoped3A, %sub3A_7, %dma_wait3A_26] : memref<3x16x1920xi32, #tpu.memory_space<hbm>> -> memref<1x1x1920xi32, #tpu.memory_space<hbm>>
        %dma_wait3A_28 = tpu.memref_squeeze %dma_wait3A_27 : memref<1x1x1920xi32, #tpu.memory_space<hbm>> -> memref<1920xi32, #tpu.memory_space<hbm>>
        %dma_wait3A_29 = arith.constant 0 : i32
        %dma_wait3A_30 = tpu.memref_slice %arg5[%run_scoped3A, %sub3A_7, %dma_wait3A_29] : memref<3x16x1920xi32, #tpu.memory_space<hbm>> -> memref<1x1x1920xi32, #tpu.memory_space<hbm>>
        %dma_wait3A_31 = tpu.memref_squeeze %dma_wait3A_30 : memref<1x1x1920xi32, #tpu.memory_space<hbm>> -> memref<1920xi32, #tpu.memory_space<hbm>>
        tpu.wait_dma2 semaphore(%run_scoped3A_19 : memref<!tpu.dma_semaphore, #tpu.memory_space<semaphore_mem>>) src(%dma_wait3A_31 : memref<1920xi32, #tpu.memory_space<hbm>>) dst(%arg7 : memref<1920xi32, #tpu.memory_space<vmem>>)
        tpu.yield
      }) : () -> ()
      %dma_start3A = arith.constant 0 : i32
      %dma_start3A_8 = tpu.memref_slice %arg8[%dma_start3A] : memref<1920xf32, #tpu.memory_space<vmem>> -> memref<960xf32, #tpu.memory_space<vmem>>
      %dma_start3A_9 = arith.constant 0 : i32
      %dma_start3A_10 = tpu.memref_slice %arg7[%dma_start3A_9] : memref<1920xi32, #tpu.memory_space<vmem>> -> memref<960xi32, #tpu.memory_space<vmem>>
      %dma_start3A_11 = arith.constant 0 : i32
      %dma_start3A_12 = tpu.memref_slice %arg3[%dma_start3A_11] : memref<6528000xf32, #tpu.memory_space<hbm>> -> memref<6528000xf32, #tpu.memory_space<hbm>>
      tpu.enqueue_indirect_dma source(%dma_start3A_12 : memref<6528000xf32, #tpu.memory_space<hbm>>) target(%dma_start3A_8 : memref<960xf32, #tpu.memory_space<vmem>>) offsets(%dma_start3A_10 : memref<960xi32, #tpu.memory_space<vmem>>) semaphore(%arg9 : memref<!tpu.dma_semaphore, #tpu.memory_space<semaphore_mem>>)
      %dma_wait3A = arith.constant 0 : i32
      %dma_wait3A_13 = tpu.memref_slice %arg8[%dma_wait3A] : memref<1920xf32, #tpu.memory_space<vmem>> -> memref<960xf32, #tpu.memory_space<vmem>>
      %dma_wait3A_14 = arith.constant 0 : i32
      %dma_wait3A_15 = tpu.memref_slice %arg7[%dma_wait3A_14] : memref<1920xi32, #tpu.memory_space<vmem>> -> memref<960xi32, #tpu.memory_space<vmem>>
      %dma_wait3A_16 = arith.constant 0 : i32
      %dma_wait3A_17 = tpu.memref_slice %arg3[%dma_wait3A_16] : memref<6528000xf32, #tpu.memory_space<hbm>> -> memref<6528000xf32, #tpu.memory_space<hbm>>
      tpu.wait_indirect_dma semaphore(%arg9 : memref<!tpu.dma_semaphore, #tpu.memory_space<semaphore_mem>>) src(%dma_wait3A_17 : memref<6528000xf32, #tpu.memory_space<hbm>>) dst(%dma_wait3A_13 : memref<960xf32, #tpu.memory_space<vmem>>)
      %run_scoped3A_18 = arith.constant 1 : i32
      "tpu.region"() ({
        %run_scoped3A_19 = tpu.sem_alloc : memref<!tpu.dma_semaphore, #tpu.memory_space<semaphore_mem>>
        %dma_start3A_20 = arith.constant 0 : i32
        %dma_start3A_21 = tpu.memref_slice %arg6[%run_scoped3A_18, %sub3A_7, %dma_start3A_20] : memref<3x16x1920xf32, #tpu.memory_space<hbm>> -> memref<1x1x1920xf32, #tpu.memory_space<hbm>>
        %dma_start3A_22 = tpu.memref_squeeze %dma_start3A_21 : memref<1x1x1920xf32, #tpu.memory_space<hbm>> -> memref<1920xf32, #tpu.memory_space<hbm>>
        %dma_start3A_23 = arith.constant 0 : i32
        %dma_start3A_24 = tpu.memref_slice %arg6[%run_scoped3A_18, %sub3A_7, %dma_start3A_23] : memref<3x16x1920xf32, #tpu.memory_space<hbm>> -> memref<1x1x1920xf32, #tpu.memory_space<hbm>>
        %dma_start3A_25 = tpu.memref_squeeze %dma_start3A_24 : memref<1x1x1920xf32, #tpu.memory_space<hbm>> -> memref<1920xf32, #tpu.memory_space<hbm>>
        tpu.enqueue_dma source(%arg8 : memref<1920xf32, #tpu.memory_space<vmem>>) target(%dma_start3A_25 : memref<1920xf32, #tpu.memory_space<hbm>>) target_semaphore(%run_scoped3A_19 : memref<!tpu.dma_semaphore, #tpu.memory_space<semaphore_mem>>)
        %dma_wait3A_26 = arith.constant 0 : i32
        %dma_wait3A_27 = tpu.memref_slice %arg6[%run_scoped3A_18, %sub3A_7, %dma_wait3A_26] : memref<3x16x1920xf32, #tpu.memory_space<hbm>> -> memref<1x1x1920xf32, #tpu.memory_space<hbm>>
        %dma_wait3A_28 = tpu.memref_squeeze %dma_wait3A_27 : memref<1x1x1920xf32, #tpu.memory_space<hbm>> -> memref<1920xf32, #tpu.memory_space<hbm>>
        %dma_wait3A_29 = arith.constant 0 : i32
        %dma_wait3A_30 = tpu.memref_slice %arg6[%run_scoped3A_18, %sub3A_7, %dma_wait3A_29] : memref<3x16x1920xf32, #tpu.memory_space<hbm>> -> memref<1x1x1920xf32, #tpu.memory_space<hbm>>
        %dma_wait3A_31 = tpu.memref_squeeze %dma_wait3A_30 : memref<1x1x1920xf32, #tpu.memory_space<hbm>> -> memref<1920xf32, #tpu.memory_space<hbm>>
        tpu.wait_dma2 semaphore(%run_scoped3A_19 : memref<!tpu.dma_semaphore, #tpu.memory_space<semaphore_mem>>) src(%arg8 : memref<1920xf32, #tpu.memory_space<vmem>>) dst(%dma_wait3A_31 : memref<1920xf32, #tpu.memory_space<hbm>>)
        tpu.yield
      }) : () -> ()
    } else {
    }
    return
  }
}

module attributes {stable_mosaic.version = 14 : i64} {
  func.func @_match_body(%arg0: memref<16x20x4xf32, #tpu.memory_space<vmem>>, %arg1: memref<16x20xi32, #tpu.memory_space<vmem>>, %arg2: memref<3x16x20x96xi32, #tpu.memory_space<vmem>>, %arg3: memref<3x12x16x20xf32, #tpu.memory_space<vmem>>) attributes {dimension_semantics = [], scalar_prefetch = 0 : i64, scratch_operands = 0 : i64, tpu.core_type = #tpu.core_type<tc>} {
    %get3A = arith.constant 0 : index
    %get3A_0 = arith.constant 0 : index
    %get3A_1 = arith.constant 0 : index
    %get3A_2 = vector.load %arg0[%get3A, %get3A_0, %get3A_1] : memref<16x20x4xf32, #tpu.memory_space<vmem>>, vector<16x20x4xf32>
    %get3A_3 = arith.constant 0 : index
    %get3A_4 = arith.constant 0 : index
    %get3A_5 = vector.load %arg1[%get3A_3, %get3A_4] : memref<16x20xi32, #tpu.memory_space<vmem>>, vector<16x20xi32>
    %slice3A = vector.extract_strided_slice %get3A_2 {offsets = [0, 0, 0], sizes = [16, 20, 1], strides = [1, 1, 1]} : vector<16x20x4xf32> to vector<16x20x1xf32>
    %squeeze3A = vector.shape_cast %slice3A : vector<16x20x1xf32> to vector<16x20xf32>
    %slice3A_6 = vector.extract_strided_slice %get3A_2 {offsets = [0, 0, 2], sizes = [16, 20, 1], strides = [1, 1, 1]} : vector<16x20x4xf32> to vector<16x20x1xf32>
    %squeeze3A_7 = vector.shape_cast %slice3A_6 : vector<16x20x1xf32> to vector<16x20xf32>
    %add3A = arith.addf %squeeze3A, %squeeze3A_7 : vector<16x20xf32>
    %mul3A = arith.constant 5.000000e-01 : f32
    %mul3A_8 = vector.broadcast %mul3A : f32 to vector<16x20xf32>
    %mul3A_9 = arith.mulf %add3A, %mul3A_8 : vector<16x20xf32>
    %slice3A_10 = vector.extract_strided_slice %get3A_2 {offsets = [0, 0, 1], sizes = [16, 20, 1], strides = [1, 1, 1]} : vector<16x20x4xf32> to vector<16x20x1xf32>
    %squeeze3A_11 = vector.shape_cast %slice3A_10 : vector<16x20x1xf32> to vector<16x20xf32>
    %slice3A_12 = vector.extract_strided_slice %get3A_2 {offsets = [0, 0, 3], sizes = [16, 20, 1], strides = [1, 1, 1]} : vector<16x20x4xf32> to vector<16x20x1xf32>
    %squeeze3A_13 = vector.shape_cast %slice3A_12 : vector<16x20x1xf32> to vector<16x20xf32>
    %add3A_14 = arith.addf %squeeze3A_11, %squeeze3A_13 : vector<16x20xf32>
    %mul3A_15 = arith.constant 5.000000e-01 : f32
    %mul3A_16 = vector.broadcast %mul3A_15 : f32 to vector<16x20xf32>
    %mul3A_17 = arith.mulf %add3A_14, %mul3A_16 : vector<16x20xf32>
    %slice3A_18 = vector.extract_strided_slice %get3A_2 {offsets = [0, 0, 2], sizes = [16, 20, 1], strides = [1, 1, 1]} : vector<16x20x4xf32> to vector<16x20x1xf32>
    %squeeze3A_19 = vector.shape_cast %slice3A_18 : vector<16x20x1xf32> to vector<16x20xf32>
    %slice3A_20 = vector.extract_strided_slice %get3A_2 {offsets = [0, 0, 0], sizes = [16, 20, 1], strides = [1, 1, 1]} : vector<16x20x4xf32> to vector<16x20x1xf32>
    %squeeze3A_21 = vector.shape_cast %slice3A_20 : vector<16x20x1xf32> to vector<16x20xf32>
    %sub3A = arith.subf %squeeze3A_19, %squeeze3A_21 : vector<16x20xf32>
    %slice3A_22 = vector.extract_strided_slice %get3A_2 {offsets = [0, 0, 3], sizes = [16, 20, 1], strides = [1, 1, 1]} : vector<16x20x4xf32> to vector<16x20x1xf32>
    %squeeze3A_23 = vector.shape_cast %slice3A_22 : vector<16x20x1xf32> to vector<16x20xf32>
    %slice3A_24 = vector.extract_strided_slice %get3A_2 {offsets = [0, 0, 1], sizes = [16, 20, 1], strides = [1, 1, 1]} : vector<16x20x4xf32> to vector<16x20x1xf32>
    %squeeze3A_25 = vector.shape_cast %slice3A_24 : vector<16x20x1xf32> to vector<16x20xf32>
    %sub3A_26 = arith.subf %squeeze3A_23, %squeeze3A_25 : vector<16x20xf32>
    %swap3A = arith.constant 0 : index
    %swap3A_27 = arith.constant 6 : index
    %swap3A_28 = arith.constant 0 : index
    %swap3A_29 = arith.constant 0 : index
    %swap3A_30 = vector.load %arg3[%swap3A, %swap3A_27, %swap3A_28, %swap3A_29] : memref<3x12x16x20xf32, #tpu.memory_space<vmem>>, vector<1x1x16x20xf32>
    %swap3A_31 = vector.shape_cast %swap3A_30 : vector<1x1x16x20xf32> to vector<16x20xf32>
    %swap3A_32 = vector.shape_cast %mul3A_9 : vector<16x20xf32> to vector<1x1x16x20xf32>
    tpu.vector_store %arg3[%swap3A, %swap3A_27, %swap3A_28, %swap3A_29], %swap3A_32 {strides = array<i32>} : memref<3x12x16x20xf32, #tpu.memory_space<vmem>>, vector<1x1x16x20xf32>,
    %swap3A_33 = arith.constant 0 : index
    %swap3A_34 = arith.constant 7 : index
    %swap3A_35 = arith.constant 0 : index
    %swap3A_36 = arith.constant 0 : index
    %swap3A_37 = vector.load %arg3[%swap3A_33, %swap3A_34, %swap3A_35, %swap3A_36] : memref<3x12x16x20xf32, #tpu.memory_space<vmem>>, vector<1x1x16x20xf32>
    %swap3A_38 = vector.shape_cast %swap3A_37 : vector<1x1x16x20xf32> to vector<16x20xf32>
    %swap3A_39 = vector.shape_cast %mul3A_17 : vector<16x20xf32> to vector<1x1x16x20xf32>
    tpu.vector_store %arg3[%swap3A_33, %swap3A_34, %swap3A_35, %swap3A_36], %swap3A_39 {strides = array<i32>} : memref<3x12x16x20xf32, #tpu.memory_space<vmem>>, vector<1x1x16x20xf32>,
    %swap3A_40 = arith.constant 0 : index
    %swap3A_41 = arith.constant 8 : index
    %swap3A_42 = arith.constant 0 : index
    %swap3A_43 = arith.constant 0 : index
    %swap3A_44 = vector.load %arg3[%swap3A_40, %swap3A_41, %swap3A_42, %swap3A_43] : memref<3x12x16x20xf32, #tpu.memory_space<vmem>>, vector<1x1x16x20xf32>
    %swap3A_45 = vector.shape_cast %swap3A_44 : vector<1x1x16x20xf32> to vector<16x20xf32>
    %swap3A_46 = vector.shape_cast %sub3A : vector<16x20xf32> to vector<1x1x16x20xf32>
    tpu.vector_store %arg3[%swap3A_40, %swap3A_41, %swap3A_42, %swap3A_43], %swap3A_46 {strides = array<i32>} : memref<3x12x16x20xf32, #tpu.memory_space<vmem>>, vector<1x1x16x20xf32>,
    %swap3A_47 = arith.constant 0 : index
    %swap3A_48 = arith.constant 9 : index
    %swap3A_49 = arith.constant 0 : index
    %swap3A_50 = arith.constant 0 : index
    %swap3A_51 = vector.load %arg3[%swap3A_47, %swap3A_48, %swap3A_49, %swap3A_50] : memref<3x12x16x20xf32, #tpu.memory_space<vmem>>, vector<1x1x16x20xf32>
    %swap3A_52 = vector.shape_cast %swap3A_51 : vector<1x1x16x20xf32> to vector<16x20xf32>
    %swap3A_53 = vector.shape_cast %sub3A_26 : vector<16x20xf32> to vector<1x1x16x20xf32>
    tpu.vector_store %arg3[%swap3A_47, %swap3A_48, %swap3A_49, %swap3A_50], %swap3A_53 {strides = array<i32>} : memref<3x12x16x20xf32, #tpu.memory_space<vmem>>, vector<1x1x16x20xf32>,
    %iota3A = tpu.iota {dimensions = array<i32: 0>} : vector<16x20xi32>
    %iota3A_54 = tpu.iota {dimensions = array<i32: 1>} : vector<16x20x20xi32>
    %iota3A_55 = tpu.iota {dimensions = array<i32: 2>} : vector<16x20x20xi32>
    %iota3A_56 = tpu.iota {dimensions = array<i32: 2>} : vector<16x20x96xi32>
    %broadcast_in_dim3A = vector.shape_cast %get3A_5 : vector<16x20xi32> to vector<16x20x1xi32>
    %broadcast_in_dim3A_57 = vector.shape_cast %get3A_5 : vector<16x20xi32> to vector<16x1x20xi32>
    %eq3A = vector.broadcast %broadcast_in_dim3A : vector<16x20x1xi32> to vector<16x20x20xi32>
    %eq3A_58 = vector.broadcast %broadcast_in_dim3A_57 : vector<16x1x20xi32> to vector<16x20x20xi32>
    %eq3A_59 = arith.cmpi eq, %eq3A, %eq3A_58 : vector<16x20x20xi32>
    %div3A = arith.constant 8.000000e+00 : f32
    %div3A_60 = vector.broadcast %div3A : f32 to vector<16x20xf32>
    %div3A_61 = arith.divf %mul3A_9, %div3A_60 : vector<16x20xf32>
    %div3A_62 = arith.constant 8.000000e+00 : f32
    %div3A_63 = vector.broadcast %div3A_62 : f32 to vector<16x20xf32>
    %div3A_64 = arith.divf %mul3A_17, %div3A_63 : vector<16x20xf32>
    %convert_element_type3A = arith.fptosi %div3A_64 : vector<16x20xf32> to vector<16x20xi32>
    %jit3A = arith.constant 0 : i32
    %jit3A_65 = arith.constant 79 : i32
    %max3A = vector.broadcast %jit3A : i32 to vector<16x20xi32>
    %max3A_66 = arith.maxsi %max3A, %convert_element_type3A : vector<16x20xi32>
    %min3A = vector.broadcast %jit3A_65 : i32 to vector<16x20xi32>
    %min3A_67 = arith.minsi %min3A, %max3A_66 : vector<16x20xi32>
    %convert_element_type3A_68 = arith.fptosi %div3A_61 : vector<16x20xf32> to vector<16x20xi32>
    %jit3A_69 = arith.constant 0 : i32
    %jit3A_70 = arith.constant 79 : i32
    %max3A_71 = vector.broadcast %jit3A_69 : i32 to vector<16x20xi32>
    %max3A_72 = arith.maxsi %max3A_71, %convert_element_type3A_68 : vector<16x20xi32>
    %min3A_73 = vector.broadcast %jit3A_70 : i32 to vector<16x20xi32>
    %min3A_74 = arith.minsi %min3A_73, %max3A_72 : vector<16x20xi32>
    %div3A_75 = arith.constant 8.000000e+01 : f32
    %div3A_76 = vector.broadcast %div3A_75 : f32 to vector<16x20xf32>
    %div3A_77 = arith.divf %sub3A, %div3A_76 : vector<16x20xf32>
    %div3A_78 = arith.constant 1.040000e+02 : f32
    %div3A_79 = vector.broadcast %div3A_78 : f32 to vector<16x20xf32>
    %div3A_80 = arith.divf %sub3A_26, %div3A_79 : vector<16x20xf32>
    %div3A_81 = arith.constant 1.000000e+00 : f32
    %div3A_82 = vector.broadcast %div3A_81 : f32 to vector<16x20xf32>
    %div3A_83 = arith.divf %div3A_82, %div3A_77 : vector<16x20xf32>
    %max3A_84 = arith.maximumf %div3A_77, %div3A_83 : vector<16x20xf32>
    %div3A_85 = arith.constant 1.000000e+00 : f32
    %div3A_86 = vector.broadcast %div3A_85 : f32 to vector<16x20xf32>
    %div3A_87 = arith.divf %div3A_86, %div3A_80 : vector<16x20xf32>
    %max3A_88 = arith.maximumf %div3A_80, %div3A_87 : vector<16x20xf32>
    %mul3A_89 = arith.mulf %max3A_84, %max3A_88 : vector<16x20xf32>
    %div3A_90 = arith.constant 1.000000e+00 : f32
    %div3A_91 = vector.broadcast %div3A_90 : f32 to vector<16x20xf32>
    %div3A_92 = arith.divf %div3A_91, %mul3A_89 : vector<16x20xf32>
    %div3A_93 = arith.constant 1.280000e+02 : f32
    %div3A_94 = vector.broadcast %div3A_93 : f32 to vector<16x20xf32>
    %div3A_95 = arith.divf %sub3A, %div3A_94 : vector<16x20xf32>
    %div3A_96 = arith.constant 2.400000e+02 : f32
    %div3A_97 = vector.broadcast %div3A_96 : f32 to vector<16x20xf32>
    %div3A_98 = arith.divf %sub3A_26, %div3A_97 : vector<16x20xf32>
    %div3A_99 = arith.constant 1.000000e+00 : f32
    %div3A_100 = vector.broadcast %div3A_99 : f32 to vector<16x20xf32>
    %div3A_101 = arith.divf %div3A_100, %div3A_95 : vector<16x20xf32>
    %max3A_102 = arith.maximumf %div3A_95, %div3A_101 : vector<16x20xf32>
    %div3A_103 = arith.constant 1.000000e+00 : f32
    %div3A_104 = vector.broadcast %div3A_103 : f32 to vector<16x20xf32>
    %div3A_105 = arith.divf %div3A_104, %div3A_98 : vector<16x20xf32>
    %max3A_106 = arith.maximumf %div3A_98, %div3A_105 : vector<16x20xf32>
    %mul3A_107 = arith.mulf %max3A_102, %max3A_106 : vector<16x20xf32>
    %div3A_108 = arith.constant 1.000000e+00 : f32
    %div3A_109 = vector.broadcast %div3A_108 : f32 to vector<16x20xf32>
    %div3A_110 = arith.divf %div3A_109, %mul3A_107 : vector<16x20xf32>
    %div3A_111 = arith.constant 2.640000e+02 : f32
    %div3A_112 = vector.broadcast %div3A_111 : f32 to vector<16x20xf32>
    %div3A_113 = arith.divf %sub3A, %div3A_112 : vector<16x20xf32>
    %div3A_114 = arith.constant 1.840000e+02 : f32
    %div3A_115 = vector.broadcast %div3A_114 : f32 to vector<16x20xf32>
    %div3A_116 = arith.divf %sub3A_26, %div3A_115 : vector<16x20xf32>
    %div3A_117 = arith.constant 1.000000e+00 : f32
    %div3A_118 = vector.broadcast %div3A_117 : f32 to vector<16x20xf32>
    %div3A_119 = arith.divf %div3A_118, %div3A_113 : vector<16x20xf32>
    %max3A_120 = arith.maximumf %div3A_113, %div3A_119 : vector<16x20xf32>
    %div3A_121 = arith.constant 1.000000e+00 : f32
    %div3A_122 = vector.broadcast %div3A_121 : f32 to vector<16x20xf32>
    %div3A_123 = arith.divf %div3A_122, %div3A_116 : vector<16x20xf32>
    %max3A_124 = arith.maximumf %div3A_116, %div3A_123 : vector<16x20xf32>
    %mul3A_125 = arith.mulf %max3A_120, %max3A_124 : vector<16x20xf32>
    %div3A_126 = arith.constant 1.000000e+00 : f32
    %div3A_127 = vector.broadcast %div3A_126 : f32 to vector<16x20xf32>
    %div3A_128 = arith.divf %div3A_127, %mul3A_125 : vector<16x20xf32>
    %gt3A = arith.cmpf ogt, %div3A_110, %div3A_92 : vector<16x20xf32>
    %gt3A_129 = arith.cmpf ogt, %div3A_128, %div3A_110 : vector<16x20xf32>
    %jit3A_130 = arith.constant 2 : i32
    %jit3A_131 = arith.constant 1 : i32
    %broadcast_in_dim3A_132 = vector.broadcast %jit3A_130 : i32 to vector<16x20xi32>
    %broadcast_in_dim3A_133 = vector.broadcast %jit3A_131 : i32 to vector<16x20xi32>
    %select_n3A = arith.select %gt3A_129, %broadcast_in_dim3A_132, %broadcast_in_dim3A_133 : vector<16x20xi1>, vector<16x20xi32>
    %gt3A_134 = arith.cmpf ogt, %div3A_128, %div3A_92 : vector<16x20xf32>
    %jit3A_135 = arith.constant 2 : i32
    %jit3A_136 = arith.constant 0 : i32
    %broadcast_in_dim3A_137 = vector.broadcast %jit3A_135 : i32 to vector<16x20xi32>
    %broadcast_in_dim3A_138 = vector.broadcast %jit3A_136 : i32 to vector<16x20xi32>
    %select_n3A_139 = arith.select %gt3A_134, %broadcast_in_dim3A_137, %broadcast_in_dim3A_138 : vector<16x20xi1>, vector<16x20xi32>
    %select_n3A_140 = arith.select %gt3A, %select_n3A, %select_n3A_139 : vector<16x20xi1>, vector<16x20xi32>
    %eq3A_141 = arith.constant 0 : i32
    %eq3A_142 = vector.broadcast %eq3A_141 : i32 to vector<16x20xi32>
    %eq3A_143 = arith.cmpi eq, %select_n3A_140, %eq3A_142 : vector<16x20xi32>
    %eq3A_144 = arith.constant 1 : i32
    %eq3A_145 = vector.broadcast %eq3A_144 : i32 to vector<16x20xi32>
    %eq3A_146 = arith.cmpi eq, %select_n3A_140, %eq3A_145 : vector<16x20xi32>
    %jit3A_147 = arith.constant 1.280000e+02 : f32
    %jit3A_148 = arith.constant 2.640000e+02 : f32
    %broadcast_in_dim3A_149 = vector.broadcast %jit3A_147 : f32 to vector<16x20xf32>
    %broadcast_in_dim3A_150 = vector.broadcast %jit3A_148 : f32 to vector<16x20xf32>
    %select_n3A_151 = arith.select %eq3A_146, %broadcast_in_dim3A_149, %broadcast_in_dim3A_150 : vector<16x20xi1>, vector<16x20xf32>
    %jit3A_152 = arith.constant 8.000000e+01 : f32
    %broadcast_in_dim3A_153 = vector.broadcast %jit3A_152 : f32 to vector<16x20xf32>
    %select_n3A_154 = arith.select %eq3A_143, %broadcast_in_dim3A_153, %select_n3A_151 : vector<16x20xi1>, vector<16x20xf32>
    %eq3A_155 = arith.constant 0 : i32
    %eq3A_156 = vector.broadcast %eq3A_155 : i32 to vector<16x20xi32>
    %eq3A_157 = arith.cmpi eq, %select_n3A_140, %eq3A_156 : vector<16x20xi32>
    %eq3A_158 = arith.constant 1 : i32
    %eq3A_159 = vector.broadcast %eq3A_158 : i32 to vector<16x20xi32>
    %eq3A_160 = arith.cmpi eq, %select_n3A_140, %eq3A_159 : vector<16x20xi32>
    %jit3A_161 = arith.constant 2.400000e+02 : f32
    %jit3A_162 = arith.constant 1.840000e+02 : f32
    %broadcast_in_dim3A_163 = vector.broadcast %jit3A_161 : f32 to vector<16x20xf32>
    %broadcast_in_dim3A_164 = vector.broadcast %jit3A_162 : f32 to vector<16x20xf32>
    %select_n3A_165 = arith.select %eq3A_160, %broadcast_in_dim3A_163, %broadcast_in_dim3A_164 : vector<16x20xi1>, vector<16x20xf32>
    %jit3A_166 = arith.constant 1.040000e+02 : f32
    %broadcast_in_dim3A_167 = vector.broadcast %jit3A_166 : f32 to vector<16x20xf32>
    %select_n3A_168 = arith.select %eq3A_157, %broadcast_in_dim3A_167, %select_n3A_165 : vector<16x20xi1>, vector<16x20xf32>
    %mul3A_169 = arith.constant 80 : i32
    %mul3A_170 = vector.broadcast %mul3A_169 : i32 to vector<16x20xi32>
    %mul3A_171 = arith.muli %select_n3A_140, %mul3A_170 : vector<16x20xi32>
    %add3A_172 = arith.addi %mul3A_171, %min3A_67 : vector<16x20xi32>
    %mul3A_173 = arith.constant 80 : i32
    %mul3A_174 = vector.broadcast %mul3A_173 : i32 to vector<16x20xi32>
    %mul3A_175 = arith.muli %add3A_172, %mul3A_174 : vector<16x20xi32>
    %add3A_176 = arith.addi %mul3A_175, %min3A_74 : vector<16x20xi32>
    %broadcast_in_dim3A_177 = vector.shape_cast %add3A_176 : vector<16x20xi32> to vector<16x20x1xi32>
    %broadcast_in_dim3A_178 = vector.shape_cast %add3A_176 : vector<16x20xi32> to vector<16x1x20xi32>
    %eq3A_179 = vector.broadcast %broadcast_in_dim3A_177 : vector<16x20x1xi32> to vector<16x20x20xi32>
    %eq3A_180 = vector.broadcast %broadcast_in_dim3A_178 : vector<16x1x20xi32> to vector<16x20x20xi32>
    %eq3A_181 = arith.cmpi eq, %eq3A_179, %eq3A_180 : vector<16x20x20xi32>
    %gt3A_182 = arith.cmpi sgt, %iota3A_55, %iota3A_54 : vector<16x20x20xi32>
    %and3A = arith.andi %eq3A_181, %gt3A_182 : vector<16x20x20xi1>
    %reduce_or3A = arith.constant 1.000000e+00 : f32
    %reduce_or3A_183 = arith.constant 0.000000e+00 : f32
    %reduce_or3A_184 = vector.broadcast %reduce_or3A : f32 to vector<16x20x20xf32>
    %reduce_or3A_185 = vector.broadcast %reduce_or3A_183 : f32 to vector<16x20x20xf32>
    %reduce_or3A_186 = arith.select %and3A, %reduce_or3A_184, %reduce_or3A_185 : vector<16x20x20xi1>, vector<16x20x20xf32>
    %reduce_or3A_187 = arith.constant dense<0xFF800000> : vector<16x20xf32>
    %reduce_or3A_188 = vector.multi_reduction <maximumf>, %reduce_or3A_186, %reduce_or3A_187 [2] : vector<16x20x20xf32> to vector<16x20xf32>
    %reduce_or3A_189 = arith.constant 0.000000e+00 : f32
    %reduce_or3A_190 = vector.broadcast %reduce_or3A_189 : f32 to vector<16x20xf32>
    %reduce_or3A_191 = arith.cmpf ogt, %reduce_or3A_188, %reduce_or3A_190 : vector<16x20xf32>
    %not3A = arith.constant dense<true> : vector<16x20xi1>
    %not3A_192 = arith.xori %reduce_or3A_191, %not3A : vector<16x20xi1>
    %and3A_193 = arith.andi %eq3A_181, %eq3A_59 : vector<16x20x20xi1>
    %lt3A = arith.cmpi slt, %iota3A_55, %iota3A_54 : vector<16x20x20xi32>
    %and3A_194 = arith.andi %and3A_193, %lt3A : vector<16x20x20xi1>
    %reduce_or3A_195 = arith.constant 1.000000e+00 : f32
    %reduce_or3A_196 = arith.constant 0.000000e+00 : f32
    %reduce_or3A_197 = vector.broadcast %reduce_or3A_195 : f32 to vector<16x20x20xf32>
    %reduce_or3A_198 = vector.broadcast %reduce_or3A_196 : f32 to vector<16x20x20xf32>
    %reduce_or3A_199 = arith.select %and3A_194, %reduce_or3A_197, %reduce_or3A_198 : vector<16x20x20xi1>, vector<16x20x20xf32>
    %reduce_or3A_200 = arith.constant dense<0xFF800000> : vector<16x20xf32>
    %reduce_or3A_201 = vector.multi_reduction <maximumf>, %reduce_or3A_199, %reduce_or3A_200 [2] : vector<16x20x20xf32> to vector<16x20xf32>
    %reduce_or3A_202 = arith.constant 0.000000e+00 : f32
    %reduce_or3A_203 = vector.broadcast %reduce_or3A_202 : f32 to vector<16x20xf32>
    %reduce_or3A_204 = arith.cmpf ogt, %reduce_or3A_201, %reduce_or3A_203 : vector<16x20xf32>
    %not3A_205 = arith.constant dense<true> : vector<16x20xi1>
    %not3A_206 = arith.xori %reduce_or3A_204, %not3A_205 : vector<16x20xi1>
    %mul3A_207 = arith.constant 255 : i32
    %mul3A_208 = vector.broadcast %mul3A_207 : i32 to vector<16x20xi32>
    %mul3A_209 = arith.muli %iota3A, %mul3A_208 : vector<16x20xi32>
    %mul3A_210 = arith.constant 85 : i32
    %mul3A_211 = vector.broadcast %mul3A_210 : i32 to vector<16x20xi32>
    %mul3A_212 = arith.muli %select_n3A_140, %mul3A_211 : vector<16x20xi32>
    %add3A_213 = arith.addi %mul3A_209, %mul3A_212 : vector<16x20xi32>
    %mul3A_214 = arith.constant 80 : i32
    %mul3A_215 = vector.broadcast %mul3A_214 : i32 to vector<16x20xi32>
    %mul3A_216 = arith.muli %add3A_213, %mul3A_215 : vector<16x20xi32>
    %add3A_217 = arith.addi %mul3A_216, %min3A_67 : vector<16x20xi32>
    %mul3A_218 = arith.constant 80 : i32
    %mul3A_219 = vector.broadcast %mul3A_218 : i32 to vector<16x20xi32>
    %mul3A_220 = arith.muli %add3A_217, %mul3A_219 : vector<16x20xi32>
    %add3A_221 = arith.addi %mul3A_220, %min3A_74 : vector<16x20xi32>
    %eq3A_222 = arith.constant 85 : i32
    %eq3A_223 = vector.broadcast %eq3A_222 : i32 to vector<16x20x96xi32>
    %eq3A_224 = arith.cmpi eq, %iota3A_56, %eq3A_223 : vector<16x20x96xi32>
    %broadcast_in_dim3A_225 = vector.shape_cast %get3A_5 : vector<16x20xi32> to vector<16x20x1xi32>
    %add3A_226 = arith.constant 5 : i32
    %add3A_227 = vector.broadcast %add3A_226 : i32 to vector<16x20x1xi32>
    %add3A_228 = arith.addi %add3A_227, %broadcast_in_dim3A_225 : vector<16x20x1xi32>
    %min3A_229 = arith.constant 84 : i32
    %min3A_230 = vector.broadcast %min3A_229 : i32 to vector<16x20x96xi32>
    %min3A_231 = arith.minsi %iota3A_56, %min3A_230 : vector<16x20x96xi32>
    %broadcast_in_dim3A_232 = vector.shape_cast %add3A_228 : vector<16x20x1xi32> to vector<16x20x1xi32>
    %broadcast_in_dim3A_233 = vector.broadcast %broadcast_in_dim3A_232 : vector<16x20x1xi32> to vector<16x20x96xi32>
    %select_n3A_234 = arith.select %eq3A_224, %broadcast_in_dim3A_233, %min3A_231 : vector<16x20x96xi1>, vector<16x20x96xi32>
    %broadcast_in_dim3A_235 = vector.shape_cast %add3A_221 : vector<16x20xi32> to vector<16x20x1xi32>
    %mul3A_236 = arith.constant 6400 : i32
    %mul3A_237 = vector.broadcast %mul3A_236 : i32 to vector<16x20x96xi32>
    %mul3A_238 = arith.muli %select_n3A_234, %mul3A_237 : vector<16x20x96xi32>
    %add3A_239 = vector.broadcast %broadcast_in_dim3A_235 : vector<16x20x1xi32> to vector<16x20x96xi32>
    %add3A_240 = arith.addi %add3A_239, %mul3A_238 : vector<16x20x96xi32>
    %swap3A_241 = arith.constant 0 : index
    %swap3A_242 = arith.constant 0 : index
    %swap3A_243 = arith.constant 0 : index
    %swap3A_244 = arith.constant 0 : index
    %swap3A_245 = vector.load %arg2[%swap3A_241, %swap3A_242, %swap3A_243, %swap3A_244] : memref<3x16x20x96xi32, #tpu.memory_space<vmem>>, vector<1x16x20x96xi32>
    %swap3A_246 = vector.shape_cast %swap3A_245 : vector<1x16x20x96xi32> to vector<16x20x96xi32>
    %swap3A_247 = vector.shape_cast %add3A_240 : vector<16x20x96xi32> to vector<1x16x20x96xi32>
    tpu.vector_store %arg2[%swap3A_241, %swap3A_242, %swap3A_243, %swap3A_244], %swap3A_247 {strides = array<i32>} : memref<3x16x20x96xi32, #tpu.memory_space<vmem>>, vector<1x16x20x96xi32>,
    %convert_element_type3A_248 = arith.extui %not3A_192 : vector<16x20xi1> to vector<16x20xi32>
    %convert_element_type3A_249 = arith.sitofp %convert_element_type3A_248 : vector<16x20xi32> to vector<16x20xf32>
    %swap3A_250 = arith.constant 0 : index
    %swap3A_251 = arith.constant 0 : index
    %swap3A_252 = arith.constant 0 : index
    %swap3A_253 = arith.constant 0 : index
    %swap3A_254 = vector.load %arg3[%swap3A_250, %swap3A_251, %swap3A_252, %swap3A_253] : memref<3x12x16x20xf32, #tpu.memory_space<vmem>>, vector<1x1x16x20xf32>
    %swap3A_255 = vector.shape_cast %swap3A_254 : vector<1x1x16x20xf32> to vector<16x20xf32>
    %swap3A_256 = vector.shape_cast %convert_element_type3A_249 : vector<16x20xf32> to vector<1x1x16x20xf32>
    tpu.vector_store %arg3[%swap3A_250, %swap3A_251, %swap3A_252, %swap3A_253], %swap3A_256 {strides = array<i32>} : memref<3x12x16x20xf32, #tpu.memory_space<vmem>>, vector<1x1x16x20xf32>,
    %convert_element_type3A_257 = arith.extui %not3A_206 : vector<16x20xi1> to vector<16x20xi32>
    %convert_element_type3A_258 = arith.sitofp %convert_element_type3A_257 : vector<16x20xi32> to vector<16x20xf32>
    %swap3A_259 = arith.constant 0 : index
    %swap3A_260 = arith.constant 1 : index
    %swap3A_261 = arith.constant 0 : index
    %swap3A_262 = arith.constant 0 : index
    %swap3A_263 = vector.load %arg3[%swap3A_259, %swap3A_260, %swap3A_261, %swap3A_262] : memref<3x12x16x20xf32, #tpu.memory_space<vmem>>, vector<1x1x16x20xf32>
    %swap3A_264 = vector.shape_cast %swap3A_263 : vector<1x1x16x20xf32> to vector<16x20xf32>
    %swap3A_265 = vector.shape_cast %convert_element_type3A_258 : vector<16x20xf32> to vector<1x1x16x20xf32>
    tpu.vector_store %arg3[%swap3A_259, %swap3A_260, %swap3A_261, %swap3A_262], %swap3A_265 {strides = array<i32>} : memref<3x12x16x20xf32, #tpu.memory_space<vmem>>, vector<1x1x16x20xf32>,
    %convert_element_type3A_266 = arith.sitofp %min3A_67 : vector<16x20xi32> to vector<16x20xf32>
    %swap3A_267 = arith.constant 0 : index
    %swap3A_268 = arith.constant 2 : index
    %swap3A_269 = arith.constant 0 : index
    %swap3A_270 = arith.constant 0 : index
    %swap3A_271 = vector.load %arg3[%swap3A_267, %swap3A_268, %swap3A_269, %swap3A_270] : memref<3x12x16x20xf32, #tpu.memory_space<vmem>>, vector<1x1x16x20xf32>
    %swap3A_272 = vector.shape_cast %swap3A_271 : vector<1x1x16x20xf32> to vector<16x20xf32>
    %swap3A_273 = vector.shape_cast %convert_element_type3A_266 : vector<16x20xf32> to vector<1x1x16x20xf32>
    tpu.vector_store %arg3[%swap3A_267, %swap3A_268, %swap3A_269, %swap3A_270], %swap3A_273 {strides = array<i32>} : memref<3x12x16x20xf32, #tpu.memory_space<vmem>>, vector<1x1x16x20xf32>,
    %convert_element_type3A_274 = arith.sitofp %min3A_74 : vector<16x20xi32> to vector<16x20xf32>
    %swap3A_275 = arith.constant 0 : index
    %swap3A_276 = arith.constant 3 : index
    %swap3A_277 = arith.constant 0 : index
    %swap3A_278 = arith.constant 0 : index
    %swap3A_279 = vector.load %arg3[%swap3A_275, %swap3A_276, %swap3A_277, %swap3A_278] : memref<3x12x16x20xf32, #tpu.memory_space<vmem>>, vector<1x1x16x20xf32>
    %swap3A_280 = vector.shape_cast %swap3A_279 : vector<1x1x16x20xf32> to vector<16x20xf32>
    %swap3A_281 = vector.shape_cast %convert_element_type3A_274 : vector<16x20xf32> to vector<1x1x16x20xf32>
    tpu.vector_store %arg3[%swap3A_275, %swap3A_276, %swap3A_277, %swap3A_278], %swap3A_281 {strides = array<i32>} : memref<3x12x16x20xf32, #tpu.memory_space<vmem>>, vector<1x1x16x20xf32>,
    %swap3A_282 = arith.constant 0 : index
    %swap3A_283 = arith.constant 4 : index
    %swap3A_284 = arith.constant 0 : index
    %swap3A_285 = arith.constant 0 : index
    %swap3A_286 = vector.load %arg3[%swap3A_282, %swap3A_283, %swap3A_284, %swap3A_285] : memref<3x12x16x20xf32, #tpu.memory_space<vmem>>, vector<1x1x16x20xf32>
    %swap3A_287 = vector.shape_cast %swap3A_286 : vector<1x1x16x20xf32> to vector<16x20xf32>
    %swap3A_288 = vector.shape_cast %select_n3A_154 : vector<16x20xf32> to vector<1x1x16x20xf32>
    tpu.vector_store %arg3[%swap3A_282, %swap3A_283, %swap3A_284, %swap3A_285], %swap3A_288 {strides = array<i32>} : memref<3x12x16x20xf32, #tpu.memory_space<vmem>>, vector<1x1x16x20xf32>,
    %swap3A_289 = arith.constant 0 : index
    %swap3A_290 = arith.constant 5 : index
    %swap3A_291 = arith.constant 0 : index
    %swap3A_292 = arith.constant 0 : index
    %swap3A_293 = vector.load %arg3[%swap3A_289, %swap3A_290, %swap3A_291, %swap3A_292] : memref<3x12x16x20xf32, #tpu.memory_space<vmem>>, vector<1x1x16x20xf32>
    %swap3A_294 = vector.shape_cast %swap3A_293 : vector<1x1x16x20xf32> to vector<16x20xf32>
    %swap3A_295 = vector.shape_cast %select_n3A_168 : vector<16x20xf32> to vector<1x1x16x20xf32>
    tpu.vector_store %arg3[%swap3A_289, %swap3A_290, %swap3A_291, %swap3A_292], %swap3A_295 {strides = array<i32>} : memref<3x12x16x20xf32, #tpu.memory_space<vmem>>, vector<1x1x16x20xf32>,
    %div3A_296 = arith.constant 1.600000e+01 : f32
    %div3A_297 = vector.broadcast %div3A_296 : f32 to vector<16x20xf32>
    %div3A_298 = arith.divf %mul3A_9, %div3A_297 : vector<16x20xf32>
    %div3A_299 = arith.constant 1.600000e+01 : f32
    %div3A_300 = vector.broadcast %div3A_299 : f32 to vector<16x20xf32>
    %div3A_301 = arith.divf %mul3A_17, %div3A_300 : vector<16x20xf32>
    %convert_element_type3A_302 = arith.fptosi %div3A_301 : vector<16x20xf32> to vector<16x20xi32>
    %jit3A_303 = arith.constant 0 : i32
    %jit3A_304 = arith.constant 39 : i32
    %max3A_305 = vector.broadcast %jit3A_303 : i32 to vector<16x20xi32>
    %max3A_306 = arith.maxsi %max3A_305, %convert_element_type3A_302 : vector<16x20xi32>
    %min3A_307 = vector.broadcast %jit3A_304 : i32 to vector<16x20xi32>
    %min3A_308 = arith.minsi %min3A_307, %max3A_306 : vector<16x20xi32>
    %convert_element_type3A_309 = arith.fptosi %div3A_298 : vector<16x20xf32> to vector<16x20xi32>
    %jit3A_310 = arith.constant 0 : i32
    %jit3A_311 = arith.constant 39 : i32
    %max3A_312 = vector.broadcast %jit3A_310 : i32 to vector<16x20xi32>
    %max3A_313 = arith.maxsi %max3A_312, %convert_element_type3A_309 : vector<16x20xi32>
    %min3A_314 = vector.broadcast %jit3A_311 : i32 to vector<16x20xi32>
    %min3A_315 = arith.minsi %min3A_314, %max3A_313 : vector<16x20xi32>
    %div3A_316 = arith.constant 4.800000e+02 : f32
    %div3A_317 = vector.broadcast %div3A_316 : f32 to vector<16x20xf32>
    %div3A_318 = arith.divf %sub3A, %div3A_317 : vector<16x20xf32>
    %div3A_319 = arith.constant 9.760000e+02 : f32
    %div3A_320 = vector.broadcast %div3A_319 : f32 to vector<16x20xf32>
    %div3A_321 = arith.divf %sub3A_26, %div3A_320 : vector<16x20xf32>
    %div3A_322 = arith.constant 1.000000e+00 : f32
    %div3A_323 = vector.broadcast %div3A_322 : f32 to vector<16x20xf32>
    %div3A_324 = arith.divf %div3A_323, %div3A_318 : vector<16x20xf32>
    %max3A_325 = arith.maximumf %div3A_318, %div3A_324 : vector<16x20xf32>
    %div3A_326 = arith.constant 1.000000e+00 : f32
    %div3A_327 = vector.broadcast %div3A_326 : f32 to vector<16x20xf32>
    %div3A_328 = arith.divf %div3A_327, %div3A_321 : vector<16x20xf32>
    %max3A_329 = arith.maximumf %div3A_321, %div3A_328 : vector<16x20xf32>
    %mul3A_330 = arith.mulf %max3A_325, %max3A_329 : vector<16x20xf32>
    %div3A_331 = arith.constant 1.000000e+00 : f32
    %div3A_332 = vector.broadcast %div3A_331 : f32 to vector<16x20xf32>
    %div3A_333 = arith.divf %div3A_332, %mul3A_330 : vector<16x20xf32>
    %div3A_334 = arith.constant 9.920000e+02 : f32
    %div3A_335 = vector.broadcast %div3A_334 : f32 to vector<16x20xf32>
    %div3A_336 = arith.divf %sub3A, %div3A_335 : vector<16x20xf32>
    %div3A_337 = arith.constant 7.200000e+02 : f32
    %div3A_338 = vector.broadcast %div3A_337 : f32 to vector<16x20xf32>
    %div3A_339 = arith.divf %sub3A_26, %div3A_338 : vector<16x20xf32>
    %div3A_340 = arith.constant 1.000000e+00 : f32
    %div3A_341 = vector.broadcast %div3A_340 : f32 to vector<16x20xf32>
    %div3A_342 = arith.divf %div3A_341, %div3A_336 : vector<16x20xf32>
    %max3A_343 = arith.maximumf %div3A_336, %div3A_342 : vector<16x20xf32>
    %div3A_344 = arith.constant 1.000000e+00 : f32
    %div3A_345 = vector.broadcast %div3A_344 : f32 to vector<16x20xf32>
    %div3A_346 = arith.divf %div3A_345, %div3A_339 : vector<16x20xf32>
    %max3A_347 = arith.maximumf %div3A_339, %div3A_346 : vector<16x20xf32>
    %mul3A_348 = arith.mulf %max3A_343, %max3A_347 : vector<16x20xf32>
    %div3A_349 = arith.constant 1.000000e+00 : f32
    %div3A_350 = vector.broadcast %div3A_349 : f32 to vector<16x20xf32>
    %div3A_351 = arith.divf %div3A_350, %mul3A_348 : vector<16x20xf32>
    %div3A_352 = arith.constant 9.440000e+02 : f32
    %div3A_353 = vector.broadcast %div3A_352 : f32 to vector<16x20xf32>
    %div3A_354 = arith.divf %sub3A, %div3A_353 : vector<16x20xf32>
    %div3A_355 = arith.constant 1.904000e+03 : f32
    %div3A_356 = vector.broadcast %div3A_355 : f32 to vector<16x20xf32>
    %div3A_357 = arith.divf %sub3A_26, %div3A_356 : vector<16x20xf32>
    %div3A_358 = arith.constant 1.000000e+00 : f32
    %div3A_359 = vector.broadcast %div3A_358 : f32 to vector<16x20xf32>
    %div3A_360 = arith.divf %div3A_359, %div3A_354 : vector<16x20xf32>
    %max3A_361 = arith.maximumf %div3A_354, %div3A_360 : vector<16x20xf32>
    %div3A_362 = arith.constant 1.000000e+00 : f32
    %div3A_363 = vector.broadcast %div3A_362 : f32 to vector<16x20xf32>
    %div3A_364 = arith.divf %div3A_363, %div3A_357 : vector<16x20xf32>
    %max3A_365 = arith.maximumf %div3A_357, %div3A_364 : vector<16x20xf32>
    %mul3A_366 = arith.mulf %max3A_361, %max3A_365 : vector<16x20xf32>
    %div3A_367 = arith.constant 1.000000e+00 : f32
    %div3A_368 = vector.broadcast %div3A_367 : f32 to vector<16x20xf32>
    %div3A_369 = arith.divf %div3A_368, %mul3A_366 : vector<16x20xf32>
    %gt3A_370 = arith.cmpf ogt, %div3A_351, %div3A_333 : vector<16x20xf32>
    %gt3A_371 = arith.cmpf ogt, %div3A_369, %div3A_351 : vector<16x20xf32>
    %jit3A_372 = arith.constant 2 : i32
    %jit3A_373 = arith.constant 1 : i32
    %broadcast_in_dim3A_374 = vector.broadcast %jit3A_372 : i32 to vector<16x20xi32>
    %broadcast_in_dim3A_375 = vector.broadcast %jit3A_373 : i32 to vector<16x20xi32>
    %select_n3A_376 = arith.select %gt3A_371, %broadcast_in_dim3A_374, %broadcast_in_dim3A_375 : vector<16x20xi1>, vector<16x20xi32>
    %gt3A_377 = arith.cmpf ogt, %div3A_369, %div3A_333 : vector<16x20xf32>
    %jit3A_378 = arith.constant 2 : i32
    %jit3A_379 = arith.constant 0 : i32
    %broadcast_in_dim3A_380 = vector.broadcast %jit3A_378 : i32 to vector<16x20xi32>
    %broadcast_in_dim3A_381 = vector.broadcast %jit3A_379 : i32 to vector<16x20xi32>
    %select_n3A_382 = arith.select %gt3A_377, %broadcast_in_dim3A_380, %broadcast_in_dim3A_381 : vector<16x20xi1>, vector<16x20xi32>
    %select_n3A_383 = arith.select %gt3A_370, %select_n3A_376, %select_n3A_382 : vector<16x20xi1>, vector<16x20xi32>
    %eq3A_384 = arith.constant 0 : i32
    %eq3A_385 = vector.broadcast %eq3A_384 : i32 to vector<16x20xi32>
    %eq3A_386 = arith.cmpi eq, %select_n3A_383, %eq3A_385 : vector<16x20xi32>
    %eq3A_387 = arith.constant 1 : i32
    %eq3A_388 = vector.broadcast %eq3A_387 : i32 to vector<16x20xi32>
    %eq3A_389 = arith.cmpi eq, %select_n3A_383, %eq3A_388 : vector<16x20xi32>
    %jit3A_390 = arith.constant 9.920000e+02 : f32
    %jit3A_391 = arith.constant 9.440000e+02 : f32
    %broadcast_in_dim3A_392 = vector.broadcast %jit3A_390 : f32 to vector<16x20xf32>
    %broadcast_in_dim3A_393 = vector.broadcast %jit3A_391 : f32 to vector<16x20xf32>
    %select_n3A_394 = arith.select %eq3A_389, %broadcast_in_dim3A_392, %broadcast_in_dim3A_393 : vector<16x20xi1>, vector<16x20xf32>
    %jit3A_395 = arith.constant 4.800000e+02 : f32
    %broadcast_in_dim3A_396 = vector.broadcast %jit3A_395 : f32 to vector<16x20xf32>
    %select_n3A_397 = arith.select %eq3A_386, %broadcast_in_dim3A_396, %select_n3A_394 : vector<16x20xi1>, vector<16x20xf32>
    %eq3A_398 = arith.constant 0 : i32
    %eq3A_399 = vector.broadcast %eq3A_398 : i32 to vector<16x20xi32>
    %eq3A_400 = arith.cmpi eq, %select_n3A_383, %eq3A_399 : vector<16x20xi32>
    %eq3A_401 = arith.constant 1 : i32
    %eq3A_402 = vector.broadcast %eq3A_401 : i32 to vector<16x20xi32>
    %eq3A_403 = arith.cmpi eq, %select_n3A_383, %eq3A_402 : vector<16x20xi32>
    %jit3A_404 = arith.constant 7.200000e+02 : f32
    %jit3A_405 = arith.constant 1.904000e+03 : f32
    %broadcast_in_dim3A_406 = vector.broadcast %jit3A_404 : f32 to vector<16x20xf32>
    %broadcast_in_dim3A_407 = vector.broadcast %jit3A_405 : f32 to vector<16x20xf32>
    %select_n3A_408 = arith.select %eq3A_403, %broadcast_in_dim3A_406, %broadcast_in_dim3A_407 : vector<16x20xi1>, vector<16x20xf32>
    %jit3A_409 = arith.constant 9.760000e+02 : f32
    %broadcast_in_dim3A_410 = vector.broadcast %jit3A_409 : f32 to vector<16x20xf32>
    %select_n3A_411 = arith.select %eq3A_400, %broadcast_in_dim3A_410, %select_n3A_408 : vector<16x20xi1>, vector<16x20xf32>
    %mul3A_412 = arith.constant 40 : i32
    %mul3A_413 = vector.broadcast %mul3A_412 : i32 to vector<16x20xi32>
    %mul3A_414 = arith.muli %select_n3A_383, %mul3A_413 : vector<16x20xi32>
    %add3A_415 = arith.addi %mul3A_414, %min3A_308 : vector<16x20xi32>
    %mul3A_416 = arith.constant 40 : i32
    %mul3A_417 = vector.broadcast %mul3A_416 : i32 to vector<16x20xi32>
    %mul3A_418 = arith.muli %add3A_415, %mul3A_417 : vector<16x20xi32>
    %add3A_419 = arith.addi %mul3A_418, %min3A_315 : vector<16x20xi32>
    %broadcast_in_dim3A_420 = vector.shape_cast %add3A_419 : vector<16x20xi32> to vector<16x20x1xi32>
    %broadcast_in_dim3A_421 = vector.shape_cast %add3A_419 : vector<16x20xi32> to vector<16x1x20xi32>
    %eq3A_422 = vector.broadcast %broadcast_in_dim3A_420 : vector<16x20x1xi32> to vector<16x20x20xi32>
    %eq3A_423 = vector.broadcast %broadcast_in_dim3A_421 : vector<16x1x20xi32> to vector<16x20x20xi32>
    %eq3A_424 = arith.cmpi eq, %eq3A_422, %eq3A_423 : vector<16x20x20xi32>
    %gt3A_425 = arith.cmpi sgt, %iota3A_55, %iota3A_54 : vector<16x20x20xi32>
    %and3A_426 = arith.andi %eq3A_424, %gt3A_425 : vector<16x20x20xi1>
    %reduce_or3A_427 = arith.constant 1.000000e+00 : f32
    %reduce_or3A_428 = arith.constant 0.000000e+00 : f32
    %reduce_or3A_429 = vector.broadcast %reduce_or3A_427 : f32 to vector<16x20x20xf32>
    %reduce_or3A_430 = vector.broadcast %reduce_or3A_428 : f32 to vector<16x20x20xf32>
    %reduce_or3A_431 = arith.select %and3A_426, %reduce_or3A_429, %reduce_or3A_430 : vector<16x20x20xi1>, vector<16x20x20xf32>
    %reduce_or3A_432 = arith.constant dense<0xFF800000> : vector<16x20xf32>
    %reduce_or3A_433 = vector.multi_reduction <maximumf>, %reduce_or3A_431, %reduce_or3A_432 [2] : vector<16x20x20xf32> to vector<16x20xf32>
    %reduce_or3A_434 = arith.constant 0.000000e+00 : f32
    %reduce_or3A_435 = vector.broadcast %reduce_or3A_434 : f32 to vector<16x20xf32>
    %reduce_or3A_436 = arith.cmpf ogt, %reduce_or3A_433, %reduce_or3A_435 : vector<16x20xf32>
    %not3A_437 = arith.constant dense<true> : vector<16x20xi1>
    %not3A_438 = arith.xori %reduce_or3A_436, %not3A_437 : vector<16x20xi1>
    %and3A_439 = arith.andi %eq3A_424, %eq3A_59 : vector<16x20x20xi1>
    %lt3A_440 = arith.cmpi slt, %iota3A_55, %iota3A_54 : vector<16x20x20xi32>
    %and3A_441 = arith.andi %and3A_439, %lt3A_440 : vector<16x20x20xi1>
    %reduce_or3A_442 = arith.constant 1.000000e+00 : f32
    %reduce_or3A_443 = arith.constant 0.000000e+00 : f32
    %reduce_or3A_444 = vector.broadcast %reduce_or3A_442 : f32 to vector<16x20x20xf32>
    %reduce_or3A_445 = vector.broadcast %reduce_or3A_443 : f32 to vector<16x20x20xf32>
    %reduce_or3A_446 = arith.select %and3A_441, %reduce_or3A_444, %reduce_or3A_445 : vector<16x20x20xi1>, vector<16x20x20xf32>
    %reduce_or3A_447 = arith.constant dense<0xFF800000> : vector<16x20xf32>
    %reduce_or3A_448 = vector.multi_reduction <maximumf>, %reduce_or3A_446, %reduce_or3A_447 [2] : vector<16x20x20xf32> to vector<16x20xf32>
    %reduce_or3A_449 = arith.constant 0.000000e+00 : f32
    %reduce_or3A_450 = vector.broadcast %reduce_or3A_449 : f32 to vector<16x20xf32>
    %reduce_or3A_451 = arith.cmpf ogt, %reduce_or3A_448, %reduce_or3A_450 : vector<16x20xf32>
    %not3A_452 = arith.constant dense<true> : vector<16x20xi1>
    %not3A_453 = arith.xori %reduce_or3A_451, %not3A_452 : vector<16x20xi1>
    %mul3A_454 = arith.constant 255 : i32
    %mul3A_455 = vector.broadcast %mul3A_454 : i32 to vector<16x20xi32>
    %mul3A_456 = arith.muli %iota3A, %mul3A_455 : vector<16x20xi32>
    %mul3A_457 = arith.constant 85 : i32
    %mul3A_458 = vector.broadcast %mul3A_457 : i32 to vector<16x20xi32>
    %mul3A_459 = arith.muli %select_n3A_383, %mul3A_458 : vector<16x20xi32>
    %add3A_460 = arith.addi %mul3A_456, %mul3A_459 : vector<16x20xi32>
    %mul3A_461 = arith.constant 40 : i32
    %mul3A_462 = vector.broadcast %mul3A_461 : i32 to vector<16x20xi32>
    %mul3A_463 = arith.muli %add3A_460, %mul3A_462 : vector<16x20xi32>
    %add3A_464 = arith.addi %mul3A_463, %min3A_308 : vector<16x20xi32>
    %mul3A_465 = arith.constant 40 : i32
    %mul3A_466 = vector.broadcast %mul3A_465 : i32 to vector<16x20xi32>
    %mul3A_467 = arith.muli %add3A_464, %mul3A_466 : vector<16x20xi32>
    %add3A_468 = arith.addi %mul3A_467, %min3A_315 : vector<16x20xi32>
    %eq3A_469 = arith.constant 85 : i32
    %eq3A_470 = vector.broadcast %eq3A_469 : i32 to vector<16x20x96xi32>
    %eq3A_471 = arith.cmpi eq, %iota3A_56, %eq3A_470 : vector<16x20x96xi32>
    %broadcast_in_dim3A_472 = vector.shape_cast %get3A_5 : vector<16x20xi32> to vector<16x20x1xi32>
    %add3A_473 = arith.constant 5 : i32
    %add3A_474 = vector.broadcast %add3A_473 : i32 to vector<16x20x1xi32>
    %add3A_475 = arith.addi %add3A_474, %broadcast_in_dim3A_472 : vector<16x20x1xi32>
    %min3A_476 = arith.constant 84 : i32
    %min3A_477 = vector.broadcast %min3A_476 : i32 to vector<16x20x96xi32>
    %min3A_478 = arith.minsi %iota3A_56, %min3A_477 : vector<16x20x96xi32>
    %broadcast_in_dim3A_479 = vector.shape_cast %add3A_475 : vector<16x20x1xi32> to vector<16x20x1xi32>
    %broadcast_in_dim3A_480 = vector.broadcast %broadcast_in_dim3A_479 : vector<16x20x1xi32> to vector<16x20x96xi32>
    %select_n3A_481 = arith.select %eq3A_471, %broadcast_in_dim3A_480, %min3A_478 : vector<16x20x96xi1>, vector<16x20x96xi32>
    %broadcast_in_dim3A_482 = vector.shape_cast %add3A_468 : vector<16x20xi32> to vector<16x20x1xi32>
    %mul3A_483 = arith.constant 1600 : i32
    %mul3A_484 = vector.broadcast %mul3A_483 : i32 to vector<16x20x96xi32>
    %mul3A_485 = arith.muli %select_n3A_481, %mul3A_484 : vector<16x20x96xi32>
    %add3A_486 = vector.broadcast %broadcast_in_dim3A_482 : vector<16x20x1xi32> to vector<16x20x96xi32>
    %add3A_487 = arith.addi %add3A_486, %mul3A_485 : vector<16x20x96xi32>
    %swap3A_488 = arith.constant 1 : index
    %swap3A_489 = arith.constant 0 : index
    %swap3A_490 = arith.constant 0 : index
    %swap3A_491 = arith.constant 0 : index
    %swap3A_492 = vector.load %arg2[%swap3A_488, %swap3A_489, %swap3A_490, %swap3A_491] : memref<3x16x20x96xi32, #tpu.memory_space<vmem>>, vector<1x16x20x96xi32>
    %swap3A_493 = vector.shape_cast %swap3A_492 : vector<1x16x20x96xi32> to vector<16x20x96xi32>
    %swap3A_494 = vector.shape_cast %add3A_487 : vector<16x20x96xi32> to vector<1x16x20x96xi32>
    tpu.vector_store %arg2[%swap3A_488, %swap3A_489, %swap3A_490, %swap3A_491], %swap3A_494 {strides = array<i32>} : memref<3x16x20x96xi32, #tpu.memory_space<vmem>>, vector<1x16x20x96xi32>,
    %convert_element_type3A_495 = arith.extui %not3A_438 : vector<16x20xi1> to vector<16x20xi32>
    %convert_element_type3A_496 = arith.sitofp %convert_element_type3A_495 : vector<16x20xi32> to vector<16x20xf32>
    %swap3A_497 = arith.constant 1 : index
    %swap3A_498 = arith.constant 0 : index
    %swap3A_499 = arith.constant 0 : index
    %swap3A_500 = arith.constant 0 : index
    %swap3A_501 = vector.load %arg3[%swap3A_497, %swap3A_498, %swap3A_499, %swap3A_500] : memref<3x12x16x20xf32, #tpu.memory_space<vmem>>, vector<1x1x16x20xf32>
    %swap3A_502 = vector.shape_cast %swap3A_501 : vector<1x1x16x20xf32> to vector<16x20xf32>
    %swap3A_503 = vector.shape_cast %convert_element_type3A_496 : vector<16x20xf32> to vector<1x1x16x20xf32>
    tpu.vector_store %arg3[%swap3A_497, %swap3A_498, %swap3A_499, %swap3A_500], %swap3A_503 {strides = array<i32>} : memref<3x12x16x20xf32, #tpu.memory_space<vmem>>, vector<1x1x16x20xf32>,
    %convert_element_type3A_504 = arith.extui %not3A_453 : vector<16x20xi1> to vector<16x20xi32>
    %convert_element_type3A_505 = arith.sitofp %convert_element_type3A_504 : vector<16x20xi32> to vector<16x20xf32>
    %swap3A_506 = arith.constant 1 : index
    %swap3A_507 = arith.constant 1 : index
    %swap3A_508 = arith.constant 0 : index
    %swap3A_509 = arith.constant 0 : index
    %swap3A_510 = vector.load %arg3[%swap3A_506, %swap3A_507, %swap3A_508, %swap3A_509] : memref<3x12x16x20xf32, #tpu.memory_space<vmem>>, vector<1x1x16x20xf32>
    %swap3A_511 = vector.shape_cast %swap3A_510 : vector<1x1x16x20xf32> to vector<16x20xf32>
    %swap3A_512 = vector.shape_cast %convert_element_type3A_505 : vector<16x20xf32> to vector<1x1x16x20xf32>
    tpu.vector_store %arg3[%swap3A_506, %swap3A_507, %swap3A_508, %swap3A_509], %swap3A_512 {strides = array<i32>} : memref<3x12x16x20xf32, #tpu.memory_space<vmem>>, vector<1x1x16x20xf32>,
    %convert_element_type3A_513 = arith.sitofp %min3A_308 : vector<16x20xi32> to vector<16x20xf32>
    %swap3A_514 = arith.constant 1 : index
    %swap3A_515 = arith.constant 2 : index
    %swap3A_516 = arith.constant 0 : index
    %swap3A_517 = arith.constant 0 : index
    %swap3A_518 = vector.load %arg3[%swap3A_514, %swap3A_515, %swap3A_516, %swap3A_517] : memref<3x12x16x20xf32, #tpu.memory_space<vmem>>, vector<1x1x16x20xf32>
    %swap3A_519 = vector.shape_cast %swap3A_518 : vector<1x1x16x20xf32> to vector<16x20xf32>
    %swap3A_520 = vector.shape_cast %convert_element_type3A_513 : vector<16x20xf32> to vector<1x1x16x20xf32>
    tpu.vector_store %arg3[%swap3A_514, %swap3A_515, %swap3A_516, %swap3A_517], %swap3A_520 {strides = array<i32>} : memref<3x12x16x20xf32, #tpu.memory_space<vmem>>, vector<1x1x16x20xf32>,
    %convert_element_type3A_521 = arith.sitofp %min3A_315 : vector<16x20xi32> to vector<16x20xf32>
    %swap3A_522 = arith.constant 1 : index
    %swap3A_523 = arith.constant 3 : index
    %swap3A_524 = arith.constant 0 : index
    %swap3A_525 = arith.constant 0 : index
    %swap3A_526 = vector.load %arg3[%swap3A_522, %swap3A_523, %swap3A_524, %swap3A_525] : memref<3x12x16x20xf32, #tpu.memory_space<vmem>>, vector<1x1x16x20xf32>
    %swap3A_527 = vector.shape_cast %swap3A_526 : vector<1x1x16x20xf32> to vector<16x20xf32>
    %swap3A_528 = vector.shape_cast %convert_element_type3A_521 : vector<16x20xf32> to vector<1x1x16x20xf32>
    tpu.vector_store %arg3[%swap3A_522, %swap3A_523, %swap3A_524, %swap3A_525], %swap3A_528 {strides = array<i32>} : memref<3x12x16x20xf32, #tpu.memory_space<vmem>>, vector<1x1x16x20xf32>,
    %swap3A_529 = arith.constant 1 : index
    %swap3A_530 = arith.constant 4 : index
    %swap3A_531 = arith.constant 0 : index
    %swap3A_532 = arith.constant 0 : index
    %swap3A_533 = vector.load %arg3[%swap3A_529, %swap3A_530, %swap3A_531, %swap3A_532] : memref<3x12x16x20xf32, #tpu.memory_space<vmem>>, vector<1x1x16x20xf32>
    %swap3A_534 = vector.shape_cast %swap3A_533 : vector<1x1x16x20xf32> to vector<16x20xf32>
    %swap3A_535 = vector.shape_cast %select_n3A_397 : vector<16x20xf32> to vector<1x1x16x20xf32>
    tpu.vector_store %arg3[%swap3A_529, %swap3A_530, %swap3A_531, %swap3A_532], %swap3A_535 {strides = array<i32>} : memref<3x12x16x20xf32, #tpu.memory_space<vmem>>, vector<1x1x16x20xf32>,
    %swap3A_536 = arith.constant 1 : index
    %swap3A_537 = arith.constant 5 : index
    %swap3A_538 = arith.constant 0 : index
    %swap3A_539 = arith.constant 0 : index
    %swap3A_540 = vector.load %arg3[%swap3A_536, %swap3A_537, %swap3A_538, %swap3A_539] : memref<3x12x16x20xf32, #tpu.memory_space<vmem>>, vector<1x1x16x20xf32>
    %swap3A_541 = vector.shape_cast %swap3A_540 : vector<1x1x16x20xf32> to vector<16x20xf32>
    %swap3A_542 = vector.shape_cast %select_n3A_411 : vector<16x20xf32> to vector<1x1x16x20xf32>
    tpu.vector_store %arg3[%swap3A_536, %swap3A_537, %swap3A_538, %swap3A_539], %swap3A_542 {strides = array<i32>} : memref<3x12x16x20xf32, #tpu.memory_space<vmem>>, vector<1x1x16x20xf32>,
    %div3A_543 = arith.constant 3.200000e+01 : f32
    %div3A_544 = vector.broadcast %div3A_543 : f32 to vector<16x20xf32>
    %div3A_545 = arith.divf %mul3A_9, %div3A_544 : vector<16x20xf32>
    %div3A_546 = arith.constant 3.200000e+01 : f32
    %div3A_547 = vector.broadcast %div3A_546 : f32 to vector<16x20xf32>
    %div3A_548 = arith.divf %mul3A_17, %div3A_547 : vector<16x20xf32>
    %convert_element_type3A_549 = arith.fptosi %div3A_548 : vector<16x20xf32> to vector<16x20xi32>
    %jit3A_550 = arith.constant 0 : i32
    %jit3A_551 = arith.constant 19 : i32
    %max3A_552 = vector.broadcast %jit3A_550 : i32 to vector<16x20xi32>
    %max3A_553 = arith.maxsi %max3A_552, %convert_element_type3A_549 : vector<16x20xi32>
    %min3A_554 = vector.broadcast %jit3A_551 : i32 to vector<16x20xi32>
    %min3A_555 = arith.minsi %min3A_554, %max3A_553 : vector<16x20xi32>
    %convert_element_type3A_556 = arith.fptosi %div3A_545 : vector<16x20xf32> to vector<16x20xi32>
    %jit3A_557 = arith.constant 0 : i32
    %jit3A_558 = arith.constant 19 : i32
    %max3A_559 = vector.broadcast %jit3A_557 : i32 to vector<16x20xi32>
    %max3A_560 = arith.maxsi %max3A_559, %convert_element_type3A_556 : vector<16x20xi32>
    %min3A_561 = vector.broadcast %jit3A_558 : i32 to vector<16x20xi32>
    %min3A_562 = arith.minsi %min3A_561, %max3A_560 : vector<16x20xi32>
    %div3A_563 = arith.constant 3.712000e+03 : f32
    %div3A_564 = vector.broadcast %div3A_563 : f32 to vector<16x20xf32>
    %div3A_565 = arith.divf %sub3A, %div3A_564 : vector<16x20xf32>
    %div3A_566 = arith.constant 2.880000e+03 : f32
    %div3A_567 = vector.broadcast %div3A_566 : f32 to vector<16x20xf32>
    %div3A_568 = arith.divf %sub3A_26, %div3A_567 : vector<16x20xf32>
    %div3A_569 = arith.constant 1.000000e+00 : f32
    %div3A_570 = vector.broadcast %div3A_569 : f32 to vector<16x20xf32>
    %div3A_571 = arith.divf %div3A_570, %div3A_565 : vector<16x20xf32>
    %max3A_572 = arith.maximumf %div3A_565, %div3A_571 : vector<16x20xf32>
    %div3A_573 = arith.constant 1.000000e+00 : f32
    %div3A_574 = vector.broadcast %div3A_573 : f32 to vector<16x20xf32>
    %div3A_575 = arith.divf %div3A_574, %div3A_568 : vector<16x20xf32>
    %max3A_576 = arith.maximumf %div3A_568, %div3A_575 : vector<16x20xf32>
    %mul3A_577 = arith.mulf %max3A_572, %max3A_576 : vector<16x20xf32>
    %div3A_578 = arith.constant 1.000000e+00 : f32
    %div3A_579 = vector.broadcast %div3A_578 : f32 to vector<16x20xf32>
    %div3A_580 = arith.divf %div3A_579, %mul3A_577 : vector<16x20xf32>
    %div3A_581 = arith.constant 4.992000e+03 : f32
    %div3A_582 = vector.broadcast %div3A_581 : f32 to vector<16x20xf32>
    %div3A_583 = arith.divf %sub3A, %div3A_582 : vector<16x20xf32>
    %div3A_584 = arith.constant 6.336000e+03 : f32
    %div3A_585 = vector.broadcast %div3A_584 : f32 to vector<16x20xf32>
    %div3A_586 = arith.divf %sub3A_26, %div3A_585 : vector<16x20xf32>
    %div3A_587 = arith.constant 1.000000e+00 : f32
    %div3A_588 = vector.broadcast %div3A_587 : f32 to vector<16x20xf32>
    %div3A_589 = arith.divf %div3A_588, %div3A_583 : vector<16x20xf32>
    %max3A_590 = arith.maximumf %div3A_583, %div3A_589 : vector<16x20xf32>
    %div3A_591 = arith.constant 1.000000e+00 : f32
    %div3A_592 = vector.broadcast %div3A_591 : f32 to vector<16x20xf32>
    %div3A_593 = arith.divf %div3A_592, %div3A_586 : vector<16x20xf32>
    %max3A_594 = arith.maximumf %div3A_586, %div3A_593 : vector<16x20xf32>
    %mul3A_595 = arith.mulf %max3A_590, %max3A_594 : vector<16x20xf32>
    %div3A_596 = arith.constant 1.000000e+00 : f32
    %div3A_597 = vector.broadcast %div3A_596 : f32 to vector<16x20xf32>
    %div3A_598 = arith.divf %div3A_597, %mul3A_595 : vector<16x20xf32>
    %div3A_599 = arith.constant 1.193600e+04 : f32
    %div3A_600 = vector.broadcast %div3A_599 : f32 to vector<16x20xf32>
    %div3A_601 = arith.divf %sub3A, %div3A_600 : vector<16x20xf32>
    %div3A_602 = arith.constant 1.043200e+04 : f32
    %div3A_603 = vector.broadcast %div3A_602 : f32 to vector<16x20xf32>
    %div3A_604 = arith.divf %sub3A_26, %div3A_603 : vector<16x20xf32>
    %div3A_605 = arith.constant 1.000000e+00 : f32
    %div3A_606 = vector.broadcast %div3A_605 : f32 to vector<16x20xf32>
    %div3A_607 = arith.divf %div3A_606, %div3A_601 : vector<16x20xf32>
    %max3A_608 = arith.maximumf %div3A_601, %div3A_607 : vector<16x20xf32>
    %div3A_609 = arith.constant 1.000000e+00 : f32
    %div3A_610 = vector.broadcast %div3A_609 : f32 to vector<16x20xf32>
    %div3A_611 = arith.divf %div3A_610, %div3A_604 : vector<16x20xf32>
    %max3A_612 = arith.maximumf %div3A_604, %div3A_611 : vector<16x20xf32>
    %mul3A_613 = arith.mulf %max3A_608, %max3A_612 : vector<16x20xf32>
    %div3A_614 = arith.constant 1.000000e+00 : f32
    %div3A_615 = vector.broadcast %div3A_614 : f32 to vector<16x20xf32>
    %div3A_616 = arith.divf %div3A_615, %mul3A_613 : vector<16x20xf32>
    %gt3A_617 = arith.cmpf ogt, %div3A_598, %div3A_580 : vector<16x20xf32>
    %gt3A_618 = arith.cmpf ogt, %div3A_616, %div3A_598 : vector<16x20xf32>
    %jit3A_619 = arith.constant 2 : i32
    %jit3A_620 = arith.constant 1 : i32
    %broadcast_in_dim3A_621 = vector.broadcast %jit3A_619 : i32 to vector<16x20xi32>
    %broadcast_in_dim3A_622 = vector.broadcast %jit3A_620 : i32 to vector<16x20xi32>
    %select_n3A_623 = arith.select %gt3A_618, %broadcast_in_dim3A_621, %broadcast_in_dim3A_622 : vector<16x20xi1>, vector<16x20xi32>
    %gt3A_624 = arith.cmpf ogt, %div3A_616, %div3A_580 : vector<16x20xf32>
    %jit3A_625 = arith.constant 2 : i32
    %jit3A_626 = arith.constant 0 : i32
    %broadcast_in_dim3A_627 = vector.broadcast %jit3A_625 : i32 to vector<16x20xi32>
    %broadcast_in_dim3A_628 = vector.broadcast %jit3A_626 : i32 to vector<16x20xi32>
    %select_n3A_629 = arith.select %gt3A_624, %broadcast_in_dim3A_627, %broadcast_in_dim3A_628 : vector<16x20xi1>, vector<16x20xi32>
    %select_n3A_630 = arith.select %gt3A_617, %select_n3A_623, %select_n3A_629 : vector<16x20xi1>, vector<16x20xi32>
    %eq3A_631 = arith.constant 0 : i32
    %eq3A_632 = vector.broadcast %eq3A_631 : i32 to vector<16x20xi32>
    %eq3A_633 = arith.cmpi eq, %select_n3A_630, %eq3A_632 : vector<16x20xi32>
    %eq3A_634 = arith.constant 1 : i32
    %eq3A_635 = vector.broadcast %eq3A_634 : i32 to vector<16x20xi32>
    %eq3A_636 = arith.cmpi eq, %select_n3A_630, %eq3A_635 : vector<16x20xi32>
    %jit3A_637 = arith.constant 4.992000e+03 : f32
    %jit3A_638 = arith.constant 1.193600e+04 : f32
    %broadcast_in_dim3A_639 = vector.broadcast %jit3A_637 : f32 to vector<16x20xf32>
    %broadcast_in_dim3A_640 = vector.broadcast %jit3A_638 : f32 to vector<16x20xf32>
    %select_n3A_641 = arith.select %eq3A_636, %broadcast_in_dim3A_639, %broadcast_in_dim3A_640 : vector<16x20xi1>, vector<16x20xf32>
    %jit3A_642 = arith.constant 3.712000e+03 : f32
    %broadcast_in_dim3A_643 = vector.broadcast %jit3A_642 : f32 to vector<16x20xf32>
    %select_n3A_644 = arith.select %eq3A_633, %broadcast_in_dim3A_643, %select_n3A_641 : vector<16x20xi1>, vector<16x20xf32>
    %eq3A_645 = arith.constant 0 : i32
    %eq3A_646 = vector.broadcast %eq3A_645 : i32 to vector<16x20xi32>
    %eq3A_647 = arith.cmpi eq, %select_n3A_630, %eq3A_646 : vector<16x20xi32>
    %eq3A_648 = arith.constant 1 : i32
    %eq3A_649 = vector.broadcast %eq3A_648 : i32 to vector<16x20xi32>
    %eq3A_650 = arith.cmpi eq, %select_n3A_630, %eq3A_649 : vector<16x20xi32>
    %jit3A_651 = arith.constant 6.336000e+03 : f32
    %jit3A_652 = arith.constant 1.043200e+04 : f32
    %broadcast_in_dim3A_653 = vector.broadcast %jit3A_651 : f32 to vector<16x20xf32>
    %broadcast_in_dim3A_654 = vector.broadcast %jit3A_652 : f32 to vector<16x20xf32>
    %select_n3A_655 = arith.select %eq3A_650, %broadcast_in_dim3A_653, %broadcast_in_dim3A_654 : vector<16x20xi1>, vector<16x20xf32>
    %jit3A_656 = arith.constant 2.880000e+03 : f32
    %broadcast_in_dim3A_657 = vector.broadcast %jit3A_656 : f32 to vector<16x20xf32>
    %select_n3A_658 = arith.select %eq3A_647, %broadcast_in_dim3A_657, %select_n3A_655 : vector<16x20xi1>, vector<16x20xf32>
    %mul3A_659 = arith.constant 20 : i32
    %mul3A_660 = vector.broadcast %mul3A_659 : i32 to vector<16x20xi32>
    %mul3A_661 = arith.muli %select_n3A_630, %mul3A_660 : vector<16x20xi32>
    %add3A_662 = arith.addi %mul3A_661, %min3A_555 : vector<16x20xi32>
    %mul3A_663 = arith.constant 20 : i32
    %mul3A_664 = vector.broadcast %mul3A_663 : i32 to vector<16x20xi32>
    %mul3A_665 = arith.muli %add3A_662, %mul3A_664 : vector<16x20xi32>
    %add3A_666 = arith.addi %mul3A_665, %min3A_562 : vector<16x20xi32>
    %broadcast_in_dim3A_667 = vector.shape_cast %add3A_666 : vector<16x20xi32> to vector<16x20x1xi32>
    %broadcast_in_dim3A_668 = vector.shape_cast %add3A_666 : vector<16x20xi32> to vector<16x1x20xi32>
    %eq3A_669 = vector.broadcast %broadcast_in_dim3A_667 : vector<16x20x1xi32> to vector<16x20x20xi32>
    %eq3A_670 = vector.broadcast %broadcast_in_dim3A_668 : vector<16x1x20xi32> to vector<16x20x20xi32>
    %eq3A_671 = arith.cmpi eq, %eq3A_669, %eq3A_670 : vector<16x20x20xi32>
    %gt3A_672 = arith.cmpi sgt, %iota3A_55, %iota3A_54 : vector<16x20x20xi32>
    %and3A_673 = arith.andi %eq3A_671, %gt3A_672 : vector<16x20x20xi1>
    %reduce_or3A_674 = arith.constant 1.000000e+00 : f32
    %reduce_or3A_675 = arith.constant 0.000000e+00 : f32
    %reduce_or3A_676 = vector.broadcast %reduce_or3A_674 : f32 to vector<16x20x20xf32>
    %reduce_or3A_677 = vector.broadcast %reduce_or3A_675 : f32 to vector<16x20x20xf32>
    %reduce_or3A_678 = arith.select %and3A_673, %reduce_or3A_676, %reduce_or3A_677 : vector<16x20x20xi1>, vector<16x20x20xf32>
    %reduce_or3A_679 = arith.constant dense<0xFF800000> : vector<16x20xf32>
    %reduce_or3A_680 = vector.multi_reduction <maximumf>, %reduce_or3A_678, %reduce_or3A_679 [2] : vector<16x20x20xf32> to vector<16x20xf32>
    %reduce_or3A_681 = arith.constant 0.000000e+00 : f32
    %reduce_or3A_682 = vector.broadcast %reduce_or3A_681 : f32 to vector<16x20xf32>
    %reduce_or3A_683 = arith.cmpf ogt, %reduce_or3A_680, %reduce_or3A_682 : vector<16x20xf32>
    %not3A_684 = arith.constant dense<true> : vector<16x20xi1>
    %not3A_685 = arith.xori %reduce_or3A_683, %not3A_684 : vector<16x20xi1>
    %and3A_686 = arith.andi %eq3A_671, %eq3A_59 : vector<16x20x20xi1>
    %lt3A_687 = arith.cmpi slt, %iota3A_55, %iota3A_54 : vector<16x20x20xi32>
    %and3A_688 = arith.andi %and3A_686, %lt3A_687 : vector<16x20x20xi1>
    %reduce_or3A_689 = arith.constant 1.000000e+00 : f32
    %reduce_or3A_690 = arith.constant 0.000000e+00 : f32
    %reduce_or3A_691 = vector.broadcast %reduce_or3A_689 : f32 to vector<16x20x20xf32>
    %reduce_or3A_692 = vector.broadcast %reduce_or3A_690 : f32 to vector<16x20x20xf32>
    %reduce_or3A_693 = arith.select %and3A_688, %reduce_or3A_691, %reduce_or3A_692 : vector<16x20x20xi1>, vector<16x20x20xf32>
    %reduce_or3A_694 = arith.constant dense<0xFF800000> : vector<16x20xf32>
    %reduce_or3A_695 = vector.multi_reduction <maximumf>, %reduce_or3A_693, %reduce_or3A_694 [2] : vector<16x20x20xf32> to vector<16x20xf32>
    %reduce_or3A_696 = arith.constant 0.000000e+00 : f32
    %reduce_or3A_697 = vector.broadcast %reduce_or3A_696 : f32 to vector<16x20xf32>
    %reduce_or3A_698 = arith.cmpf ogt, %reduce_or3A_695, %reduce_or3A_697 : vector<16x20xf32>
    %not3A_699 = arith.constant dense<true> : vector<16x20xi1>
    %not3A_700 = arith.xori %reduce_or3A_698, %not3A_699 : vector<16x20xi1>
    %mul3A_701 = arith.constant 255 : i32
    %mul3A_702 = vector.broadcast %mul3A_701 : i32 to vector<16x20xi32>
    %mul3A_703 = arith.muli %iota3A, %mul3A_702 : vector<16x20xi32>
    %mul3A_704 = arith.constant 85 : i32
    %mul3A_705 = vector.broadcast %mul3A_704 : i32 to vector<16x20xi32>
    %mul3A_706 = arith.muli %select_n3A_630, %mul3A_705 : vector<16x20xi32>
    %add3A_707 = arith.addi %mul3A_703, %mul3A_706 : vector<16x20xi32>
    %mul3A_708 = arith.constant 20 : i32
    %mul3A_709 = vector.broadcast %mul3A_708 : i32 to vector<16x20xi32>
    %mul3A_710 = arith.muli %add3A_707, %mul3A_709 : vector<16x20xi32>
    %add3A_711 = arith.addi %mul3A_710, %min3A_555 : vector<16x20xi32>
    %mul3A_712 = arith.constant 20 : i32
    %mul3A_713 = vector.broadcast %mul3A_712 : i32 to vector<16x20xi32>
    %mul3A_714 = arith.muli %add3A_711, %mul3A_713 : vector<16x20xi32>
    %add3A_715 = arith.addi %mul3A_714, %min3A_562 : vector<16x20xi32>
    %eq3A_716 = arith.constant 85 : i32
    %eq3A_717 = vector.broadcast %eq3A_716 : i32 to vector<16x20x96xi32>
    %eq3A_718 = arith.cmpi eq, %iota3A_56, %eq3A_717 : vector<16x20x96xi32>
    %broadcast_in_dim3A_719 = vector.shape_cast %get3A_5 : vector<16x20xi32> to vector<16x20x1xi32>
    %add3A_720 = arith.constant 5 : i32
    %add3A_721 = vector.broadcast %add3A_720 : i32 to vector<16x20x1xi32>
    %add3A_722 = arith.addi %add3A_721, %broadcast_in_dim3A_719 : vector<16x20x1xi32>
    %min3A_723 = arith.constant 84 : i32
    %min3A_724 = vector.broadcast %min3A_723 : i32 to vector<16x20x96xi32>
    %min3A_725 = arith.minsi %iota3A_56, %min3A_724 : vector<16x20x96xi32>
    %broadcast_in_dim3A_726 = vector.shape_cast %add3A_722 : vector<16x20x1xi32> to vector<16x20x1xi32>
    %broadcast_in_dim3A_727 = vector.broadcast %broadcast_in_dim3A_726 : vector<16x20x1xi32> to vector<16x20x96xi32>
    %select_n3A_728 = arith.select %eq3A_718, %broadcast_in_dim3A_727, %min3A_725 : vector<16x20x96xi1>, vector<16x20x96xi32>
    %broadcast_in_dim3A_729 = vector.shape_cast %add3A_715 : vector<16x20xi32> to vector<16x20x1xi32>
    %mul3A_730 = arith.constant 400 : i32
    %mul3A_731 = vector.broadcast %mul3A_730 : i32 to vector<16x20x96xi32>
    %mul3A_732 = arith.muli %select_n3A_728, %mul3A_731 : vector<16x20x96xi32>
    %add3A_733 = vector.broadcast %broadcast_in_dim3A_729 : vector<16x20x1xi32> to vector<16x20x96xi32>
    %add3A_734 = arith.addi %add3A_733, %mul3A_732 : vector<16x20x96xi32>
    %swap3A_735 = arith.constant 2 : index
    %swap3A_736 = arith.constant 0 : index
    %swap3A_737 = arith.constant 0 : index
    %swap3A_738 = arith.constant 0 : index
    %swap3A_739 = vector.load %arg2[%swap3A_735, %swap3A_736, %swap3A_737, %swap3A_738] : memref<3x16x20x96xi32, #tpu.memory_space<vmem>>, vector<1x16x20x96xi32>
    %swap3A_740 = vector.shape_cast %swap3A_739 : vector<1x16x20x96xi32> to vector<16x20x96xi32>
    %swap3A_741 = vector.shape_cast %add3A_734 : vector<16x20x96xi32> to vector<1x16x20x96xi32>
    tpu.vector_store %arg2[%swap3A_735, %swap3A_736, %swap3A_737, %swap3A_738], %swap3A_741 {strides = array<i32>} : memref<3x16x20x96xi32, #tpu.memory_space<vmem>>, vector<1x16x20x96xi32>,
    %convert_element_type3A_742 = arith.extui %not3A_685 : vector<16x20xi1> to vector<16x20xi32>
    %convert_element_type3A_743 = arith.sitofp %convert_element_type3A_742 : vector<16x20xi32> to vector<16x20xf32>
    %swap3A_744 = arith.constant 2 : index
    %swap3A_745 = arith.constant 0 : index
    %swap3A_746 = arith.constant 0 : index
    %swap3A_747 = arith.constant 0 : index
    %swap3A_748 = vector.load %arg3[%swap3A_744, %swap3A_745, %swap3A_746, %swap3A_747] : memref<3x12x16x20xf32, #tpu.memory_space<vmem>>, vector<1x1x16x20xf32>
    %swap3A_749 = vector.shape_cast %swap3A_748 : vector<1x1x16x20xf32> to vector<16x20xf32>
    %swap3A_750 = vector.shape_cast %convert_element_type3A_743 : vector<16x20xf32> to vector<1x1x16x20xf32>
    tpu.vector_store %arg3[%swap3A_744, %swap3A_745, %swap3A_746, %swap3A_747], %swap3A_750 {strides = array<i32>} : memref<3x12x16x20xf32, #tpu.memory_space<vmem>>, vector<1x1x16x20xf32>,
    %convert_element_type3A_751 = arith.extui %not3A_700 : vector<16x20xi1> to vector<16x20xi32>
    %convert_element_type3A_752 = arith.sitofp %convert_element_type3A_751 : vector<16x20xi32> to vector<16x20xf32>
    %swap3A_753 = arith.constant 2 : index
    %swap3A_754 = arith.constant 1 : index
    %swap3A_755 = arith.constant 0 : index
    %swap3A_756 = arith.constant 0 : index
    %swap3A_757 = vector.load %arg3[%swap3A_753, %swap3A_754, %swap3A_755, %swap3A_756] : memref<3x12x16x20xf32, #tpu.memory_space<vmem>>, vector<1x1x16x20xf32>
    %swap3A_758 = vector.shape_cast %swap3A_757 : vector<1x1x16x20xf32> to vector<16x20xf32>
    %swap3A_759 = vector.shape_cast %convert_element_type3A_752 : vector<16x20xf32> to vector<1x1x16x20xf32>
    tpu.vector_store %arg3[%swap3A_753, %swap3A_754, %swap3A_755, %swap3A_756], %swap3A_759 {strides = array<i32>} : memref<3x12x16x20xf32, #tpu.memory_space<vmem>>, vector<1x1x16x20xf32>,
    %convert_element_type3A_760 = arith.sitofp %min3A_555 : vector<16x20xi32> to vector<16x20xf32>
    %swap3A_761 = arith.constant 2 : index
    %swap3A_762 = arith.constant 2 : index
    %swap3A_763 = arith.constant 0 : index
    %swap3A_764 = arith.constant 0 : index
    %swap3A_765 = vector.load %arg3[%swap3A_761, %swap3A_762, %swap3A_763, %swap3A_764] : memref<3x12x16x20xf32, #tpu.memory_space<vmem>>, vector<1x1x16x20xf32>
    %swap3A_766 = vector.shape_cast %swap3A_765 : vector<1x1x16x20xf32> to vector<16x20xf32>
    %swap3A_767 = vector.shape_cast %convert_element_type3A_760 : vector<16x20xf32> to vector<1x1x16x20xf32>
    tpu.vector_store %arg3[%swap3A_761, %swap3A_762, %swap3A_763, %swap3A_764], %swap3A_767 {strides = array<i32>} : memref<3x12x16x20xf32, #tpu.memory_space<vmem>>, vector<1x1x16x20xf32>,
    %convert_element_type3A_768 = arith.sitofp %min3A_562 : vector<16x20xi32> to vector<16x20xf32>
    %swap3A_769 = arith.constant 2 : index
    %swap3A_770 = arith.constant 3 : index
    %swap3A_771 = arith.constant 0 : index
    %swap3A_772 = arith.constant 0 : index
    %swap3A_773 = vector.load %arg3[%swap3A_769, %swap3A_770, %swap3A_771, %swap3A_772] : memref<3x12x16x20xf32, #tpu.memory_space<vmem>>, vector<1x1x16x20xf32>
    %swap3A_774 = vector.shape_cast %swap3A_773 : vector<1x1x16x20xf32> to vector<16x20xf32>
    %swap3A_775 = vector.shape_cast %convert_element_type3A_768 : vector<16x20xf32> to vector<1x1x16x20xf32>
    tpu.vector_store %arg3[%swap3A_769, %swap3A_770, %swap3A_771, %swap3A_772], %swap3A_775 {strides = array<i32>} : memref<3x12x16x20xf32, #tpu.memory_space<vmem>>, vector<1x1x16x20xf32>,
    %swap3A_776 = arith.constant 2 : index
    %swap3A_777 = arith.constant 4 : index
    %swap3A_778 = arith.constant 0 : index
    %swap3A_779 = arith.constant 0 : index
    %swap3A_780 = vector.load %arg3[%swap3A_776, %swap3A_777, %swap3A_778, %swap3A_779] : memref<3x12x16x20xf32, #tpu.memory_space<vmem>>, vector<1x1x16x20xf32>
    %swap3A_781 = vector.shape_cast %swap3A_780 : vector<1x1x16x20xf32> to vector<16x20xf32>
    %swap3A_782 = vector.shape_cast %select_n3A_644 : vector<16x20xf32> to vector<1x1x16x20xf32>
    tpu.vector_store %arg3[%swap3A_776, %swap3A_777, %swap3A_778, %swap3A_779], %swap3A_782 {strides = array<i32>} : memref<3x12x16x20xf32, #tpu.memory_space<vmem>>, vector<1x1x16x20xf32>,
    %swap3A_783 = arith.constant 2 : index
    %swap3A_784 = arith.constant 5 : index
    %swap3A_785 = arith.constant 0 : index
    %swap3A_786 = arith.constant 0 : index
    %swap3A_787 = vector.load %arg3[%swap3A_783, %swap3A_784, %swap3A_785, %swap3A_786] : memref<3x12x16x20xf32, #tpu.memory_space<vmem>>, vector<1x1x16x20xf32>
    %swap3A_788 = vector.shape_cast %swap3A_787 : vector<1x1x16x20xf32> to vector<16x20xf32>
    %swap3A_789 = vector.shape_cast %select_n3A_658 : vector<16x20xf32> to vector<1x1x16x20xf32>
    tpu.vector_store %arg3[%swap3A_783, %swap3A_784, %swap3A_785, %swap3A_786], %swap3A_789 {strides = array<i32>} : memref<3x12x16x20xf32, #tpu.memory_space<vmem>>, vector<1x1x16x20xf32>,
    return
  }
}

module attributes {stable_mosaic.version = 14 : i64} {
  func.func @_dense_body(%arg0: i32, %arg1: memref<16x1x80x80xf32, #tpu.memory_space<vmem>>, %arg2: memref<16x1x40x40xf32, #tpu.memory_space<vmem>>, %arg3: memref<16x1x20x20xf32, #tpu.memory_space<vmem>>, %arg4: memref<1x4xf32, #tpu.memory_space<smem>>, %arg5: memref<8xf32, #tpu.memory_space<smem>>) attributes {dimension_semantics = [#tpu.dimension_semantics<arbitrary>], iteration_bounds = array<i64: 3>, scalar_prefetch = 0 : i64, scratch_operands = 1 : i64, tpu.core_type = #tpu.core_type<tc>, window_params = [{transform_indices = @transform_0, window_bounds = array<i64: 16, 1, 80, 80>}, {transform_indices = @transform_1, window_bounds = array<i64: 16, 1, 40, 40>}, {transform_indices = @transform_2, window_bounds = array<i64: 16, 1, 20, 20>}, {transform_indices = @transform_3, window_bounds = array<i64: 1, 4>}]} {
    %eq3A = arith.constant 0 : i32
    %eq3A_0 = arith.cmpi eq, %arg0, %eq3A : i32
    %convert_element_type3A = arith.extui %eq3A_0 : i1 to i32
    %cond3A = arith.constant 0 : i32
    %cond3A_1 = arith.cmpi ne, %convert_element_type3A, %cond3A : i32
    scf.if %cond3A_1 {
      %swap3A_82 = arith.constant 0.000000e+00 : f32
      %swap3A_83 = arith.constant 0 : index
      %swap3A_84 = memref.load %arg5[%swap3A_83] : memref<8xf32, #tpu.memory_space<smem>>
      memref.store %swap3A_82, %arg5[%swap3A_83] : memref<8xf32, #tpu.memory_space<smem>>
      %swap3A_85 = arith.constant 0.000000e+00 : f32
      %swap3A_86 = arith.constant 1 : index
      %swap3A_87 = memref.load %arg5[%swap3A_86] : memref<8xf32, #tpu.memory_space<smem>>
      memref.store %swap3A_85, %arg5[%swap3A_86] : memref<8xf32, #tpu.memory_space<smem>>
      %swap3A_88 = arith.constant 0.000000e+00 : f32
      %swap3A_89 = arith.constant 2 : index
      %swap3A_90 = memref.load %arg5[%swap3A_89] : memref<8xf32, #tpu.memory_space<smem>>
      memref.store %swap3A_88, %arg5[%swap3A_89] : memref<8xf32, #tpu.memory_space<smem>>
    } else {
    }
    %get3A = arith.constant 0 : index
    %get3A_2 = memref.load %arg5[%get3A] : memref<8xf32, #tpu.memory_space<smem>>
    %get3A_3 = arith.constant 0 : index
    %get3A_4 = arith.constant 0 : index
    %get3A_5 = arith.constant 0 : index
    %get3A_6 = arith.constant 0 : index
    %get3A_7 = vector.load %arg1[%get3A_3, %get3A_4, %get3A_5, %get3A_6] : memref<16x1x80x80xf32, #tpu.memory_space<vmem>>, vector<16x1x80x80xf32>
    %max3A = arith.constant 0.000000e+00 : f32
    %max3A_8 = vector.broadcast %max3A : f32 to vector<16x1x80x80xf32>
    %max3A_9 = arith.maximumf %get3A_7, %max3A_8 : vector<16x1x80x80xf32>
    %abs3A = math.absf %get3A_7 : vector<16x1x80x80xf32>
    %neg3A = arith.constant 0.000000e+00 : f32
    %neg3A_10 = vector.broadcast %neg3A : f32 to vector<16x1x80x80xf32>
    %neg3A_11 = arith.subf %neg3A_10, %abs3A : vector<16x1x80x80xf32>
    %exp3A = math.exp %neg3A_11 : vector<16x1x80x80xf32>
    %add3A = arith.constant 1.000000e+00 : f32
    %add3A_12 = vector.broadcast %add3A : f32 to vector<16x1x80x80xf32>
    %add3A_13 = arith.addf %add3A_12, %exp3A : vector<16x1x80x80xf32>
    %log3A = math.log %add3A_13 : vector<16x1x80x80xf32>
    %add3A_14 = arith.addf %max3A_9, %log3A : vector<16x1x80x80xf32>
    %reduce_sum3A = vector.shape_cast %add3A_14 : vector<16x1x80x80xf32> to vector<1x16x1x80x80xf32>
    %reduce_sum3A_15 = arith.constant dense<0.000000e+00> : vector<1xf32>
    %reduce_sum3A_16 = vector.multi_reduction <add>, %reduce_sum3A, %reduce_sum3A_15 [1, 2, 3, 4] : vector<1x16x1x80x80xf32> to vector<1xf32>
    %reduce_sum3A_17 = vector.shape_cast %reduce_sum3A_16 : vector<1xf32> to vector<1x1x1x1x1xf32>
    %reduce_sum3A_18 = vector.extract %reduce_sum3A_17[0, 0, 0, 0, 0] : f32 from vector<1x1x1x1x1xf32>
    %add3A_19 = arith.addf %get3A_2, %reduce_sum3A_18 : f32
    %swap3A = arith.constant 0 : index
    %swap3A_20 = memref.load %arg5[%swap3A] : memref<8xf32, #tpu.memory_space<smem>>
    memref.store %add3A_19, %arg5[%swap3A] : memref<8xf32, #tpu.memory_space<smem>>
    %get3A_21 = arith.constant 1 : index
    %get3A_22 = memref.load %arg5[%get3A_21] : memref<8xf32, #tpu.memory_space<smem>>
    %get3A_23 = arith.constant 0 : index
    %get3A_24 = arith.constant 0 : index
    %get3A_25 = arith.constant 0 : index
    %get3A_26 = arith.constant 0 : index
    %get3A_27 = vector.load %arg2[%get3A_23, %get3A_24, %get3A_25, %get3A_26] : memref<16x1x40x40xf32, #tpu.memory_space<vmem>>, vector<16x1x40x40xf32>
    %max3A_28 = arith.constant 0.000000e+00 : f32
    %max3A_29 = vector.broadcast %max3A_28 : f32 to vector<16x1x40x40xf32>
    %max3A_30 = arith.maximumf %get3A_27, %max3A_29 : vector<16x1x40x40xf32>
    %abs3A_31 = math.absf %get3A_27 : vector<16x1x40x40xf32>
    %neg3A_32 = arith.constant 0.000000e+00 : f32
    %neg3A_33 = vector.broadcast %neg3A_32 : f32 to vector<16x1x40x40xf32>
    %neg3A_34 = arith.subf %neg3A_33, %abs3A_31 : vector<16x1x40x40xf32>
    %exp3A_35 = math.exp %neg3A_34 : vector<16x1x40x40xf32>
    %add3A_36 = arith.constant 1.000000e+00 : f32
    %add3A_37 = vector.broadcast %add3A_36 : f32 to vector<16x1x40x40xf32>
    %add3A_38 = arith.addf %add3A_37, %exp3A_35 : vector<16x1x40x40xf32>
    %log3A_39 = math.log %add3A_38 : vector<16x1x40x40xf32>
    %add3A_40 = arith.addf %max3A_30, %log3A_39 : vector<16x1x40x40xf32>
    %reduce_sum3A_41 = vector.shape_cast %add3A_40 : vector<16x1x40x40xf32> to vector<1x16x1x40x40xf32>
    %reduce_sum3A_42 = arith.constant dense<0.000000e+00> : vector<1xf32>
    %reduce_sum3A_43 = vector.multi_reduction <add>, %reduce_sum3A_41, %reduce_sum3A_42 [1, 2, 3, 4] : vector<1x16x1x40x40xf32> to vector<1xf32>
    %reduce_sum3A_44 = vector.shape_cast %reduce_sum3A_43 : vector<1xf32> to vector<1x1x1x1x1xf32>
    %reduce_sum3A_45 = vector.extract %reduce_sum3A_44[0, 0, 0, 0, 0] : f32 from vector<1x1x1x1x1xf32>
    %add3A_46 = arith.addf %get3A_22, %reduce_sum3A_45 : f32
    %swap3A_47 = arith.constant 1 : index
    %swap3A_48 = memref.load %arg5[%swap3A_47] : memref<8xf32, #tpu.memory_space<smem>>
    memref.store %add3A_46, %arg5[%swap3A_47] : memref<8xf32, #tpu.memory_space<smem>>
    %get3A_49 = arith.constant 2 : index
    %get3A_50 = memref.load %arg5[%get3A_49] : memref<8xf32, #tpu.memory_space<smem>>
    %get3A_51 = arith.constant 0 : index
    %get3A_52 = arith.constant 0 : index
    %get3A_53 = arith.constant 0 : index
    %get3A_54 = arith.constant 0 : index
    %get3A_55 = vector.load %arg3[%get3A_51, %get3A_52, %get3A_53, %get3A_54] : memref<16x1x20x20xf32, #tpu.memory_space<vmem>>, vector<16x1x20x20xf32>
    %max3A_56 = arith.constant 0.000000e+00 : f32
    %max3A_57 = vector.broadcast %max3A_56 : f32 to vector<16x1x20x20xf32>
    %max3A_58 = arith.maximumf %get3A_55, %max3A_57 : vector<16x1x20x20xf32>
    %abs3A_59 = math.absf %get3A_55 : vector<16x1x20x20xf32>
    %neg3A_60 = arith.constant 0.000000e+00 : f32
    %neg3A_61 = vector.broadcast %neg3A_60 : f32 to vector<16x1x20x20xf32>
    %neg3A_62 = arith.subf %neg3A_61, %abs3A_59 : vector<16x1x20x20xf32>
    %exp3A_63 = math.exp %neg3A_62 : vector<16x1x20x20xf32>
    %add3A_64 = arith.constant 1.000000e+00 : f32
    %add3A_65 = vector.broadcast %add3A_64 : f32 to vector<16x1x20x20xf32>
    %add3A_66 = arith.addf %add3A_65, %exp3A_63 : vector<16x1x20x20xf32>
    %log3A_67 = math.log %add3A_66 : vector<16x1x20x20xf32>
    %add3A_68 = arith.addf %max3A_58, %log3A_67 : vector<16x1x20x20xf32>
    %reduce_sum3A_69 = vector.shape_cast %add3A_68 : vector<16x1x20x20xf32> to vector<1x16x1x20x20xf32>
    %reduce_sum3A_70 = arith.constant dense<0.000000e+00> : vector<1xf32>
    %reduce_sum3A_71 = vector.multi_reduction <add>, %reduce_sum3A_69, %reduce_sum3A_70 [1, 2, 3, 4] : vector<1x16x1x20x20xf32> to vector<1xf32>
    %reduce_sum3A_72 = vector.shape_cast %reduce_sum3A_71 : vector<1xf32> to vector<1x1x1x1x1xf32>
    %reduce_sum3A_73 = vector.extract %reduce_sum3A_72[0, 0, 0, 0, 0] : f32 from vector<1x1x1x1x1xf32>
    %add3A_74 = arith.addf %get3A_50, %reduce_sum3A_73 : f32
    %swap3A_75 = arith.constant 2 : index
    %swap3A_76 = memref.load %arg5[%swap3A_75] : memref<8xf32, #tpu.memory_space<smem>>
    memref.store %add3A_74, %arg5[%swap3A_75] : memref<8xf32, #tpu.memory_space<smem>>
    %eq3A_77 = arith.constant 2 : i32
    %eq3A_78 = arith.cmpi eq, %arg0, %eq3A_77 : i32
    %convert_element_type3A_79 = arith.extui %eq3A_78 : i1 to i32
    %cond3A_80 = arith.constant 0 : i32
    %cond3A_81 = arith.cmpi ne, %convert_element_type3A_79, %cond3A_80 : i32
    scf.if %cond3A_81 {
      %get3A_82 = arith.constant 0 : index
      %get3A_83 = memref.load %arg5[%get3A_82] : memref<8xf32, #tpu.memory_space<smem>>
      %swap3A_84 = arith.constant 0 : index
      %swap3A_85 = arith.constant 0 : index
      %swap3A_86 = memref.load %arg4[%swap3A_84, %swap3A_85] : memref<1x4xf32, #tpu.memory_space<smem>>
      memref.store %get3A_83, %arg4[%swap3A_84, %swap3A_85] : memref<1x4xf32, #tpu.memory_space<smem>>
      %get3A_87 = arith.constant 1 : index
      %get3A_88 = memref.load %arg5[%get3A_87] : memref<8xf32, #tpu.memory_space<smem>>
      %swap3A_89 = arith.constant 0 : index
      %swap3A_90 = arith.constant 1 : index
      %swap3A_91 = memref.load %arg4[%swap3A_89, %swap3A_90] : memref<1x4xf32, #tpu.memory_space<smem>>
      memref.store %get3A_88, %arg4[%swap3A_89, %swap3A_90] : memref<1x4xf32, #tpu.memory_space<smem>>
      %get3A_92 = arith.constant 2 : index
      %get3A_93 = memref.load %arg5[%get3A_92] : memref<8xf32, #tpu.memory_space<smem>>
      %swap3A_94 = arith.constant 0 : index
      %swap3A_95 = arith.constant 2 : index
      %swap3A_96 = memref.load %arg4[%swap3A_94, %swap3A_95] : memref<1x4xf32, #tpu.memory_space<smem>>
      memref.store %get3A_93, %arg4[%swap3A_94, %swap3A_95] : memref<1x4xf32, #tpu.memory_space<smem>>
    } else {
    }
    return
  }
  func.func @transform_0(%arg0: i32) -> (i32, i32, i32, i32) {
    %mul3A = arith.constant 85 : i32
    %mul3A_0 = arith.muli %arg0, %mul3A : i32
    %add3A = arith.constant 4 : i32
    %add3A_1 = arith.addi %mul3A_0, %add3A : i32
    %c0_i32 = arith.constant 0 : i32
    %c0_i32_2 = arith.constant 0 : i32
    %c0_i32_3 = arith.constant 0 : i32
    %c0_i32_4 = arith.constant 0 : i32
    return %c0_i32, %add3A_1, %c0_i32_2, %c0_i32_3 : i32, i32, i32, i32
  }
  func.func @transform_1(%arg0: i32) -> (i32, i32, i32, i32) {
    %mul3A = arith.constant 85 : i32
    %mul3A_0 = arith.muli %arg0, %mul3A : i32
    %add3A = arith.constant 4 : i32
    %add3A_1 = arith.addi %mul3A_0, %add3A : i32
    %c0_i32 = arith.constant 0 : i32
    %c0_i32_2 = arith.constant 0 : i32
    %c0_i32_3 = arith.constant 0 : i32
    %c0_i32_4 = arith.constant 0 : i32
    return %c0_i32, %add3A_1, %c0_i32_2, %c0_i32_3 : i32, i32, i32, i32
  }
  func.func @transform_2(%arg0: i32) -> (i32, i32, i32, i32) {
    %mul3A = arith.constant 85 : i32
    %mul3A_0 = arith.muli %arg0, %mul3A : i32
    %add3A = arith.constant 4 : i32
    %add3A_1 = arith.addi %mul3A_0, %add3A : i32
    %c0_i32 = arith.constant 0 : i32
    %c0_i32_2 = arith.constant 0 : i32
    %c0_i32_3 = arith.constant 0 : i32
    %c0_i32_4 = arith.constant 0 : i32
    return %c0_i32, %add3A_1, %c0_i32_2, %c0_i32_3 : i32, i32, i32, i32
  }
  func.func @transform_3(%arg0: i32) -> (i32, i32) {
    %c0_i32 = arith.constant 0 : i32
    %c0_i32_0 = arith.constant 0 : i32
    %c0_i32_1 = arith.constant 0 : i32
    return %c0_i32, %c0_i32_0 : i32, i32
  }
}

module attributes {stable_mosaic.version = 14 : i64} {
  func.func @_final_body(%arg0: i32, %arg1: memref<3x16x20x96xf32, #tpu.memory_space<vmem>>, %arg2: memref<3x12x16x20xf32, #tpu.memory_space<vmem>>, %arg3: memref<1x4xf32, #tpu.memory_space<smem>>, %arg4: memref<1x1xf32, #tpu.memory_space<smem>>) attributes {dimension_semantics = [#tpu.dimension_semantics<arbitrary>], iteration_bounds = array<i64: 1>, scalar_prefetch = 0 : i64, scratch_operands = 0 : i64, tpu.core_type = #tpu.core_type<tc>, window_params = [{pipeline_mode = #tpu.pipeline_mode<synchronous>, transform_indices = @transform_0, window_bounds = array<i64: 3, 16, 20, 96>}, {pipeline_mode = #tpu.pipeline_mode<synchronous>, transform_indices = @transform_1, window_bounds = array<i64: 3, 12, 16, 20>}, {transform_indices = @transform_2, window_bounds = array<i64: 1, 4>}, {transform_indices = @transform_3, window_bounds = array<i64: 1, 1>}]} {
    %get3A = arith.constant 0 : index
    %get3A_0 = arith.constant 0 : index
    %get3A_1 = arith.constant 0 : index
    %get3A_2 = arith.constant 0 : index
    %get3A_3 = vector.load %arg1[%get3A, %get3A_0, %get3A_1, %get3A_2] : memref<3x16x20x96xf32, #tpu.memory_space<vmem>>, vector<3x16x20x96xf32>
    %get3A_4 = arith.constant 0 : index
    %get3A_5 = arith.constant 0 : index
    %get3A_6 = arith.constant 0 : index
    %get3A_7 = arith.constant 0 : index
    %get3A_8 = vector.load %arg2[%get3A_4, %get3A_5, %get3A_6, %get3A_7] : memref<3x12x16x20xf32, #tpu.memory_space<vmem>>, vector<3x12x16x20xf32>
    %iota3A = tpu.iota {dimensions = array<i32: 2>} : vector<16x20x96xi32>
    %slice3A = vector.extract_strided_slice %get3A_8 {offsets = [0, 6, 0, 0], sizes = [1, 1, 16, 20], strides = [1, 1, 1, 1]} : vector<3x12x16x20xf32> to vector<1x1x16x20xf32>
    %squeeze3A = vector.shape_cast %slice3A : vector<1x1x16x20xf32> to vector<16x20xf32>
    %slice3A_9 = vector.extract_strided_slice %get3A_8 {offsets = [0, 7, 0, 0], sizes = [1, 1, 16, 20], strides = [1, 1, 1, 1]} : vector<3x12x16x20xf32> to vector<1x1x16x20xf32>
    %squeeze3A_10 = vector.shape_cast %slice3A_9 : vector<1x1x16x20xf32> to vector<16x20xf32>
    %slice3A_11 = vector.extract_strided_slice %get3A_8 {offsets = [0, 8, 0, 0], sizes = [1, 1, 16, 20], strides = [1, 1, 1, 1]} : vector<3x12x16x20xf32> to vector<1x1x16x20xf32>
    %squeeze3A_12 = vector.shape_cast %slice3A_11 : vector<1x1x16x20xf32> to vector<16x20xf32>
    %slice3A_13 = vector.extract_strided_slice %get3A_8 {offsets = [0, 9, 0, 0], sizes = [1, 1, 16, 20], strides = [1, 1, 1, 1]} : vector<3x12x16x20xf32> to vector<1x1x16x20xf32>
    %squeeze3A_14 = vector.shape_cast %slice3A_13 : vector<1x1x16x20xf32> to vector<16x20xf32>
    %slice3A_15 = vector.extract_strided_slice %get3A_3 {offsets = [0, 0, 0, 0], sizes = [1, 16, 20, 96], strides = [1, 1, 1, 1]} : vector<3x16x20x96xf32> to vector<1x16x20x96xf32>
    %squeeze3A_16 = vector.shape_cast %slice3A_15 : vector<1x16x20x96xf32> to vector<16x20x96xf32>
    %slice3A_17 = vector.extract_strided_slice %get3A_8 {offsets = [0, 0, 0, 0], sizes = [1, 1, 16, 20], strides = [1, 1, 1, 1]} : vector<3x12x16x20xf32> to vector<1x1x16x20xf32>
    %squeeze3A_18 = vector.shape_cast %slice3A_17 : vector<1x1x16x20xf32> to vector<16x20xf32>
    %slice3A_19 = vector.extract_strided_slice %get3A_8 {offsets = [0, 1, 0, 0], sizes = [1, 1, 16, 20], strides = [1, 1, 1, 1]} : vector<3x12x16x20xf32> to vector<1x1x16x20xf32>
    %squeeze3A_20 = vector.shape_cast %slice3A_19 : vector<1x1x16x20xf32> to vector<16x20xf32>
    %slice3A_21 = vector.extract_strided_slice %get3A_8 {offsets = [0, 2, 0, 0], sizes = [1, 1, 16, 20], strides = [1, 1, 1, 1]} : vector<3x12x16x20xf32> to vector<1x1x16x20xf32>
    %squeeze3A_22 = vector.shape_cast %slice3A_21 : vector<1x1x16x20xf32> to vector<16x20xf32>
    %slice3A_23 = vector.extract_strided_slice %get3A_8 {offsets = [0, 3, 0, 0], sizes = [1, 1, 16, 20], strides = [1, 1, 1, 1]} : vector<3x12x16x20xf32> to vector<1x1x16x20xf32>
    %squeeze3A_24 = vector.shape_cast %slice3A_23 : vector<1x1x16x20xf32> to vector<16x20xf32>
    %slice3A_25 = vector.extract_strided_slice %get3A_8 {offsets = [0, 4, 0, 0], sizes = [1, 1, 16, 20], strides = [1, 1, 1, 1]} : vector<3x12x16x20xf32> to vector<1x1x16x20xf32>
    %squeeze3A_26 = vector.shape_cast %slice3A_25 : vector<1x1x16x20xf32> to vector<16x20xf32>
    %slice3A_27 = vector.extract_strided_slice %get3A_8 {offsets = [0, 5, 0, 0], sizes = [1, 1, 16, 20], strides = [1, 1, 1, 1]} : vector<3x12x16x20xf32> to vector<1x1x16x20xf32>
    %squeeze3A_28 = vector.shape_cast %slice3A_27 : vector<1x1x16x20xf32> to vector<16x20xf32>
    %eq3A = arith.constant 0 : i32
    %eq3A_29 = vector.broadcast %eq3A : i32 to vector<16x20x96xi32>
    %eq3A_30 = arith.cmpi eq, %iota3A, %eq3A_29 : vector<16x20x96xi32>
    %jit3A = arith.constant 0.000000e+00 : f32
    %broadcast_in_dim3A = vector.broadcast %jit3A : f32 to vector<16x20x96xf32>
    %select_n3A = arith.select %eq3A_30, %squeeze3A_16, %broadcast_in_dim3A : vector<16x20x96xi1>, vector<16x20x96xf32>
    %reduce_sum3A = arith.constant dense<0.000000e+00> : vector<16x20xf32>
    %reduce_sum3A_31 = vector.multi_reduction <add>, %select_n3A, %reduce_sum3A [2] : vector<16x20x96xf32> to vector<16x20xf32>
    %neg3A = arith.constant 0.000000e+00 : f32
    %neg3A_32 = vector.broadcast %neg3A : f32 to vector<16x20xf32>
    %neg3A_33 = arith.subf %neg3A_32, %reduce_sum3A_31 : vector<16x20xf32>
    %exp3A = math.exp %neg3A_33 : vector<16x20xf32>
    %add3A = arith.constant 1.000000e+00 : f32
    %add3A_34 = vector.broadcast %add3A : f32 to vector<16x20xf32>
    %add3A_35 = arith.addf %add3A_34, %exp3A : vector<16x20xf32>
    %div3A = arith.constant 1.000000e+00 : f32
    %div3A_36 = vector.broadcast %div3A : f32 to vector<16x20xf32>
    %div3A_37 = arith.divf %div3A_36, %add3A_35 : vector<16x20xf32>
    %add3A_38 = arith.addf %div3A_37, %squeeze3A_24 : vector<16x20xf32>
    %mul3A = arith.constant 8.000000e+00 : f32
    %mul3A_39 = vector.broadcast %mul3A : f32 to vector<16x20xf32>
    %mul3A_40 = arith.mulf %add3A_38, %mul3A_39 : vector<16x20xf32>
    %eq3A_41 = arith.constant 1 : i32
    %eq3A_42 = vector.broadcast %eq3A_41 : i32 to vector<16x20x96xi32>
    %eq3A_43 = arith.cmpi eq, %iota3A, %eq3A_42 : vector<16x20x96xi32>
    %jit3A_44 = arith.constant 0.000000e+00 : f32
    %broadcast_in_dim3A_45 = vector.broadcast %jit3A_44 : f32 to vector<16x20x96xf32>
    %select_n3A_46 = arith.select %eq3A_43, %squeeze3A_16, %broadcast_in_dim3A_45 : vector<16x20x96xi1>, vector<16x20x96xf32>
    %reduce_sum3A_47 = arith.constant dense<0.000000e+00> : vector<16x20xf32>
    %reduce_sum3A_48 = vector.multi_reduction <add>, %select_n3A_46, %reduce_sum3A_47 [2] : vector<16x20x96xf32> to vector<16x20xf32>
    %neg3A_49 = arith.constant 0.000000e+00 : f32
    %neg3A_50 = vector.broadcast %neg3A_49 : f32 to vector<16x20xf32>
    %neg3A_51 = arith.subf %neg3A_50, %reduce_sum3A_48 : vector<16x20xf32>
    %exp3A_52 = math.exp %neg3A_51 : vector<16x20xf32>
    %add3A_53 = arith.constant 1.000000e+00 : f32
    %add3A_54 = vector.broadcast %add3A_53 : f32 to vector<16x20xf32>
    %add3A_55 = arith.addf %add3A_54, %exp3A_52 : vector<16x20xf32>
    %div3A_56 = arith.constant 1.000000e+00 : f32
    %div3A_57 = vector.broadcast %div3A_56 : f32 to vector<16x20xf32>
    %div3A_58 = arith.divf %div3A_57, %add3A_55 : vector<16x20xf32>
    %add3A_59 = arith.addf %div3A_58, %squeeze3A_22 : vector<16x20xf32>
    %mul3A_60 = arith.constant 8.000000e+00 : f32
    %mul3A_61 = vector.broadcast %mul3A_60 : f32 to vector<16x20xf32>
    %mul3A_62 = arith.mulf %add3A_59, %mul3A_61 : vector<16x20xf32>
    %eq3A_63 = arith.constant 2 : i32
    %eq3A_64 = vector.broadcast %eq3A_63 : i32 to vector<16x20x96xi32>
    %eq3A_65 = arith.cmpi eq, %iota3A, %eq3A_64 : vector<16x20x96xi32>
    %jit3A_66 = arith.constant 0.000000e+00 : f32
    %broadcast_in_dim3A_67 = vector.broadcast %jit3A_66 : f32 to vector<16x20x96xf32>
    %select_n3A_68 = arith.select %eq3A_65, %squeeze3A_16, %broadcast_in_dim3A_67 : vector<16x20x96xi1>, vector<16x20x96xf32>
    %reduce_sum3A_69 = arith.constant dense<0.000000e+00> : vector<16x20xf32>
    %reduce_sum3A_70 = vector.multi_reduction <add>, %select_n3A_68, %reduce_sum3A_69 [2] : vector<16x20x96xf32> to vector<16x20xf32>
    %exp3A_71 = math.exp %reduce_sum3A_70 : vector<16x20xf32>
    %mul3A_72 = arith.mulf %exp3A_71, %squeeze3A_26 : vector<16x20xf32>
    %eq3A_73 = arith.constant 3 : i32
    %eq3A_74 = vector.broadcast %eq3A_73 : i32 to vector<16x20x96xi32>
    %eq3A_75 = arith.cmpi eq, %iota3A, %eq3A_74 : vector<16x20x96xi32>
    %jit3A_76 = arith.constant 0.000000e+00 : f32
    %broadcast_in_dim3A_77 = vector.broadcast %jit3A_76 : f32 to vector<16x20x96xf32>
    %select_n3A_78 = arith.select %eq3A_75, %squeeze3A_16, %broadcast_in_dim3A_77 : vector<16x20x96xi1>, vector<16x20x96xf32>
    %reduce_sum3A_79 = arith.constant dense<0.000000e+00> : vector<16x20xf32>
    %reduce_sum3A_80 = vector.multi_reduction <add>, %select_n3A_78, %reduce_sum3A_79 [2] : vector<16x20x96xf32> to vector<16x20xf32>
    %exp3A_81 = math.exp %reduce_sum3A_80 : vector<16x20xf32>
    %mul3A_82 = arith.mulf %exp3A_81, %squeeze3A_28 : vector<16x20xf32>
    %div3A_83 = arith.constant 2.000000e+00 : f32
    %div3A_84 = vector.broadcast %div3A_83 : f32 to vector<16x20xf32>
    %div3A_85 = arith.divf %mul3A_72, %div3A_84 : vector<16x20xf32>
    %sub3A = arith.subf %mul3A_40, %div3A_85 : vector<16x20xf32>
    %div3A_86 = arith.constant 2.000000e+00 : f32
    %div3A_87 = vector.broadcast %div3A_86 : f32 to vector<16x20xf32>
    %div3A_88 = arith.divf %mul3A_72, %div3A_87 : vector<16x20xf32>
    %add3A_89 = arith.addf %mul3A_40, %div3A_88 : vector<16x20xf32>
    %div3A_90 = arith.constant 2.000000e+00 : f32
    %div3A_91 = vector.broadcast %div3A_90 : f32 to vector<16x20xf32>
    %div3A_92 = arith.divf %mul3A_82, %div3A_91 : vector<16x20xf32>
    %sub3A_93 = arith.subf %mul3A_62, %div3A_92 : vector<16x20xf32>
    %div3A_94 = arith.constant 2.000000e+00 : f32
    %div3A_95 = vector.broadcast %div3A_94 : f32 to vector<16x20xf32>
    %div3A_96 = arith.divf %mul3A_82, %div3A_95 : vector<16x20xf32>
    %add3A_97 = arith.addf %mul3A_62, %div3A_96 : vector<16x20xf32>
    %div3A_98 = arith.constant 2.000000e+00 : f32
    %div3A_99 = vector.broadcast %div3A_98 : f32 to vector<16x20xf32>
    %div3A_100 = arith.divf %squeeze3A_12, %div3A_99 : vector<16x20xf32>
    %sub3A_101 = arith.subf %squeeze3A, %div3A_100 : vector<16x20xf32>
    %div3A_102 = arith.constant 2.000000e+00 : f32
    %div3A_103 = vector.broadcast %div3A_102 : f32 to vector<16x20xf32>
    %div3A_104 = arith.divf %squeeze3A_12, %div3A_103 : vector<16x20xf32>
    %add3A_105 = arith.addf %squeeze3A, %div3A_104 : vector<16x20xf32>
    %div3A_106 = arith.constant 2.000000e+00 : f32
    %div3A_107 = vector.broadcast %div3A_106 : f32 to vector<16x20xf32>
    %div3A_108 = arith.divf %squeeze3A_14, %div3A_107 : vector<16x20xf32>
    %sub3A_109 = arith.subf %squeeze3A_10, %div3A_108 : vector<16x20xf32>
    %div3A_110 = arith.constant 2.000000e+00 : f32
    %div3A_111 = vector.broadcast %div3A_110 : f32 to vector<16x20xf32>
    %div3A_112 = arith.divf %squeeze3A_14, %div3A_111 : vector<16x20xf32>
    %add3A_113 = arith.addf %squeeze3A_10, %div3A_112 : vector<16x20xf32>
    %min3A = arith.minimumf %add3A_89, %add3A_105 : vector<16x20xf32>
    %max3A = arith.maximumf %sub3A, %sub3A_101 : vector<16x20xf32>
    %sub3A_114 = arith.subf %min3A, %max3A : vector<16x20xf32>
    %jit3A_115 = arith.constant 0.000000e+00 : f32
    %max3A_116 = vector.broadcast %jit3A_115 : f32 to vector<16x20xf32>
    %max3A_117 = arith.maximumf %max3A_116, %sub3A_114 : vector<16x20xf32>
    %min3A_118 = arith.minimumf %add3A_97, %add3A_113 : vector<16x20xf32>
    %max3A_119 = arith.maximumf %sub3A_93, %sub3A_109 : vector<16x20xf32>
    %sub3A_120 = arith.subf %min3A_118, %max3A_119 : vector<16x20xf32>
    %jit3A_121 = arith.constant 0.000000e+00 : f32
    %max3A_122 = vector.broadcast %jit3A_121 : f32 to vector<16x20xf32>
    %max3A_123 = arith.maximumf %max3A_122, %sub3A_120 : vector<16x20xf32>
    %mul3A_124 = arith.mulf %max3A_117, %max3A_123 : vector<16x20xf32>
    %mul3A_125 = arith.mulf %mul3A_72, %mul3A_82 : vector<16x20xf32>
    %mul3A_126 = arith.mulf %squeeze3A_12, %squeeze3A_14 : vector<16x20xf32>
    %add3A_127 = arith.addf %mul3A_125, %mul3A_126 : vector<16x20xf32>
    %sub3A_128 = arith.subf %add3A_127, %mul3A_124 : vector<16x20xf32>
    %add3A_129 = arith.constant 1.000000e-07 : f32
    %add3A_130 = vector.broadcast %add3A_129 : f32 to vector<16x20xf32>
    %add3A_131 = arith.addf %sub3A_128, %add3A_130 : vector<16x20xf32>
    %div3A_132 = arith.divf %mul3A_124, %add3A_131 : vector<16x20xf32>
    %max3A_133 = arith.maximumf %add3A_89, %add3A_105 : vector<16x20xf32>
    %min3A_134 = arith.minimumf %sub3A, %sub3A_101 : vector<16x20xf32>
    %sub3A_135 = arith.subf %max3A_133, %min3A_134 : vector<16x20xf32>
    %max3A_136 = arith.maximumf %add3A_97, %add3A_113 : vector<16x20xf32>
    %min3A_137 = arith.minimumf %sub3A_93, %sub3A_109 : vector<16x20xf32>
    %sub3A_138 = arith.subf %max3A_136, %min3A_137 : vector<16x20xf32>
    %integer_pow3A = arith.mulf %sub3A_135, %sub3A_135 : vector<16x20xf32>
    %integer_pow3A_139 = arith.mulf %sub3A_138, %sub3A_138 : vector<16x20xf32>
    %add3A_140 = arith.addf %integer_pow3A, %integer_pow3A_139 : vector<16x20xf32>
    %add3A_141 = arith.constant 1.000000e-07 : f32
    %add3A_142 = vector.broadcast %add3A_141 : f32 to vector<16x20xf32>
    %add3A_143 = arith.addf %add3A_140, %add3A_142 : vector<16x20xf32>
    %sub3A_144 = arith.subf %squeeze3A, %mul3A_40 : vector<16x20xf32>
    %integer_pow3A_145 = arith.mulf %sub3A_144, %sub3A_144 : vector<16x20xf32>
    %sub3A_146 = arith.subf %squeeze3A_10, %mul3A_62 : vector<16x20xf32>
    %integer_pow3A_147 = arith.mulf %sub3A_146, %sub3A_146 : vector<16x20xf32>
    %add3A_148 = arith.addf %integer_pow3A_145, %integer_pow3A_147 : vector<16x20xf32>
    %add3A_149 = arith.constant 1.000000e-07 : f32
    %add3A_150 = vector.broadcast %add3A_149 : f32 to vector<16x20xf32>
    %add3A_151 = arith.addf %squeeze3A_14, %add3A_150 : vector<16x20xf32>
    %div3A_152 = arith.divf %squeeze3A_12, %add3A_151 : vector<16x20xf32>
    %gt3A = arith.constant 2.41421366 : f32
    %gt3A_153 = vector.broadcast %gt3A : f32 to vector<16x20xf32>
    %gt3A_154 = arith.cmpf ogt, %div3A_152, %gt3A_153 : vector<16x20xf32>
    %gt3A_155 = arith.constant 0.414213568 : f32
    %gt3A_156 = vector.broadcast %gt3A_155 : f32 to vector<16x20xf32>
    %gt3A_157 = arith.cmpf ogt, %div3A_152, %gt3A_156 : vector<16x20xf32>
    %div3A_158 = arith.constant -1.000000e+00 : f32
    %div3A_159 = vector.broadcast %div3A_158 : f32 to vector<16x20xf32>
    %div3A_160 = arith.divf %div3A_159, %div3A_152 : vector<16x20xf32>
    %sub3A_161 = arith.constant 1.000000e+00 : f32
    %sub3A_162 = vector.broadcast %sub3A_161 : f32 to vector<16x20xf32>
    %sub3A_163 = arith.subf %div3A_152, %sub3A_162 : vector<16x20xf32>
    %add3A_164 = arith.constant 1.000000e+00 : f32
    %add3A_165 = vector.broadcast %add3A_164 : f32 to vector<16x20xf32>
    %add3A_166 = arith.addf %div3A_152, %add3A_165 : vector<16x20xf32>
    %div3A_167 = arith.divf %sub3A_163, %add3A_166 : vector<16x20xf32>
    %select_n3A_168 = arith.select %gt3A_157, %div3A_167, %div3A_152 : vector<16x20xi1>, vector<16x20xf32>
    %select_n3A_169 = arith.select %gt3A_154, %div3A_160, %select_n3A_168 : vector<16x20xi1>, vector<16x20xf32>
    %jit3A_170 = arith.constant 0.785398185 : f32
    %jit3A_171 = arith.constant 0.000000e+00 : f32
    %broadcast_in_dim3A_172 = vector.broadcast %jit3A_170 : f32 to vector<16x20xf32>
    %broadcast_in_dim3A_173 = vector.broadcast %jit3A_171 : f32 to vector<16x20xf32>
    %select_n3A_174 = arith.select %gt3A_157, %broadcast_in_dim3A_172, %broadcast_in_dim3A_173 : vector<16x20xi1>, vector<16x20xf32>
    %jit3A_175 = arith.constant 1.57079637 : f32
    %broadcast_in_dim3A_176 = vector.broadcast %jit3A_175 : f32 to vector<16x20xf32>
    %select_n3A_177 = arith.select %gt3A_154, %broadcast_in_dim3A_176, %select_n3A_174 : vector<16x20xi1>, vector<16x20xf32>
    %mul3A_178 = arith.mulf %select_n3A_169, %select_n3A_169 : vector<16x20xf32>
    %mul3A_179 = arith.constant 0.0805374458 : f32
    %mul3A_180 = vector.broadcast %mul3A_179 : f32 to vector<16x20xf32>
    %mul3A_181 = arith.mulf %mul3A_180, %mul3A_178 : vector<16x20xf32>
    %sub3A_182 = arith.constant 0.138776854 : f32
    %sub3A_183 = vector.broadcast %sub3A_182 : f32 to vector<16x20xf32>
    %sub3A_184 = arith.subf %mul3A_181, %sub3A_183 : vector<16x20xf32>
    %mul3A_185 = arith.mulf %sub3A_184, %mul3A_178 : vector<16x20xf32>
    %add3A_186 = arith.constant 0.199777111 : f32
    %add3A_187 = vector.broadcast %add3A_186 : f32 to vector<16x20xf32>
    %add3A_188 = arith.addf %mul3A_185, %add3A_187 : vector<16x20xf32>
    %mul3A_189 = arith.mulf %add3A_188, %mul3A_178 : vector<16x20xf32>
    %sub3A_190 = arith.constant 0.333329499 : f32
    %sub3A_191 = vector.broadcast %sub3A_190 : f32 to vector<16x20xf32>
    %sub3A_192 = arith.subf %mul3A_189, %sub3A_191 : vector<16x20xf32>
    %mul3A_193 = arith.mulf %sub3A_192, %mul3A_178 : vector<16x20xf32>
    %mul3A_194 = arith.mulf %mul3A_193, %select_n3A_169 : vector<16x20xf32>
    %add3A_195 = arith.addf %mul3A_194, %select_n3A_169 : vector<16x20xf32>
    %add3A_196 = arith.addf %select_n3A_177, %add3A_195 : vector<16x20xf32>
    %add3A_197 = arith.constant 1.000000e-07 : f32
    %add3A_198 = vector.broadcast %add3A_197 : f32 to vector<16x20xf32>
    %add3A_199 = arith.addf %mul3A_82, %add3A_198 : vector<16x20xf32>
    %div3A_200 = arith.divf %mul3A_72, %add3A_199 : vector<16x20xf32>
    %gt3A_201 = arith.constant 2.41421366 : f32
    %gt3A_202 = vector.broadcast %gt3A_201 : f32 to vector<16x20xf32>
    %gt3A_203 = arith.cmpf ogt, %div3A_200, %gt3A_202 : vector<16x20xf32>
    %gt3A_204 = arith.constant 0.414213568 : f32
    %gt3A_205 = vector.broadcast %gt3A_204 : f32 to vector<16x20xf32>
    %gt3A_206 = arith.cmpf ogt, %div3A_200, %gt3A_205 : vector<16x20xf32>
    %div3A_207 = arith.constant -1.000000e+00 : f32
    %div3A_208 = vector.broadcast %div3A_207 : f32 to vector<16x20xf32>
    %div3A_209 = arith.divf %div3A_208, %div3A_200 : vector<16x20xf32>
    %sub3A_210 = arith.constant 1.000000e+00 : f32
    %sub3A_211 = vector.broadcast %sub3A_210 : f32 to vector<16x20xf32>
    %sub3A_212 = arith.subf %div3A_200, %sub3A_211 : vector<16x20xf32>
    %add3A_213 = arith.constant 1.000000e+00 : f32
    %add3A_214 = vector.broadcast %add3A_213 : f32 to vector<16x20xf32>
    %add3A_215 = arith.addf %div3A_200, %add3A_214 : vector<16x20xf32>
    %div3A_216 = arith.divf %sub3A_212, %add3A_215 : vector<16x20xf32>
    %select_n3A_217 = arith.select %gt3A_206, %div3A_216, %div3A_200 : vector<16x20xi1>, vector<16x20xf32>
    %select_n3A_218 = arith.select %gt3A_203, %div3A_209, %select_n3A_217 : vector<16x20xi1>, vector<16x20xf32>
    %jit3A_219 = arith.constant 0.785398185 : f32
    %jit3A_220 = arith.constant 0.000000e+00 : f32
    %broadcast_in_dim3A_221 = vector.broadcast %jit3A_219 : f32 to vector<16x20xf32>
    %broadcast_in_dim3A_222 = vector.broadcast %jit3A_220 : f32 to vector<16x20xf32>
    %select_n3A_223 = arith.select %gt3A_206, %broadcast_in_dim3A_221, %broadcast_in_dim3A_222 : vector<16x20xi1>, vector<16x20xf32>
    %jit3A_224 = arith.constant 1.57079637 : f32
    %broadcast_in_dim3A_225 = vector.broadcast %jit3A_224 : f32 to vector<16x20xf32>
    %select_n3A_226 = arith.select %gt3A_203, %broadcast_in_dim3A_225, %select_n3A_223 : vector<16x20xi1>, vector<16x20xf32>
    %mul3A_227 = arith.mulf %select_n3A_218, %select_n3A_218 : vector<16x20xf32>
    %mul3A_228 = arith.constant 0.0805374458 : f32
    %mul3A_229 = vector.broadcast %mul3A_228 : f32 to vector<16x20xf32>
    %mul3A_230 = arith.mulf %mul3A_229, %mul3A_227 : vector<16x20xf32>
    %sub3A_231 = arith.constant 0.138776854 : f32
    %sub3A_232 = vector.broadcast %sub3A_231 : f32 to vector<16x20xf32>
    %sub3A_233 = arith.subf %mul3A_230, %sub3A_232 : vector<16x20xf32>
    %mul3A_234 = arith.mulf %sub3A_233, %mul3A_227 : vector<16x20xf32>
    %add3A_235 = arith.constant 0.199777111 : f32
    %add3A_236 = vector.broadcast %add3A_235 : f32 to vector<16x20xf32>
    %add3A_237 = arith.addf %mul3A_234, %add3A_236 : vector<16x20xf32>
    %mul3A_238 = arith.mulf %add3A_237, %mul3A_227 : vector<16x20xf32>
    %sub3A_239 = arith.constant 0.333329499 : f32
    %sub3A_240 = vector.broadcast %sub3A_239 : f32 to vector<16x20xf32>
    %sub3A_241 = arith.subf %mul3A_238, %sub3A_240 : vector<16x20xf32>
    %mul3A_242 = arith.mulf %sub3A_241, %mul3A_227 : vector<16x20xf32>
    %mul3A_243 = arith.mulf %mul3A_242, %select_n3A_218 : vector<16x20xf32>
    %add3A_244 = arith.addf %mul3A_243, %select_n3A_218 : vector<16x20xf32>
    %add3A_245 = arith.addf %select_n3A_226, %add3A_244 : vector<16x20xf32>
    %sub3A_246 = arith.subf %add3A_196, %add3A_245 : vector<16x20xf32>
    %integer_pow3A_247 = arith.mulf %sub3A_246, %sub3A_246 : vector<16x20xf32>
    %mul3A_248 = arith.constant 0.405284733 : f32
    %mul3A_249 = vector.broadcast %mul3A_248 : f32 to vector<16x20xf32>
    %mul3A_250 = arith.mulf %mul3A_249, %integer_pow3A_247 : vector<16x20xf32>
    %sub3A_251 = arith.subf %mul3A_250, %div3A_132 : vector<16x20xf32>
    %add3A_252 = arith.constant 1.00000012 : f32
    %add3A_253 = vector.broadcast %add3A_252 : f32 to vector<16x20xf32>
    %add3A_254 = arith.addf %sub3A_251, %add3A_253 : vector<16x20xf32>
    %div3A_255 = arith.divf %mul3A_250, %add3A_254 : vector<16x20xf32>
    %div3A_256 = arith.divf %add3A_148, %add3A_143 : vector<16x20xf32>
    %mul3A_257 = arith.mulf %mul3A_250, %div3A_255 : vector<16x20xf32>
    %add3A_258 = arith.addf %div3A_256, %mul3A_257 : vector<16x20xf32>
    %sub3A_259 = arith.subf %div3A_132, %add3A_258 : vector<16x20xf32>
    %reduce_sum3A_260 = vector.shape_cast %squeeze3A_18 : vector<16x20xf32> to vector<1x16x20xf32>
    %reduce_sum3A_261 = arith.constant dense<0.000000e+00> : vector<1xf32>
    %reduce_sum3A_262 = vector.multi_reduction <add>, %reduce_sum3A_260, %reduce_sum3A_261 [1, 2] : vector<1x16x20xf32> to vector<1xf32>
    %reduce_sum3A_263 = vector.shape_cast %reduce_sum3A_262 : vector<1xf32> to vector<1x1x1xf32>
    %reduce_sum3A_264 = vector.extract %reduce_sum3A_263[0, 0, 0] : f32 from vector<1x1x1xf32>
    %sub3A_265 = arith.constant 1.000000e+00 : f32
    %sub3A_266 = vector.broadcast %sub3A_265 : f32 to vector<16x20xf32>
    %sub3A_267 = arith.subf %sub3A_266, %sub3A_259 : vector<16x20xf32>
    %mul3A_268 = arith.mulf %sub3A_267, %squeeze3A_18 : vector<16x20xf32>
    %reduce_sum3A_269 = vector.shape_cast %mul3A_268 : vector<16x20xf32> to vector<1x16x20xf32>
    %reduce_sum3A_270 = arith.constant dense<0.000000e+00> : vector<1xf32>
    %reduce_sum3A_271 = vector.multi_reduction <add>, %reduce_sum3A_269, %reduce_sum3A_270 [1, 2] : vector<1x16x20xf32> to vector<1xf32>
    %reduce_sum3A_272 = vector.shape_cast %reduce_sum3A_271 : vector<1xf32> to vector<1x1x1xf32>
    %reduce_sum3A_273 = vector.extract %reduce_sum3A_272[0, 0, 0] : f32 from vector<1x1x1xf32>
    %max3A_274 = arith.constant 1.000000e+00 : f32
    %max3A_275 = arith.maximumf %reduce_sum3A_264, %max3A_274 : f32
    %div3A_276 = arith.divf %reduce_sum3A_273, %max3A_275 : f32
    %eq3A_277 = arith.constant 4 : i32
    %eq3A_278 = vector.broadcast %eq3A_277 : i32 to vector<16x20x96xi32>
    %eq3A_279 = arith.cmpi eq, %iota3A, %eq3A_278 : vector<16x20x96xi32>
    %jit3A_280 = arith.constant 0.000000e+00 : f32
    %broadcast_in_dim3A_281 = vector.broadcast %jit3A_280 : f32 to vector<16x20x96xf32>
    %select_n3A_282 = arith.select %eq3A_279, %squeeze3A_16, %broadcast_in_dim3A_281 : vector<16x20x96xi1>, vector<16x20x96xf32>
    %reduce_sum3A_283 = arith.constant dense<0.000000e+00> : vector<16x20xf32>
    %reduce_sum3A_284 = vector.multi_reduction <add>, %select_n3A_282, %reduce_sum3A_283 [2] : vector<16x20x96xf32> to vector<16x20xf32>
    %get3A_285 = arith.constant 0 : index
    %get3A_286 = arith.constant 0 : index
    %get3A_287 = memref.load %arg3[%get3A_285, %get3A_286] : memref<1x4xf32, #tpu.memory_space<smem>>
    %mul3A_288 = arith.constant 5.000000e-01 : f32
    %mul3A_289 = arith.mulf %mul3A_288, %get3A_287 : f32
    %max3A_290 = arith.constant 0.000000e+00 : f32
    %max3A_291 = vector.broadcast %max3A_290 : f32 to vector<16x20xf32>
    %max3A_292 = arith.maximumf %reduce_sum3A_284, %max3A_291 : vector<16x20xf32>
    %abs3A = math.absf %reduce_sum3A_284 : vector<16x20xf32>
    %neg3A_293 = arith.constant 0.000000e+00 : f32
    %neg3A_294 = vector.broadcast %neg3A_293 : f32 to vector<16x20xf32>
    %neg3A_295 = arith.subf %neg3A_294, %abs3A : vector<16x20xf32>
    %exp3A_296 = math.exp %neg3A_295 : vector<16x20xf32>
    %add3A_297 = arith.constant 1.000000e+00 : f32
    %add3A_298 = vector.broadcast %add3A_297 : f32 to vector<16x20xf32>
    %add3A_299 = arith.addf %add3A_298, %exp3A_296 : vector<16x20xf32>
    %log3A = math.log %add3A_299 : vector<16x20xf32>
    %add3A_300 = arith.addf %max3A_292, %log3A : vector<16x20xf32>
    %mul3A_301 = arith.constant 5.000000e-01 : f32
    %mul3A_302 = vector.broadcast %mul3A_301 : f32 to vector<16x20xf32>
    %mul3A_303 = arith.mulf %mul3A_302, %add3A_300 : vector<16x20xf32>
    %sub3A_304 = arith.subf %mul3A_303, %reduce_sum3A_284 : vector<16x20xf32>
    %mul3A_305 = arith.mulf %sub3A_304, %squeeze3A_18 : vector<16x20xf32>
    %reduce_sum3A_306 = vector.shape_cast %mul3A_305 : vector<16x20xf32> to vector<1x16x20xf32>
    %reduce_sum3A_307 = arith.constant dense<0.000000e+00> : vector<1xf32>
    %reduce_sum3A_308 = vector.multi_reduction <add>, %reduce_sum3A_306, %reduce_sum3A_307 [1, 2] : vector<1x16x20xf32> to vector<1xf32>
    %reduce_sum3A_309 = vector.shape_cast %reduce_sum3A_308 : vector<1xf32> to vector<1x1x1xf32>
    %reduce_sum3A_310 = vector.extract %reduce_sum3A_309[0, 0, 0] : f32 from vector<1x1x1xf32>
    %add3A_311 = arith.addf %mul3A_289, %reduce_sum3A_310 : f32
    %mul3A_312 = arith.constant 4.000000e+00 : f32
    %mul3A_313 = arith.mulf %mul3A_312, %add3A_311 : f32
    %ge3A = arith.constant 5 : i32
    %ge3A_314 = vector.broadcast %ge3A : i32 to vector<16x20x96xi32>
    %ge3A_315 = arith.cmpi sge, %iota3A, %ge3A_314 : vector<16x20x96xi32>
    %le3A = arith.constant 84 : i32
    %le3A_316 = vector.broadcast %le3A : i32 to vector<16x20x96xi32>
    %le3A_317 = arith.cmpi sle, %iota3A, %le3A_316 : vector<16x20x96xi32>
    %and3A = arith.andi %ge3A_315, %le3A_317 : vector<16x20x96xi1>
    %max3A_318 = arith.constant 0.000000e+00 : f32
    %max3A_319 = vector.broadcast %max3A_318 : f32 to vector<16x20x96xf32>
    %max3A_320 = arith.maximumf %squeeze3A_16, %max3A_319 : vector<16x20x96xf32>
    %abs3A_321 = math.absf %squeeze3A_16 : vector<16x20x96xf32>
    %neg3A_322 = arith.constant 0.000000e+00 : f32
    %neg3A_323 = vector.broadcast %neg3A_322 : f32 to vector<16x20x96xf32>
    %neg3A_324 = arith.subf %neg3A_323, %abs3A_321 : vector<16x20x96xf32>
    %exp3A_325 = math.exp %neg3A_324 : vector<16x20x96xf32>
    %add3A_326 = arith.constant 1.000000e+00 : f32
    %add3A_327 = vector.broadcast %add3A_326 : f32 to vector<16x20x96xf32>
    %add3A_328 = arith.addf %add3A_327, %exp3A_325 : vector<16x20x96xf32>
    %log3A_329 = math.log %add3A_328 : vector<16x20x96xf32>
    %add3A_330 = arith.addf %max3A_320, %log3A_329 : vector<16x20x96xf32>
    %jit3A_331 = arith.constant 0.000000e+00 : f32
    %broadcast_in_dim3A_332 = vector.broadcast %jit3A_331 : f32 to vector<16x20x96xf32>
    %select_n3A_333 = arith.select %and3A, %add3A_330, %broadcast_in_dim3A_332 : vector<16x20x96xi1>, vector<16x20x96xf32>
    %reduce_sum3A_334 = arith.constant dense<0.000000e+00> : vector<16x20xf32>
    %reduce_sum3A_335 = vector.multi_reduction <add>, %select_n3A_333, %reduce_sum3A_334 [2] : vector<16x20x96xf32> to vector<16x20xf32>
    %mul3A_336 = arith.mulf %reduce_sum3A_335, %squeeze3A_18 : vector<16x20xf32>
    %reduce_sum3A_337 = vector.shape_cast %mul3A_336 : vector<16x20xf32> to vector<1x16x20xf32>
    %reduce_sum3A_338 = arith.constant dense<0.000000e+00> : vector<1xf32>
    %reduce_sum3A_339 = vector.multi_reduction <add>, %reduce_sum3A_337, %reduce_sum3A_338 [1, 2] : vector<1x16x20xf32> to vector<1xf32>
    %reduce_sum3A_340 = vector.shape_cast %reduce_sum3A_339 : vector<1xf32> to vector<1x1x1xf32>
    %reduce_sum3A_341 = vector.extract %reduce_sum3A_340[0, 0, 0] : f32 from vector<1x1x1xf32>
    %eq3A_342 = arith.constant 85 : i32
    %eq3A_343 = vector.broadcast %eq3A_342 : i32 to vector<16x20x96xi32>
    %eq3A_344 = arith.cmpi eq, %iota3A, %eq3A_343 : vector<16x20x96xi32>
    %jit3A_345 = arith.constant 0.000000e+00 : f32
    %broadcast_in_dim3A_346 = vector.broadcast %jit3A_345 : f32 to vector<16x20x96xf32>
    %select_n3A_347 = arith.select %eq3A_344, %squeeze3A_16, %broadcast_in_dim3A_346 : vector<16x20x96xi1>, vector<16x20x96xf32>
    %reduce_sum3A_348 = arith.constant dense<0.000000e+00> : vector<16x20xf32>
    %reduce_sum3A_349 = vector.multi_reduction <add>, %select_n3A_347, %reduce_sum3A_348 [2] : vector<16x20x96xf32> to vector<16x20xf32>
    %mul3A_350 = arith.mulf %reduce_sum3A_349, %squeeze3A_20 : vector<16x20xf32>
    %reduce_sum3A_351 = vector.shape_cast %mul3A_350 : vector<16x20xf32> to vector<1x16x20xf32>
    %reduce_sum3A_352 = arith.constant dense<0.000000e+00> : vector<1xf32>
    %reduce_sum3A_353 = vector.multi_reduction <add>, %reduce_sum3A_351, %reduce_sum3A_352 [1, 2] : vector<1x16x20xf32> to vector<1xf32>
    %reduce_sum3A_354 = vector.shape_cast %reduce_sum3A_353 : vector<1xf32> to vector<1x1x1xf32>
    %reduce_sum3A_355 = vector.extract %reduce_sum3A_354[0, 0, 0] : f32 from vector<1x1x1xf32>
    %sub3A_356 = arith.subf %reduce_sum3A_341, %reduce_sum3A_355 : f32
    %add3A_357 = arith.addf %div3A_276, %mul3A_313 : f32
    %mul3A_358 = arith.constant 5.000000e-01 : f32
    %mul3A_359 = arith.mulf %mul3A_358, %sub3A_356 : f32
    %add3A_360 = arith.addf %add3A_357, %mul3A_359 : f32
    %add3A_361 = arith.constant 0.000000e+00 : f32
    %add3A_362 = arith.addf %add3A_361, %add3A_360 : f32
    %slice3A_363 = vector.extract_strided_slice %get3A_3 {offsets = [1, 0, 0, 0], sizes = [1, 16, 20, 96], strides = [1, 1, 1, 1]} : vector<3x16x20x96xf32> to vector<1x16x20x96xf32>
    %squeeze3A_364 = vector.shape_cast %slice3A_363 : vector<1x16x20x96xf32> to vector<16x20x96xf32>
    %slice3A_365 = vector.extract_strided_slice %get3A_8 {offsets = [1, 0, 0, 0], sizes = [1, 1, 16, 20], strides = [1, 1, 1, 1]} : vector<3x12x16x20xf32> to vector<1x1x16x20xf32>
    %squeeze3A_366 = vector.shape_cast %slice3A_365 : vector<1x1x16x20xf32> to vector<16x20xf32>
    %slice3A_367 = vector.extract_strided_slice %get3A_8 {offsets = [1, 1, 0, 0], sizes = [1, 1, 16, 20], strides = [1, 1, 1, 1]} : vector<3x12x16x20xf32> to vector<1x1x16x20xf32>
    %squeeze3A_368 = vector.shape_cast %slice3A_367 : vector<1x1x16x20xf32> to vector<16x20xf32>
    %slice3A_369 = vector.extract_strided_slice %get3A_8 {offsets = [1, 2, 0, 0], sizes = [1, 1, 16, 20], strides = [1, 1, 1, 1]} : vector<3x12x16x20xf32> to vector<1x1x16x20xf32>
    %squeeze3A_370 = vector.shape_cast %slice3A_369 : vector<1x1x16x20xf32> to vector<16x20xf32>
    %slice3A_371 = vector.extract_strided_slice %get3A_8 {offsets = [1, 3, 0, 0], sizes = [1, 1, 16, 20], strides = [1, 1, 1, 1]} : vector<3x12x16x20xf32> to vector<1x1x16x20xf32>
    %squeeze3A_372 = vector.shape_cast %slice3A_371 : vector<1x1x16x20xf32> to vector<16x20xf32>
    %slice3A_373 = vector.extract_strided_slice %get3A_8 {offsets = [1, 4, 0, 0], sizes = [1, 1, 16, 20], strides = [1, 1, 1, 1]} : vector<3x12x16x20xf32> to vector<1x1x16x20xf32>
    %squeeze3A_374 = vector.shape_cast %slice3A_373 : vector<1x1x16x20xf32> to vector<16x20xf32>
    %slice3A_375 = vector.extract_strided_slice %get3A_8 {offsets = [1, 5, 0, 0], sizes = [1, 1, 16, 20], strides = [1, 1, 1, 1]} : vector<3x12x16x20xf32> to vector<1x1x16x20xf32>
    %squeeze3A_376 = vector.shape_cast %slice3A_375 : vector<1x1x16x20xf32> to vector<16x20xf32>
    %eq3A_377 = arith.constant 0 : i32
    %eq3A_378 = vector.broadcast %eq3A_377 : i32 to vector<16x20x96xi32>
    %eq3A_379 = arith.cmpi eq, %iota3A, %eq3A_378 : vector<16x20x96xi32>
    %jit3A_380 = arith.constant 0.000000e+00 : f32
    %broadcast_in_dim3A_381 = vector.broadcast %jit3A_380 : f32 to vector<16x20x96xf32>
    %select_n3A_382 = arith.select %eq3A_379, %squeeze3A_364, %broadcast_in_dim3A_381 : vector<16x20x96xi1>, vector<16x20x96xf32>
    %reduce_sum3A_383 = arith.constant dense<0.000000e+00> : vector<16x20xf32>
    %reduce_sum3A_384 = vector.multi_reduction <add>, %select_n3A_382, %reduce_sum3A_383 [2] : vector<16x20x96xf32> to vector<16x20xf32>
    %neg3A_385 = arith.constant 0.000000e+00 : f32
    %neg3A_386 = vector.broadcast %neg3A_385 : f32 to vector<16x20xf32>
    %neg3A_387 = arith.subf %neg3A_386, %reduce_sum3A_384 : vector<16x20xf32>
    %exp3A_388 = math.exp %neg3A_387 : vector<16x20xf32>
    %add3A_389 = arith.constant 1.000000e+00 : f32
    %add3A_390 = vector.broadcast %add3A_389 : f32 to vector<16x20xf32>
    %add3A_391 = arith.addf %add3A_390, %exp3A_388 : vector<16x20xf32>
    %div3A_392 = arith.constant 1.000000e+00 : f32
    %div3A_393 = vector.broadcast %div3A_392 : f32 to vector<16x20xf32>
    %div3A_394 = arith.divf %div3A_393, %add3A_391 : vector<16x20xf32>
    %add3A_395 = arith.addf %div3A_394, %squeeze3A_372 : vector<16x20xf32>
    %mul3A_396 = arith.constant 1.600000e+01 : f32
    %mul3A_397 = vector.broadcast %mul3A_396 : f32 to vector<16x20xf32>
    %mul3A_398 = arith.mulf %add3A_395, %mul3A_397 : vector<16x20xf32>
    %eq3A_399 = arith.constant 1 : i32
    %eq3A_400 = vector.broadcast %eq3A_399 : i32 to vector<16x20x96xi32>
    %eq3A_401 = arith.cmpi eq, %iota3A, %eq3A_400 : vector<16x20x96xi32>
    %jit3A_402 = arith.constant 0.000000e+00 : f32
    %broadcast_in_dim3A_403 = vector.broadcast %jit3A_402 : f32 to vector<16x20x96xf32>
    %select_n3A_404 = arith.select %eq3A_401, %squeeze3A_364, %broadcast_in_dim3A_403 : vector<16x20x96xi1>, vector<16x20x96xf32>
    %reduce_sum3A_405 = arith.constant dense<0.000000e+00> : vector<16x20xf32>
    %reduce_sum3A_406 = vector.multi_reduction <add>, %select_n3A_404, %reduce_sum3A_405 [2] : vector<16x20x96xf32> to vector<16x20xf32>
    %neg3A_407 = arith.constant 0.000000e+00 : f32
    %neg3A_408 = vector.broadcast %neg3A_407 : f32 to vector<16x20xf32>
    %neg3A_409 = arith.subf %neg3A_408, %reduce_sum3A_406 : vector<16x20xf32>
    %exp3A_410 = math.exp %neg3A_409 : vector<16x20xf32>
    %add3A_411 = arith.constant 1.000000e+00 : f32
    %add3A_412 = vector.broadcast %add3A_411 : f32 to vector<16x20xf32>
    %add3A_413 = arith.addf %add3A_412, %exp3A_410 : vector<16x20xf32>
    %div3A_414 = arith.constant 1.000000e+00 : f32
    %div3A_415 = vector.broadcast %div3A_414 : f32 to vector<16x20xf32>
    %div3A_416 = arith.divf %div3A_415, %add3A_413 : vector<16x20xf32>
    %add3A_417 = arith.addf %div3A_416, %squeeze3A_370 : vector<16x20xf32>
    %mul3A_418 = arith.constant 1.600000e+01 : f32
    %mul3A_419 = vector.broadcast %mul3A_418 : f32 to vector<16x20xf32>
    %mul3A_420 = arith.mulf %add3A_417, %mul3A_419 : vector<16x20xf32>
    %eq3A_421 = arith.constant 2 : i32
    %eq3A_422 = vector.broadcast %eq3A_421 : i32 to vector<16x20x96xi32>
    %eq3A_423 = arith.cmpi eq, %iota3A, %eq3A_422 : vector<16x20x96xi32>
    %jit3A_424 = arith.constant 0.000000e+00 : f32
    %broadcast_in_dim3A_425 = vector.broadcast %jit3A_424 : f32 to vector<16x20x96xf32>
    %select_n3A_426 = arith.select %eq3A_423, %squeeze3A_364, %broadcast_in_dim3A_425 : vector<16x20x96xi1>, vector<16x20x96xf32>
    %reduce_sum3A_427 = arith.constant dense<0.000000e+00> : vector<16x20xf32>
    %reduce_sum3A_428 = vector.multi_reduction <add>, %select_n3A_426, %reduce_sum3A_427 [2] : vector<16x20x96xf32> to vector<16x20xf32>
    %exp3A_429 = math.exp %reduce_sum3A_428 : vector<16x20xf32>
    %mul3A_430 = arith.mulf %exp3A_429, %squeeze3A_374 : vector<16x20xf32>
    %eq3A_431 = arith.constant 3 : i32
    %eq3A_432 = vector.broadcast %eq3A_431 : i32 to vector<16x20x96xi32>
    %eq3A_433 = arith.cmpi eq, %iota3A, %eq3A_432 : vector<16x20x96xi32>
    %jit3A_434 = arith.constant 0.000000e+00 : f32
    %broadcast_in_dim3A_435 = vector.broadcast %jit3A_434 : f32 to vector<16x20x96xf32>
    %select_n3A_436 = arith.select %eq3A_433, %squeeze3A_364, %broadcast_in_dim3A_435 : vector<16x20x96xi1>, vector<16x20x96xf32>
    %reduce_sum3A_437 = arith.constant dense<0.000000e+00> : vector<16x20xf32>
    %reduce_sum3A_438 = vector.multi_reduction <add>, %select_n3A_436, %reduce_sum3A_437 [2] : vector<16x20x96xf32> to vector<16x20xf32>
    %exp3A_439 = math.exp %reduce_sum3A_438 : vector<16x20xf32>
    %mul3A_440 = arith.mulf %exp3A_439, %squeeze3A_376 : vector<16x20xf32>
    %div3A_441 = arith.constant 2.000000e+00 : f32
    %div3A_442 = vector.broadcast %div3A_441 : f32 to vector<16x20xf32>
    %div3A_443 = arith.divf %mul3A_430, %div3A_442 : vector<16x20xf32>
    %sub3A_444 = arith.subf %mul3A_398, %div3A_443 : vector<16x20xf32>
    %div3A_445 = arith.constant 2.000000e+00 : f32
    %div3A_446 = vector.broadcast %div3A_445 : f32 to vector<16x20xf32>
    %div3A_447 = arith.divf %mul3A_430, %div3A_446 : vector<16x20xf32>
    %add3A_448 = arith.addf %mul3A_398, %div3A_447 : vector<16x20xf32>
    %div3A_449 = arith.constant 2.000000e+00 : f32
    %div3A_450 = vector.broadcast %div3A_449 : f32 to vector<16x20xf32>
    %div3A_451 = arith.divf %mul3A_440, %div3A_450 : vector<16x20xf32>
    %sub3A_452 = arith.subf %mul3A_420, %div3A_451 : vector<16x20xf32>
    %div3A_453 = arith.constant 2.000000e+00 : f32
    %div3A_454 = vector.broadcast %div3A_453 : f32 to vector<16x20xf32>
    %div3A_455 = arith.divf %mul3A_440, %div3A_454 : vector<16x20xf32>
    %add3A_456 = arith.addf %mul3A_420, %div3A_455 : vector<16x20xf32>
    %div3A_457 = arith.constant 2.000000e+00 : f32
    %div3A_458 = vector.broadcast %div3A_457 : f32 to vector<16x20xf32>
    %div3A_459 = arith.divf %squeeze3A_12, %div3A_458 : vector<16x20xf32>
    %sub3A_460 = arith.subf %squeeze3A, %div3A_459 : vector<16x20xf32>
    %div3A_461 = arith.constant 2.000000e+00 : f32
    %div3A_462 = vector.broadcast %div3A_461 : f32 to vector<16x20xf32>
    %div3A_463 = arith.divf %squeeze3A_12, %div3A_462 : vector<16x20xf32>
    %add3A_464 = arith.addf %squeeze3A, %div3A_463 : vector<16x20xf32>
    %div3A_465 = arith.constant 2.000000e+00 : f32
    %div3A_466 = vector.broadcast %div3A_465 : f32 to vector<16x20xf32>
    %div3A_467 = arith.divf %squeeze3A_14, %div3A_466 : vector<16x20xf32>
    %sub3A_468 = arith.subf %squeeze3A_10, %div3A_467 : vector<16x20xf32>
    %div3A_469 = arith.constant 2.000000e+00 : f32
    %div3A_470 = vector.broadcast %div3A_469 : f32 to vector<16x20xf32>
    %div3A_471 = arith.divf %squeeze3A_14, %div3A_470 : vector<16x20xf32>
    %add3A_472 = arith.addf %squeeze3A_10, %div3A_471 : vector<16x20xf32>
    %min3A_473 = arith.minimumf %add3A_448, %add3A_464 : vector<16x20xf32>
    %max3A_474 = arith.maximumf %sub3A_444, %sub3A_460 : vector<16x20xf32>
    %sub3A_475 = arith.subf %min3A_473, %max3A_474 : vector<16x20xf32>
    %jit3A_476 = arith.constant 0.000000e+00 : f32
    %max3A_477 = vector.broadcast %jit3A_476 : f32 to vector<16x20xf32>
    %max3A_478 = arith.maximumf %max3A_477, %sub3A_475 : vector<16x20xf32>
    %min3A_479 = arith.minimumf %add3A_456, %add3A_472 : vector<16x20xf32>
    %max3A_480 = arith.maximumf %sub3A_452, %sub3A_468 : vector<16x20xf32>
    %sub3A_481 = arith.subf %min3A_479, %max3A_480 : vector<16x20xf32>
    %jit3A_482 = arith.constant 0.000000e+00 : f32
    %max3A_483 = vector.broadcast %jit3A_482 : f32 to vector<16x20xf32>
    %max3A_484 = arith.maximumf %max3A_483, %sub3A_481 : vector<16x20xf32>
    %mul3A_485 = arith.mulf %max3A_478, %max3A_484 : vector<16x20xf32>
    %mul3A_486 = arith.mulf %mul3A_430, %mul3A_440 : vector<16x20xf32>
    %mul3A_487 = arith.mulf %squeeze3A_12, %squeeze3A_14 : vector<16x20xf32>
    %add3A_488 = arith.addf %mul3A_486, %mul3A_487 : vector<16x20xf32>
    %sub3A_489 = arith.subf %add3A_488, %mul3A_485 : vector<16x20xf32>
    %add3A_490 = arith.constant 1.000000e-07 : f32
    %add3A_491 = vector.broadcast %add3A_490 : f32 to vector<16x20xf32>
    %add3A_492 = arith.addf %sub3A_489, %add3A_491 : vector<16x20xf32>
    %div3A_493 = arith.divf %mul3A_485, %add3A_492 : vector<16x20xf32>
    %max3A_494 = arith.maximumf %add3A_448, %add3A_464 : vector<16x20xf32>
    %min3A_495 = arith.minimumf %sub3A_444, %sub3A_460 : vector<16x20xf32>
    %sub3A_496 = arith.subf %max3A_494, %min3A_495 : vector<16x20xf32>
    %max3A_497 = arith.maximumf %add3A_456, %add3A_472 : vector<16x20xf32>
    %min3A_498 = arith.minimumf %sub3A_452, %sub3A_468 : vector<16x20xf32>
    %sub3A_499 = arith.subf %max3A_497, %min3A_498 : vector<16x20xf32>
    %integer_pow3A_500 = arith.mulf %sub3A_496, %sub3A_496 : vector<16x20xf32>
    %integer_pow3A_501 = arith.mulf %sub3A_499, %sub3A_499 : vector<16x20xf32>
    %add3A_502 = arith.addf %integer_pow3A_500, %integer_pow3A_501 : vector<16x20xf32>
    %add3A_503 = arith.constant 1.000000e-07 : f32
    %add3A_504 = vector.broadcast %add3A_503 : f32 to vector<16x20xf32>
    %add3A_505 = arith.addf %add3A_502, %add3A_504 : vector<16x20xf32>
    %sub3A_506 = arith.subf %squeeze3A, %mul3A_398 : vector<16x20xf32>
    %integer_pow3A_507 = arith.mulf %sub3A_506, %sub3A_506 : vector<16x20xf32>
    %sub3A_508 = arith.subf %squeeze3A_10, %mul3A_420 : vector<16x20xf32>
    %integer_pow3A_509 = arith.mulf %sub3A_508, %sub3A_508 : vector<16x20xf32>
    %add3A_510 = arith.addf %integer_pow3A_507, %integer_pow3A_509 : vector<16x20xf32>
    %add3A_511 = arith.constant 1.000000e-07 : f32
    %add3A_512 = vector.broadcast %add3A_511 : f32 to vector<16x20xf32>
    %add3A_513 = arith.addf %squeeze3A_14, %add3A_512 : vector<16x20xf32>
    %div3A_514 = arith.divf %squeeze3A_12, %add3A_513 : vector<16x20xf32>
    %gt3A_515 = arith.constant 2.41421366 : f32
    %gt3A_516 = vector.broadcast %gt3A_515 : f32 to vector<16x20xf32>
    %gt3A_517 = arith.cmpf ogt, %div3A_514, %gt3A_516 : vector<16x20xf32>
    %gt3A_518 = arith.constant 0.414213568 : f32
    %gt3A_519 = vector.broadcast %gt3A_518 : f32 to vector<16x20xf32>
    %gt3A_520 = arith.cmpf ogt, %div3A_514, %gt3A_519 : vector<16x20xf32>
    %div3A_521 = arith.constant -1.000000e+00 : f32
    %div3A_522 = vector.broadcast %div3A_521 : f32 to vector<16x20xf32>
    %div3A_523 = arith.divf %div3A_522, %div3A_514 : vector<16x20xf32>
    %sub3A_524 = arith.constant 1.000000e+00 : f32
    %sub3A_525 = vector.broadcast %sub3A_524 : f32 to vector<16x20xf32>
    %sub3A_526 = arith.subf %div3A_514, %sub3A_525 : vector<16x20xf32>
    %add3A_527 = arith.constant 1.000000e+00 : f32
    %add3A_528 = vector.broadcast %add3A_527 : f32 to vector<16x20xf32>
    %add3A_529 = arith.addf %div3A_514, %add3A_528 : vector<16x20xf32>
    %div3A_530 = arith.divf %sub3A_526, %add3A_529 : vector<16x20xf32>
    %select_n3A_531 = arith.select %gt3A_520, %div3A_530, %div3A_514 : vector<16x20xi1>, vector<16x20xf32>
    %select_n3A_532 = arith.select %gt3A_517, %div3A_523, %select_n3A_531 : vector<16x20xi1>, vector<16x20xf32>
    %jit3A_533 = arith.constant 0.785398185 : f32
    %jit3A_534 = arith.constant 0.000000e+00 : f32
    %broadcast_in_dim3A_535 = vector.broadcast %jit3A_533 : f32 to vector<16x20xf32>
    %broadcast_in_dim3A_536 = vector.broadcast %jit3A_534 : f32 to vector<16x20xf32>
    %select_n3A_537 = arith.select %gt3A_520, %broadcast_in_dim3A_535, %broadcast_in_dim3A_536 : vector<16x20xi1>, vector<16x20xf32>
    %jit3A_538 = arith.constant 1.57079637 : f32
    %broadcast_in_dim3A_539 = vector.broadcast %jit3A_538 : f32 to vector<16x20xf32>
    %select_n3A_540 = arith.select %gt3A_517, %broadcast_in_dim3A_539, %select_n3A_537 : vector<16x20xi1>, vector<16x20xf32>
    %mul3A_541 = arith.mulf %select_n3A_532, %select_n3A_532 : vector<16x20xf32>
    %mul3A_542 = arith.constant 0.0805374458 : f32
    %mul3A_543 = vector.broadcast %mul3A_542 : f32 to vector<16x20xf32>
    %mul3A_544 = arith.mulf %mul3A_543, %mul3A_541 : vector<16x20xf32>
    %sub3A_545 = arith.constant 0.138776854 : f32
    %sub3A_546 = vector.broadcast %sub3A_545 : f32 to vector<16x20xf32>
    %sub3A_547 = arith.subf %mul3A_544, %sub3A_546 : vector<16x20xf32>
    %mul3A_548 = arith.mulf %sub3A_547, %mul3A_541 : vector<16x20xf32>
    %add3A_549 = arith.constant 0.199777111 : f32
    %add3A_550 = vector.broadcast %add3A_549 : f32 to vector<16x20xf32>
    %add3A_551 = arith.addf %mul3A_548, %add3A_550 : vector<16x20xf32>
    %mul3A_552 = arith.mulf %add3A_551, %mul3A_541 : vector<16x20xf32>
    %sub3A_553 = arith.constant 0.333329499 : f32
    %sub3A_554 = vector.broadcast %sub3A_553 : f32 to vector<16x20xf32>
    %sub3A_555 = arith.subf %mul3A_552, %sub3A_554 : vector<16x20xf32>
    %mul3A_556 = arith.mulf %sub3A_555, %mul3A_541 : vector<16x20xf32>
    %mul3A_557 = arith.mulf %mul3A_556, %select_n3A_532 : vector<16x20xf32>
    %add3A_558 = arith.addf %mul3A_557, %select_n3A_532 : vector<16x20xf32>
    %add3A_559 = arith.addf %select_n3A_540, %add3A_558 : vector<16x20xf32>
    %add3A_560 = arith.constant 1.000000e-07 : f32
    %add3A_561 = vector.broadcast %add3A_560 : f32 to vector<16x20xf32>
    %add3A_562 = arith.addf %mul3A_440, %add3A_561 : vector<16x20xf32>
    %div3A_563 = arith.divf %mul3A_430, %add3A_562 : vector<16x20xf32>
    %gt3A_564 = arith.constant 2.41421366 : f32
    %gt3A_565 = vector.broadcast %gt3A_564 : f32 to vector<16x20xf32>
    %gt3A_566 = arith.cmpf ogt, %div3A_563, %gt3A_565 : vector<16x20xf32>
    %gt3A_567 = arith.constant 0.414213568 : f32
    %gt3A_568 = vector.broadcast %gt3A_567 : f32 to vector<16x20xf32>
    %gt3A_569 = arith.cmpf ogt, %div3A_563, %gt3A_568 : vector<16x20xf32>
    %div3A_570 = arith.constant -1.000000e+00 : f32
    %div3A_571 = vector.broadcast %div3A_570 : f32 to vector<16x20xf32>
    %div3A_572 = arith.divf %div3A_571, %div3A_563 : vector<16x20xf32>
    %sub3A_573 = arith.constant 1.000000e+00 : f32
    %sub3A_574 = vector.broadcast %sub3A_573 : f32 to vector<16x20xf32>
    %sub3A_575 = arith.subf %div3A_563, %sub3A_574 : vector<16x20xf32>
    %add3A_576 = arith.constant 1.000000e+00 : f32
    %add3A_577 = vector.broadcast %add3A_576 : f32 to vector<16x20xf32>
    %add3A_578 = arith.addf %div3A_563, %add3A_577 : vector<16x20xf32>
    %div3A_579 = arith.divf %sub3A_575, %add3A_578 : vector<16x20xf32>
    %select_n3A_580 = arith.select %gt3A_569, %div3A_579, %div3A_563 : vector<16x20xi1>, vector<16x20xf32>
    %select_n3A_581 = arith.select %gt3A_566, %div3A_572, %select_n3A_580 : vector<16x20xi1>, vector<16x20xf32>
    %jit3A_582 = arith.constant 0.785398185 : f32
    %jit3A_583 = arith.constant 0.000000e+00 : f32
    %broadcast_in_dim3A_584 = vector.broadcast %jit3A_582 : f32 to vector<16x20xf32>
    %broadcast_in_dim3A_585 = vector.broadcast %jit3A_583 : f32 to vector<16x20xf32>
    %select_n3A_586 = arith.select %gt3A_569, %broadcast_in_dim3A_584, %broadcast_in_dim3A_585 : vector<16x20xi1>, vector<16x20xf32>
    %jit3A_587 = arith.constant 1.57079637 : f32
    %broadcast_in_dim3A_588 = vector.broadcast %jit3A_587 : f32 to vector<16x20xf32>
    %select_n3A_589 = arith.select %gt3A_566, %broadcast_in_dim3A_588, %select_n3A_586 : vector<16x20xi1>, vector<16x20xf32>
    %mul3A_590 = arith.mulf %select_n3A_581, %select_n3A_581 : vector<16x20xf32>
    %mul3A_591 = arith.constant 0.0805374458 : f32
    %mul3A_592 = vector.broadcast %mul3A_591 : f32 to vector<16x20xf32>
    %mul3A_593 = arith.mulf %mul3A_592, %mul3A_590 : vector<16x20xf32>
    %sub3A_594 = arith.constant 0.138776854 : f32
    %sub3A_595 = vector.broadcast %sub3A_594 : f32 to vector<16x20xf32>
    %sub3A_596 = arith.subf %mul3A_593, %sub3A_595 : vector<16x20xf32>
    %mul3A_597 = arith.mulf %sub3A_596, %mul3A_590 : vector<16x20xf32>
    %add3A_598 = arith.constant 0.199777111 : f32
    %add3A_599 = vector.broadcast %add3A_598 : f32 to vector<16x20xf32>
    %add3A_600 = arith.addf %mul3A_597, %add3A_599 : vector<16x20xf32>
    %mul3A_601 = arith.mulf %add3A_600, %mul3A_590 : vector<16x20xf32>
    %sub3A_602 = arith.constant 0.333329499 : f32
    %sub3A_603 = vector.broadcast %sub3A_602 : f32 to vector<16x20xf32>
    %sub3A_604 = arith.subf %mul3A_601, %sub3A_603 : vector<16x20xf32>
    %mul3A_605 = arith.mulf %sub3A_604, %mul3A_590 : vector<16x20xf32>
    %mul3A_606 = arith.mulf %mul3A_605, %select_n3A_581 : vector<16x20xf32>
    %add3A_607 = arith.addf %mul3A_606, %select_n3A_581 : vector<16x20xf32>
    %add3A_608 = arith.addf %select_n3A_589, %add3A_607 : vector<16x20xf32>
    %sub3A_609 = arith.subf %add3A_559, %add3A_608 : vector<16x20xf32>
    %integer_pow3A_610 = arith.mulf %sub3A_609, %sub3A_609 : vector<16x20xf32>
    %mul3A_611 = arith.constant 0.405284733 : f32
    %mul3A_612 = vector.broadcast %mul3A_611 : f32 to vector<16x20xf32>
    %mul3A_613 = arith.mulf %mul3A_612, %integer_pow3A_610 : vector<16x20xf32>
    %sub3A_614 = arith.subf %mul3A_613, %div3A_493 : vector<16x20xf32>
    %add3A_615 = arith.constant 1.00000012 : f32
    %add3A_616 = vector.broadcast %add3A_615 : f32 to vector<16x20xf32>
    %add3A_617 = arith.addf %sub3A_614, %add3A_616 : vector<16x20xf32>
    %div3A_618 = arith.divf %mul3A_613, %add3A_617 : vector<16x20xf32>
    %div3A_619 = arith.divf %add3A_510, %add3A_505 : vector<16x20xf32>
    %mul3A_620 = arith.mulf %mul3A_613, %div3A_618 : vector<16x20xf32>
    %add3A_621 = arith.addf %div3A_619, %mul3A_620 : vector<16x20xf32>
    %sub3A_622 = arith.subf %div3A_493, %add3A_621 : vector<16x20xf32>
    %reduce_sum3A_623 = vector.shape_cast %squeeze3A_366 : vector<16x20xf32> to vector<1x16x20xf32>
    %reduce_sum3A_624 = arith.constant dense<0.000000e+00> : vector<1xf32>
    %reduce_sum3A_625 = vector.multi_reduction <add>, %reduce_sum3A_623, %reduce_sum3A_624 [1, 2] : vector<1x16x20xf32> to vector<1xf32>
    %reduce_sum3A_626 = vector.shape_cast %reduce_sum3A_625 : vector<1xf32> to vector<1x1x1xf32>
    %reduce_sum3A_627 = vector.extract %reduce_sum3A_626[0, 0, 0] : f32 from vector<1x1x1xf32>
    %sub3A_628 = arith.constant 1.000000e+00 : f32
    %sub3A_629 = vector.broadcast %sub3A_628 : f32 to vector<16x20xf32>
    %sub3A_630 = arith.subf %sub3A_629, %sub3A_622 : vector<16x20xf32>
    %mul3A_631 = arith.mulf %sub3A_630, %squeeze3A_366 : vector<16x20xf32>
    %reduce_sum3A_632 = vector.shape_cast %mul3A_631 : vector<16x20xf32> to vector<1x16x20xf32>
    %reduce_sum3A_633 = arith.constant dense<0.000000e+00> : vector<1xf32>
    %reduce_sum3A_634 = vector.multi_reduction <add>, %reduce_sum3A_632, %reduce_sum3A_633 [1, 2] : vector<1x16x20xf32> to vector<1xf32>
    %reduce_sum3A_635 = vector.shape_cast %reduce_sum3A_634 : vector<1xf32> to vector<1x1x1xf32>
    %reduce_sum3A_636 = vector.extract %reduce_sum3A_635[0, 0, 0] : f32 from vector<1x1x1xf32>
    %max3A_637 = arith.constant 1.000000e+00 : f32
    %max3A_638 = arith.maximumf %reduce_sum3A_627, %max3A_637 : f32
    %div3A_639 = arith.divf %reduce_sum3A_636, %max3A_638 : f32
    %eq3A_640 = arith.constant 4 : i32
    %eq3A_641 = vector.broadcast %eq3A_640 : i32 to vector<16x20x96xi32>
    %eq3A_642 = arith.cmpi eq, %iota3A, %eq3A_641 : vector<16x20x96xi32>
    %jit3A_643 = arith.constant 0.000000e+00 : f32
    %broadcast_in_dim3A_644 = vector.broadcast %jit3A_643 : f32 to vector<16x20x96xf32>
    %select_n3A_645 = arith.select %eq3A_642, %squeeze3A_364, %broadcast_in_dim3A_644 : vector<16x20x96xi1>, vector<16x20x96xf32>
    %reduce_sum3A_646 = arith.constant dense<0.000000e+00> : vector<16x20xf32>
    %reduce_sum3A_647 = vector.multi_reduction <add>, %select_n3A_645, %reduce_sum3A_646 [2] : vector<16x20x96xf32> to vector<16x20xf32>
    %get3A_648 = arith.constant 0 : index
    %get3A_649 = arith.constant 1 : index
    %get3A_650 = memref.load %arg3[%get3A_648, %get3A_649] : memref<1x4xf32, #tpu.memory_space<smem>>
    %mul3A_651 = arith.constant 5.000000e-01 : f32
    %mul3A_652 = arith.mulf %mul3A_651, %get3A_650 : f32
    %max3A_653 = arith.constant 0.000000e+00 : f32
    %max3A_654 = vector.broadcast %max3A_653 : f32 to vector<16x20xf32>
    %max3A_655 = arith.maximumf %reduce_sum3A_647, %max3A_654 : vector<16x20xf32>
    %abs3A_656 = math.absf %reduce_sum3A_647 : vector<16x20xf32>
    %neg3A_657 = arith.constant 0.000000e+00 : f32
    %neg3A_658 = vector.broadcast %neg3A_657 : f32 to vector<16x20xf32>
    %neg3A_659 = arith.subf %neg3A_658, %abs3A_656 : vector<16x20xf32>
    %exp3A_660 = math.exp %neg3A_659 : vector<16x20xf32>
    %add3A_661 = arith.constant 1.000000e+00 : f32
    %add3A_662 = vector.broadcast %add3A_661 : f32 to vector<16x20xf32>
    %add3A_663 = arith.addf %add3A_662, %exp3A_660 : vector<16x20xf32>
    %log3A_664 = math.log %add3A_663 : vector<16x20xf32>
    %add3A_665 = arith.addf %max3A_655, %log3A_664 : vector<16x20xf32>
    %mul3A_666 = arith.constant 5.000000e-01 : f32
    %mul3A_667 = vector.broadcast %mul3A_666 : f32 to vector<16x20xf32>
    %mul3A_668 = arith.mulf %mul3A_667, %add3A_665 : vector<16x20xf32>
    %sub3A_669 = arith.subf %mul3A_668, %reduce_sum3A_647 : vector<16x20xf32>
    %mul3A_670 = arith.mulf %sub3A_669, %squeeze3A_366 : vector<16x20xf32>
    %reduce_sum3A_671 = vector.shape_cast %mul3A_670 : vector<16x20xf32> to vector<1x16x20xf32>
    %reduce_sum3A_672 = arith.constant dense<0.000000e+00> : vector<1xf32>
    %reduce_sum3A_673 = vector.multi_reduction <add>, %reduce_sum3A_671, %reduce_sum3A_672 [1, 2] : vector<1x16x20xf32> to vector<1xf32>
    %reduce_sum3A_674 = vector.shape_cast %reduce_sum3A_673 : vector<1xf32> to vector<1x1x1xf32>
    %reduce_sum3A_675 = vector.extract %reduce_sum3A_674[0, 0, 0] : f32 from vector<1x1x1xf32>
    %add3A_676 = arith.addf %mul3A_652, %reduce_sum3A_675 : f32
    %mul3A_677 = arith.constant 1.000000e+00 : f32
    %mul3A_678 = arith.mulf %mul3A_677, %add3A_676 : f32
    %ge3A_679 = arith.constant 5 : i32
    %ge3A_680 = vector.broadcast %ge3A_679 : i32 to vector<16x20x96xi32>
    %ge3A_681 = arith.cmpi sge, %iota3A, %ge3A_680 : vector<16x20x96xi32>
    %le3A_682 = arith.constant 84 : i32
    %le3A_683 = vector.broadcast %le3A_682 : i32 to vector<16x20x96xi32>
    %le3A_684 = arith.cmpi sle, %iota3A, %le3A_683 : vector<16x20x96xi32>
    %and3A_685 = arith.andi %ge3A_681, %le3A_684 : vector<16x20x96xi1>
    %max3A_686 = arith.constant 0.000000e+00 : f32
    %max3A_687 = vector.broadcast %max3A_686 : f32 to vector<16x20x96xf32>
    %max3A_688 = arith.maximumf %squeeze3A_364, %max3A_687 : vector<16x20x96xf32>
    %abs3A_689 = math.absf %squeeze3A_364 : vector<16x20x96xf32>
    %neg3A_690 = arith.constant 0.000000e+00 : f32
    %neg3A_691 = vector.broadcast %neg3A_690 : f32 to vector<16x20x96xf32>
    %neg3A_692 = arith.subf %neg3A_691, %abs3A_689 : vector<16x20x96xf32>
    %exp3A_693 = math.exp %neg3A_692 : vector<16x20x96xf32>
    %add3A_694 = arith.constant 1.000000e+00 : f32
    %add3A_695 = vector.broadcast %add3A_694 : f32 to vector<16x20x96xf32>
    %add3A_696 = arith.addf %add3A_695, %exp3A_693 : vector<16x20x96xf32>
    %log3A_697 = math.log %add3A_696 : vector<16x20x96xf32>
    %add3A_698 = arith.addf %max3A_688, %log3A_697 : vector<16x20x96xf32>
    %jit3A_699 = arith.constant 0.000000e+00 : f32
    %broadcast_in_dim3A_700 = vector.broadcast %jit3A_699 : f32 to vector<16x20x96xf32>
    %select_n3A_701 = arith.select %and3A_685, %add3A_698, %broadcast_in_dim3A_700 : vector<16x20x96xi1>, vector<16x20x96xf32>
    %reduce_sum3A_702 = arith.constant dense<0.000000e+00> : vector<16x20xf32>
    %reduce_sum3A_703 = vector.multi_reduction <add>, %select_n3A_701, %reduce_sum3A_702 [2] : vector<16x20x96xf32> to vector<16x20xf32>
    %mul3A_704 = arith.mulf %reduce_sum3A_703, %squeeze3A_366 : vector<16x20xf32>
    %reduce_sum3A_705 = vector.shape_cast %mul3A_704 : vector<16x20xf32> to vector<1x16x20xf32>
    %reduce_sum3A_706 = arith.constant dense<0.000000e+00> : vector<1xf32>
    %reduce_sum3A_707 = vector.multi_reduction <add>, %reduce_sum3A_705, %reduce_sum3A_706 [1, 2] : vector<1x16x20xf32> to vector<1xf32>
    %reduce_sum3A_708 = vector.shape_cast %reduce_sum3A_707 : vector<1xf32> to vector<1x1x1xf32>
    %reduce_sum3A_709 = vector.extract %reduce_sum3A_708[0, 0, 0] : f32 from vector<1x1x1xf32>
    %eq3A_710 = arith.constant 85 : i32
    %eq3A_711 = vector.broadcast %eq3A_710 : i32 to vector<16x20x96xi32>
    %eq3A_712 = arith.cmpi eq, %iota3A, %eq3A_711 : vector<16x20x96xi32>
    %jit3A_713 = arith.constant 0.000000e+00 : f32
    %broadcast_in_dim3A_714 = vector.broadcast %jit3A_713 : f32 to vector<16x20x96xf32>
    %select_n3A_715 = arith.select %eq3A_712, %squeeze3A_364, %broadcast_in_dim3A_714 : vector<16x20x96xi1>, vector<16x20x96xf32>
    %reduce_sum3A_716 = arith.constant dense<0.000000e+00> : vector<16x20xf32>
    %reduce_sum3A_717 = vector.multi_reduction <add>, %select_n3A_715, %reduce_sum3A_716 [2] : vector<16x20x96xf32> to vector<16x20xf32>
    %mul3A_718 = arith.mulf %reduce_sum3A_717, %squeeze3A_368 : vector<16x20xf32>
    %reduce_sum3A_719 = vector.shape_cast %mul3A_718 : vector<16x20xf32> to vector<1x16x20xf32>
    %reduce_sum3A_720 = arith.constant dense<0.000000e+00> : vector<1xf32>
    %reduce_sum3A_721 = vector.multi_reduction <add>, %reduce_sum3A_719, %reduce_sum3A_720 [1, 2] : vector<1x16x20xf32> to vector<1xf32>
    %reduce_sum3A_722 = vector.shape_cast %reduce_sum3A_721 : vector<1xf32> to vector<1x1x1xf32>
    %reduce_sum3A_723 = vector.extract %reduce_sum3A_722[0, 0, 0] : f32 from vector<1x1x1xf32>
    %sub3A_724 = arith.subf %reduce_sum3A_709, %reduce_sum3A_723 : f32
    %add3A_725 = arith.addf %div3A_639, %mul3A_678 : f32
    %mul3A_726 = arith.constant 5.000000e-01 : f32
    %mul3A_727 = arith.mulf %mul3A_726, %sub3A_724 : f32
    %add3A_728 = arith.addf %add3A_725, %mul3A_727 : f32
    %add3A_729 = arith.addf %add3A_362, %add3A_728 : f32
    %slice3A_730 = vector.extract_strided_slice %get3A_3 {offsets = [2, 0, 0, 0], sizes = [1, 16, 20, 96], strides = [1, 1, 1, 1]} : vector<3x16x20x96xf32> to vector<1x16x20x96xf32>
    %squeeze3A_731 = vector.shape_cast %slice3A_730 : vector<1x16x20x96xf32> to vector<16x20x96xf32>
    %slice3A_732 = vector.extract_strided_slice %get3A_8 {offsets = [2, 0, 0, 0], sizes = [1, 1, 16, 20], strides = [1, 1, 1, 1]} : vector<3x12x16x20xf32> to vector<1x1x16x20xf32>
    %squeeze3A_733 = vector.shape_cast %slice3A_732 : vector<1x1x16x20xf32> to vector<16x20xf32>
    %slice3A_734 = vector.extract_strided_slice %get3A_8 {offsets = [2, 1, 0, 0], sizes = [1, 1, 16, 20], strides = [1, 1, 1, 1]} : vector<3x12x16x20xf32> to vector<1x1x16x20xf32>
    %squeeze3A_735 = vector.shape_cast %slice3A_734 : vector<1x1x16x20xf32> to vector<16x20xf32>
    %slice3A_736 = vector.extract_strided_slice %get3A_8 {offsets = [2, 2, 0, 0], sizes = [1, 1, 16, 20], strides = [1, 1, 1, 1]} : vector<3x12x16x20xf32> to vector<1x1x16x20xf32>
    %squeeze3A_737 = vector.shape_cast %slice3A_736 : vector<1x1x16x20xf32> to vector<16x20xf32>
    %slice3A_738 = vector.extract_strided_slice %get3A_8 {offsets = [2, 3, 0, 0], sizes = [1, 1, 16, 20], strides = [1, 1, 1, 1]} : vector<3x12x16x20xf32> to vector<1x1x16x20xf32>
    %squeeze3A_739 = vector.shape_cast %slice3A_738 : vector<1x1x16x20xf32> to vector<16x20xf32>
    %slice3A_740 = vector.extract_strided_slice %get3A_8 {offsets = [2, 4, 0, 0], sizes = [1, 1, 16, 20], strides = [1, 1, 1, 1]} : vector<3x12x16x20xf32> to vector<1x1x16x20xf32>
    %squeeze3A_741 = vector.shape_cast %slice3A_740 : vector<1x1x16x20xf32> to vector<16x20xf32>
    %slice3A_742 = vector.extract_strided_slice %get3A_8 {offsets = [2, 5, 0, 0], sizes = [1, 1, 16, 20], strides = [1, 1, 1, 1]} : vector<3x12x16x20xf32> to vector<1x1x16x20xf32>
    %squeeze3A_743 = vector.shape_cast %slice3A_742 : vector<1x1x16x20xf32> to vector<16x20xf32>
    %eq3A_744 = arith.constant 0 : i32
    %eq3A_745 = vector.broadcast %eq3A_744 : i32 to vector<16x20x96xi32>
    %eq3A_746 = arith.cmpi eq, %iota3A, %eq3A_745 : vector<16x20x96xi32>
    %jit3A_747 = arith.constant 0.000000e+00 : f32
    %broadcast_in_dim3A_748 = vector.broadcast %jit3A_747 : f32 to vector<16x20x96xf32>
    %select_n3A_749 = arith.select %eq3A_746, %squeeze3A_731, %broadcast_in_dim3A_748 : vector<16x20x96xi1>, vector<16x20x96xf32>
    %reduce_sum3A_750 = arith.constant dense<0.000000e+00> : vector<16x20xf32>
    %reduce_sum3A_751 = vector.multi_reduction <add>, %select_n3A_749, %reduce_sum3A_750 [2] : vector<16x20x96xf32> to vector<16x20xf32>
    %neg3A_752 = arith.constant 0.000000e+00 : f32
    %neg3A_753 = vector.broadcast %neg3A_752 : f32 to vector<16x20xf32>
    %neg3A_754 = arith.subf %neg3A_753, %reduce_sum3A_751 : vector<16x20xf32>
    %exp3A_755 = math.exp %neg3A_754 : vector<16x20xf32>
    %add3A_756 = arith.constant 1.000000e+00 : f32
    %add3A_757 = vector.broadcast %add3A_756 : f32 to vector<16x20xf32>
    %add3A_758 = arith.addf %add3A_757, %exp3A_755 : vector<16x20xf32>
    %div3A_759 = arith.constant 1.000000e+00 : f32
    %div3A_760 = vector.broadcast %div3A_759 : f32 to vector<16x20xf32>
    %div3A_761 = arith.divf %div3A_760, %add3A_758 : vector<16x20xf32>
    %add3A_762 = arith.addf %div3A_761, %squeeze3A_739 : vector<16x20xf32>
    %mul3A_763 = arith.constant 3.200000e+01 : f32
    %mul3A_764 = vector.broadcast %mul3A_763 : f32 to vector<16x20xf32>
    %mul3A_765 = arith.mulf %add3A_762, %mul3A_764 : vector<16x20xf32>
    %eq3A_766 = arith.constant 1 : i32
    %eq3A_767 = vector.broadcast %eq3A_766 : i32 to vector<16x20x96xi32>
    %eq3A_768 = arith.cmpi eq, %iota3A, %eq3A_767 : vector<16x20x96xi32>
    %jit3A_769 = arith.constant 0.000000e+00 : f32
    %broadcast_in_dim3A_770 = vector.broadcast %jit3A_769 : f32 to vector<16x20x96xf32>
    %select_n3A_771 = arith.select %eq3A_768, %squeeze3A_731, %broadcast_in_dim3A_770 : vector<16x20x96xi1>, vector<16x20x96xf32>
    %reduce_sum3A_772 = arith.constant dense<0.000000e+00> : vector<16x20xf32>
    %reduce_sum3A_773 = vector.multi_reduction <add>, %select_n3A_771, %reduce_sum3A_772 [2] : vector<16x20x96xf32> to vector<16x20xf32>
    %neg3A_774 = arith.constant 0.000000e+00 : f32
    %neg3A_775 = vector.broadcast %neg3A_774 : f32 to vector<16x20xf32>
    %neg3A_776 = arith.subf %neg3A_775, %reduce_sum3A_773 : vector<16x20xf32>
    %exp3A_777 = math.exp %neg3A_776 : vector<16x20xf32>
    %add3A_778 = arith.constant 1.000000e+00 : f32
    %add3A_779 = vector.broadcast %add3A_778 : f32 to vector<16x20xf32>
    %add3A_780 = arith.addf %add3A_779, %exp3A_777 : vector<16x20xf32>
    %div3A_781 = arith.constant 1.000000e+00 : f32
    %div3A_782 = vector.broadcast %div3A_781 : f32 to vector<16x20xf32>
    %div3A_783 = arith.divf %div3A_782, %add3A_780 : vector<16x20xf32>
    %add3A_784 = arith.addf %div3A_783, %squeeze3A_737 : vector<16x20xf32>
    %mul3A_785 = arith.constant 3.200000e+01 : f32
    %mul3A_786 = vector.broadcast %mul3A_785 : f32 to vector<16x20xf32>
    %mul3A_787 = arith.mulf %add3A_784, %mul3A_786 : vector<16x20xf32>
    %eq3A_788 = arith.constant 2 : i32
    %eq3A_789 = vector.broadcast %eq3A_788 : i32 to vector<16x20x96xi32>
    %eq3A_790 = arith.cmpi eq, %iota3A, %eq3A_789 : vector<16x20x96xi32>
    %jit3A_791 = arith.constant 0.000000e+00 : f32
    %broadcast_in_dim3A_792 = vector.broadcast %jit3A_791 : f32 to vector<16x20x96xf32>
    %select_n3A_793 = arith.select %eq3A_790, %squeeze3A_731, %broadcast_in_dim3A_792 : vector<16x20x96xi1>, vector<16x20x96xf32>
    %reduce_sum3A_794 = arith.constant dense<0.000000e+00> : vector<16x20xf32>
    %reduce_sum3A_795 = vector.multi_reduction <add>, %select_n3A_793, %reduce_sum3A_794 [2] : vector<16x20x96xf32> to vector<16x20xf32>
    %exp3A_796 = math.exp %reduce_sum3A_795 : vector<16x20xf32>
    %mul3A_797 = arith.mulf %exp3A_796, %squeeze3A_741 : vector<16x20xf32>
    %eq3A_798 = arith.constant 3 : i32
    %eq3A_799 = vector.broadcast %eq3A_798 : i32 to vector<16x20x96xi32>
    %eq3A_800 = arith.cmpi eq, %iota3A, %eq3A_799 : vector<16x20x96xi32>
    %jit3A_801 = arith.constant 0.000000e+00 : f32
    %broadcast_in_dim3A_802 = vector.broadcast %jit3A_801 : f32 to vector<16x20x96xf32>
    %select_n3A_803 = arith.select %eq3A_800, %squeeze3A_731, %broadcast_in_dim3A_802 : vector<16x20x96xi1>, vector<16x20x96xf32>
    %reduce_sum3A_804 = arith.constant dense<0.000000e+00> : vector<16x20xf32>
    %reduce_sum3A_805 = vector.multi_reduction <add>, %select_n3A_803, %reduce_sum3A_804 [2] : vector<16x20x96xf32> to vector<16x20xf32>
    %exp3A_806 = math.exp %reduce_sum3A_805 : vector<16x20xf32>
    %mul3A_807 = arith.mulf %exp3A_806, %squeeze3A_743 : vector<16x20xf32>
    %div3A_808 = arith.constant 2.000000e+00 : f32
    %div3A_809 = vector.broadcast %div3A_808 : f32 to vector<16x20xf32>
    %div3A_810 = arith.divf %mul3A_797, %div3A_809 : vector<16x20xf32>
    %sub3A_811 = arith.subf %mul3A_765, %div3A_810 : vector<16x20xf32>
    %div3A_812 = arith.constant 2.000000e+00 : f32
    %div3A_813 = vector.broadcast %div3A_812 : f32 to vector<16x20xf32>
    %div3A_814 = arith.divf %mul3A_797, %div3A_813 : vector<16x20xf32>
    %add3A_815 = arith.addf %mul3A_765, %div3A_814 : vector<16x20xf32>
    %div3A_816 = arith.constant 2.000000e+00 : f32
    %div3A_817 = vector.broadcast %div3A_816 : f32 to vector<16x20xf32>
    %div3A_818 = arith.divf %mul3A_807, %div3A_817 : vector<16x20xf32>
    %sub3A_819 = arith.subf %mul3A_787, %div3A_818 : vector<16x20xf32>
    %div3A_820 = arith.constant 2.000000e+00 : f32
    %div3A_821 = vector.broadcast %div3A_820 : f32 to vector<16x20xf32>
    %div3A_822 = arith.divf %mul3A_807, %div3A_821 : vector<16x20xf32>
    %add3A_823 = arith.addf %mul3A_787, %div3A_822 : vector<16x20xf32>
    %div3A_824 = arith.constant 2.000000e+00 : f32
    %div3A_825 = vector.broadcast %div3A_824 : f32 to vector<16x20xf32>
    %div3A_826 = arith.divf %squeeze3A_12, %div3A_825 : vector<16x20xf32>
    %sub3A_827 = arith.subf %squeeze3A, %div3A_826 : vector<16x20xf32>
    %div3A_828 = arith.constant 2.000000e+00 : f32
    %div3A_829 = vector.broadcast %div3A_828 : f32 to vector<16x20xf32>
    %div3A_830 = arith.divf %squeeze3A_12, %div3A_829 : vector<16x20xf32>
    %add3A_831 = arith.addf %squeeze3A, %div3A_830 : vector<16x20xf32>
    %div3A_832 = arith.constant 2.000000e+00 : f32
    %div3A_833 = vector.broadcast %div3A_832 : f32 to vector<16x20xf32>
    %div3A_834 = arith.divf %squeeze3A_14, %div3A_833 : vector<16x20xf32>
    %sub3A_835 = arith.subf %squeeze3A_10, %div3A_834 : vector<16x20xf32>
    %div3A_836 = arith.constant 2.000000e+00 : f32
    %div3A_837 = vector.broadcast %div3A_836 : f32 to vector<16x20xf32>
    %div3A_838 = arith.divf %squeeze3A_14, %div3A_837 : vector<16x20xf32>
    %add3A_839 = arith.addf %squeeze3A_10, %div3A_838 : vector<16x20xf32>
    %min3A_840 = arith.minimumf %add3A_815, %add3A_831 : vector<16x20xf32>
    %max3A_841 = arith.maximumf %sub3A_811, %sub3A_827 : vector<16x20xf32>
    %sub3A_842 = arith.subf %min3A_840, %max3A_841 : vector<16x20xf32>
    %jit3A_843 = arith.constant 0.000000e+00 : f32
    %max3A_844 = vector.broadcast %jit3A_843 : f32 to vector<16x20xf32>
    %max3A_845 = arith.maximumf %max3A_844, %sub3A_842 : vector<16x20xf32>
    %min3A_846 = arith.minimumf %add3A_823, %add3A_839 : vector<16x20xf32>
    %max3A_847 = arith.maximumf %sub3A_819, %sub3A_835 : vector<16x20xf32>
    %sub3A_848 = arith.subf %min3A_846, %max3A_847 : vector<16x20xf32>
    %jit3A_849 = arith.constant 0.000000e+00 : f32
    %max3A_850 = vector.broadcast %jit3A_849 : f32 to vector<16x20xf32>
    %max3A_851 = arith.maximumf %max3A_850, %sub3A_848 : vector<16x20xf32>
    %mul3A_852 = arith.mulf %max3A_845, %max3A_851 : vector<16x20xf32>
    %mul3A_853 = arith.mulf %mul3A_797, %mul3A_807 : vector<16x20xf32>
    %mul3A_854 = arith.mulf %squeeze3A_12, %squeeze3A_14 : vector<16x20xf32>
    %add3A_855 = arith.addf %mul3A_853, %mul3A_854 : vector<16x20xf32>
    %sub3A_856 = arith.subf %add3A_855, %mul3A_852 : vector<16x20xf32>
    %add3A_857 = arith.constant 1.000000e-07 : f32
    %add3A_858 = vector.broadcast %add3A_857 : f32 to vector<16x20xf32>
    %add3A_859 = arith.addf %sub3A_856, %add3A_858 : vector<16x20xf32>
    %div3A_860 = arith.divf %mul3A_852, %add3A_859 : vector<16x20xf32>
    %max3A_861 = arith.maximumf %add3A_815, %add3A_831 : vector<16x20xf32>
    %min3A_862 = arith.minimumf %sub3A_811, %sub3A_827 : vector<16x20xf32>
    %sub3A_863 = arith.subf %max3A_861, %min3A_862 : vector<16x20xf32>
    %max3A_864 = arith.maximumf %add3A_823, %add3A_839 : vector<16x20xf32>
    %min3A_865 = arith.minimumf %sub3A_819, %sub3A_835 : vector<16x20xf32>
    %sub3A_866 = arith.subf %max3A_864, %min3A_865 : vector<16x20xf32>
    %integer_pow3A_867 = arith.mulf %sub3A_863, %sub3A_863 : vector<16x20xf32>
    %integer_pow3A_868 = arith.mulf %sub3A_866, %sub3A_866 : vector<16x20xf32>
    %add3A_869 = arith.addf %integer_pow3A_867, %integer_pow3A_868 : vector<16x20xf32>
    %add3A_870 = arith.constant 1.000000e-07 : f32
    %add3A_871 = vector.broadcast %add3A_870 : f32 to vector<16x20xf32>
    %add3A_872 = arith.addf %add3A_869, %add3A_871 : vector<16x20xf32>
    %sub3A_873 = arith.subf %squeeze3A, %mul3A_765 : vector<16x20xf32>
    %integer_pow3A_874 = arith.mulf %sub3A_873, %sub3A_873 : vector<16x20xf32>
    %sub3A_875 = arith.subf %squeeze3A_10, %mul3A_787 : vector<16x20xf32>
    %integer_pow3A_876 = arith.mulf %sub3A_875, %sub3A_875 : vector<16x20xf32>
    %add3A_877 = arith.addf %integer_pow3A_874, %integer_pow3A_876 : vector<16x20xf32>
    %add3A_878 = arith.constant 1.000000e-07 : f32
    %add3A_879 = vector.broadcast %add3A_878 : f32 to vector<16x20xf32>
    %add3A_880 = arith.addf %squeeze3A_14, %add3A_879 : vector<16x20xf32>
    %div3A_881 = arith.divf %squeeze3A_12, %add3A_880 : vector<16x20xf32>
    %gt3A_882 = arith.constant 2.41421366 : f32
    %gt3A_883 = vector.broadcast %gt3A_882 : f32 to vector<16x20xf32>
    %gt3A_884 = arith.cmpf ogt, %div3A_881, %gt3A_883 : vector<16x20xf32>
    %gt3A_885 = arith.constant 0.414213568 : f32
    %gt3A_886 = vector.broadcast %gt3A_885 : f32 to vector<16x20xf32>
    %gt3A_887 = arith.cmpf ogt, %div3A_881, %gt3A_886 : vector<16x20xf32>
    %div3A_888 = arith.constant -1.000000e+00 : f32
    %div3A_889 = vector.broadcast %div3A_888 : f32 to vector<16x20xf32>
    %div3A_890 = arith.divf %div3A_889, %div3A_881 : vector<16x20xf32>
    %sub3A_891 = arith.constant 1.000000e+00 : f32
    %sub3A_892 = vector.broadcast %sub3A_891 : f32 to vector<16x20xf32>
    %sub3A_893 = arith.subf %div3A_881, %sub3A_892 : vector<16x20xf32>
    %add3A_894 = arith.constant 1.000000e+00 : f32
    %add3A_895 = vector.broadcast %add3A_894 : f32 to vector<16x20xf32>
    %add3A_896 = arith.addf %div3A_881, %add3A_895 : vector<16x20xf32>
    %div3A_897 = arith.divf %sub3A_893, %add3A_896 : vector<16x20xf32>
    %select_n3A_898 = arith.select %gt3A_887, %div3A_897, %div3A_881 : vector<16x20xi1>, vector<16x20xf32>
    %select_n3A_899 = arith.select %gt3A_884, %div3A_890, %select_n3A_898 : vector<16x20xi1>, vector<16x20xf32>
    %jit3A_900 = arith.constant 0.785398185 : f32
    %jit3A_901 = arith.constant 0.000000e+00 : f32
    %broadcast_in_dim3A_902 = vector.broadcast %jit3A_900 : f32 to vector<16x20xf32>
    %broadcast_in_dim3A_903 = vector.broadcast %jit3A_901 : f32 to vector<16x20xf32>
    %select_n3A_904 = arith.select %gt3A_887, %broadcast_in_dim3A_902, %broadcast_in_dim3A_903 : vector<16x20xi1>, vector<16x20xf32>
    %jit3A_905 = arith.constant 1.57079637 : f32
    %broadcast_in_dim3A_906 = vector.broadcast %jit3A_905 : f32 to vector<16x20xf32>
    %select_n3A_907 = arith.select %gt3A_884, %broadcast_in_dim3A_906, %select_n3A_904 : vector<16x20xi1>, vector<16x20xf32>
    %mul3A_908 = arith.mulf %select_n3A_899, %select_n3A_899 : vector<16x20xf32>
    %mul3A_909 = arith.constant 0.0805374458 : f32
    %mul3A_910 = vector.broadcast %mul3A_909 : f32 to vector<16x20xf32>
    %mul3A_911 = arith.mulf %mul3A_910, %mul3A_908 : vector<16x20xf32>
    %sub3A_912 = arith.constant 0.138776854 : f32
    %sub3A_913 = vector.broadcast %sub3A_912 : f32 to vector<16x20xf32>
    %sub3A_914 = arith.subf %mul3A_911, %sub3A_913 : vector<16x20xf32>
    %mul3A_915 = arith.mulf %sub3A_914, %mul3A_908 : vector<16x20xf32>
    %add3A_916 = arith.constant 0.199777111 : f32
    %add3A_917 = vector.broadcast %add3A_916 : f32 to vector<16x20xf32>
    %add3A_918 = arith.addf %mul3A_915, %add3A_917 : vector<16x20xf32>
    %mul3A_919 = arith.mulf %add3A_918, %mul3A_908 : vector<16x20xf32>
    %sub3A_920 = arith.constant 0.333329499 : f32
    %sub3A_921 = vector.broadcast %sub3A_920 : f32 to vector<16x20xf32>
    %sub3A_922 = arith.subf %mul3A_919, %sub3A_921 : vector<16x20xf32>
    %mul3A_923 = arith.mulf %sub3A_922, %mul3A_908 : vector<16x20xf32>
    %mul3A_924 = arith.mulf %mul3A_923, %select_n3A_899 : vector<16x20xf32>
    %add3A_925 = arith.addf %mul3A_924, %select_n3A_899 : vector<16x20xf32>
    %add3A_926 = arith.addf %select_n3A_907, %add3A_925 : vector<16x20xf32>
    %add3A_927 = arith.constant 1.000000e-07 : f32
    %add3A_928 = vector.broadcast %add3A_927 : f32 to vector<16x20xf32>
    %add3A_929 = arith.addf %mul3A_807, %add3A_928 : vector<16x20xf32>
    %div3A_930 = arith.divf %mul3A_797, %add3A_929 : vector<16x20xf32>
    %gt3A_931 = arith.constant 2.41421366 : f32
    %gt3A_932 = vector.broadcast %gt3A_931 : f32 to vector<16x20xf32>
    %gt3A_933 = arith.cmpf ogt, %div3A_930, %gt3A_932 : vector<16x20xf32>
    %gt3A_934 = arith.constant 0.414213568 : f32
    %gt3A_935 = vector.broadcast %gt3A_934 : f32 to vector<16x20xf32>
    %gt3A_936 = arith.cmpf ogt, %div3A_930, %gt3A_935 : vector<16x20xf32>
    %div3A_937 = arith.constant -1.000000e+00 : f32
    %div3A_938 = vector.broadcast %div3A_937 : f32 to vector<16x20xf32>
    %div3A_939 = arith.divf %div3A_938, %div3A_930 : vector<16x20xf32>
    %sub3A_940 = arith.constant 1.000000e+00 : f32
    %sub3A_941 = vector.broadcast %sub3A_940 : f32 to vector<16x20xf32>
    %sub3A_942 = arith.subf %div3A_930, %sub3A_941 : vector<16x20xf32>
    %add3A_943 = arith.constant 1.000000e+00 : f32
    %add3A_944 = vector.broadcast %add3A_943 : f32 to vector<16x20xf32>
    %add3A_945 = arith.addf %div3A_930, %add3A_944 : vector<16x20xf32>
    %div3A_946 = arith.divf %sub3A_942, %add3A_945 : vector<16x20xf32>
    %select_n3A_947 = arith.select %gt3A_936, %div3A_946, %div3A_930 : vector<16x20xi1>, vector<16x20xf32>
    %select_n3A_948 = arith.select %gt3A_933, %div3A_939, %select_n3A_947 : vector<16x20xi1>, vector<16x20xf32>
    %jit3A_949 = arith.constant 0.785398185 : f32
    %jit3A_950 = arith.constant 0.000000e+00 : f32
    %broadcast_in_dim3A_951 = vector.broadcast %jit3A_949 : f32 to vector<16x20xf32>
    %broadcast_in_dim3A_952 = vector.broadcast %jit3A_950 : f32 to vector<16x20xf32>
    %select_n3A_953 = arith.select %gt3A_936, %broadcast_in_dim3A_951, %broadcast_in_dim3A_952 : vector<16x20xi1>, vector<16x20xf32>
    %jit3A_954 = arith.constant 1.57079637 : f32
    %broadcast_in_dim3A_955 = vector.broadcast %jit3A_954 : f32 to vector<16x20xf32>
    %select_n3A_956 = arith.select %gt3A_933, %broadcast_in_dim3A_955, %select_n3A_953 : vector<16x20xi1>, vector<16x20xf32>
    %mul3A_957 = arith.mulf %select_n3A_948, %select_n3A_948 : vector<16x20xf32>
    %mul3A_958 = arith.constant 0.0805374458 : f32
    %mul3A_959 = vector.broadcast %mul3A_958 : f32 to vector<16x20xf32>
    %mul3A_960 = arith.mulf %mul3A_959, %mul3A_957 : vector<16x20xf32>
    %sub3A_961 = arith.constant 0.138776854 : f32
    %sub3A_962 = vector.broadcast %sub3A_961 : f32 to vector<16x20xf32>
    %sub3A_963 = arith.subf %mul3A_960, %sub3A_962 : vector<16x20xf32>
    %mul3A_964 = arith.mulf %sub3A_963, %mul3A_957 : vector<16x20xf32>
    %add3A_965 = arith.constant 0.199777111 : f32
    %add3A_966 = vector.broadcast %add3A_965 : f32 to vector<16x20xf32>
    %add3A_967 = arith.addf %mul3A_964, %add3A_966 : vector<16x20xf32>
    %mul3A_968 = arith.mulf %add3A_967, %mul3A_957 : vector<16x20xf32>
    %sub3A_969 = arith.constant 0.333329499 : f32
    %sub3A_970 = vector.broadcast %sub3A_969 : f32 to vector<16x20xf32>
    %sub3A_971 = arith.subf %mul3A_968, %sub3A_970 : vector<16x20xf32>
    %mul3A_972 = arith.mulf %sub3A_971, %mul3A_957 : vector<16x20xf32>
    %mul3A_973 = arith.mulf %mul3A_972, %select_n3A_948 : vector<16x20xf32>
    %add3A_974 = arith.addf %mul3A_973, %select_n3A_948 : vector<16x20xf32>
    %add3A_975 = arith.addf %select_n3A_956, %add3A_974 : vector<16x20xf32>
    %sub3A_976 = arith.subf %add3A_926, %add3A_975 : vector<16x20xf32>
    %integer_pow3A_977 = arith.mulf %sub3A_976, %sub3A_976 : vector<16x20xf32>
    %mul3A_978 = arith.constant 0.405284733 : f32
    %mul3A_979 = vector.broadcast %mul3A_978 : f32 to vector<16x20xf32>
    %mul3A_980 = arith.mulf %mul3A_979, %integer_pow3A_977 : vector<16x20xf32>
    %sub3A_981 = arith.subf %mul3A_980, %div3A_860 : vector<16x20xf32>
    %add3A_982 = arith.constant 1.00000012 : f32
    %add3A_983 = vector.broadcast %add3A_982 : f32 to vector<16x20xf32>
    %add3A_984 = arith.addf %sub3A_981, %add3A_983 : vector<16x20xf32>
    %div3A_985 = arith.divf %mul3A_980, %add3A_984 : vector<16x20xf32>
    %div3A_986 = arith.divf %add3A_877, %add3A_872 : vector<16x20xf32>
    %mul3A_987 = arith.mulf %mul3A_980, %div3A_985 : vector<16x20xf32>
    %add3A_988 = arith.addf %div3A_986, %mul3A_987 : vector<16x20xf32>
    %sub3A_989 = arith.subf %div3A_860, %add3A_988 : vector<16x20xf32>
    %reduce_sum3A_990 = vector.shape_cast %squeeze3A_733 : vector<16x20xf32> to vector<1x16x20xf32>
    %reduce_sum3A_991 = arith.constant dense<0.000000e+00> : vector<1xf32>
    %reduce_sum3A_992 = vector.multi_reduction <add>, %reduce_sum3A_990, %reduce_sum3A_991 [1, 2] : vector<1x16x20xf32> to vector<1xf32>
    %reduce_sum3A_993 = vector.shape_cast %reduce_sum3A_992 : vector<1xf32> to vector<1x1x1xf32>
    %reduce_sum3A_994 = vector.extract %reduce_sum3A_993[0, 0, 0] : f32 from vector<1x1x1xf32>
    %sub3A_995 = arith.constant 1.000000e+00 : f32
    %sub3A_996 = vector.broadcast %sub3A_995 : f32 to vector<16x20xf32>
    %sub3A_997 = arith.subf %sub3A_996, %sub3A_989 : vector<16x20xf32>
    %mul3A_998 = arith.mulf %sub3A_997, %squeeze3A_733 : vector<16x20xf32>
    %reduce_sum3A_999 = vector.shape_cast %mul3A_998 : vector<16x20xf32> to vector<1x16x20xf32>
    %reduce_sum3A_1000 = arith.constant dense<0.000000e+00> : vector<1xf32>
    %reduce_sum3A_1001 = vector.multi_reduction <add>, %reduce_sum3A_999, %reduce_sum3A_1000 [1, 2] : vector<1x16x20xf32> to vector<1xf32>
    %reduce_sum3A_1002 = vector.shape_cast %reduce_sum3A_1001 : vector<1xf32> to vector<1x1x1xf32>
    %reduce_sum3A_1003 = vector.extract %reduce_sum3A_1002[0, 0, 0] : f32 from vector<1x1x1xf32>
    %max3A_1004 = arith.constant 1.000000e+00 : f32
    %max3A_1005 = arith.maximumf %reduce_sum3A_994, %max3A_1004 : f32
    %div3A_1006 = arith.divf %reduce_sum3A_1003, %max3A_1005 : f32
    %eq3A_1007 = arith.constant 4 : i32
    %eq3A_1008 = vector.broadcast %eq3A_1007 : i32 to vector<16x20x96xi32>
    %eq3A_1009 = arith.cmpi eq, %iota3A, %eq3A_1008 : vector<16x20x96xi32>
    %jit3A_1010 = arith.constant 0.000000e+00 : f32
    %broadcast_in_dim3A_1011 = vector.broadcast %jit3A_1010 : f32 to vector<16x20x96xf32>
    %select_n3A_1012 = arith.select %eq3A_1009, %squeeze3A_731, %broadcast_in_dim3A_1011 : vector<16x20x96xi1>, vector<16x20x96xf32>
    %reduce_sum3A_1013 = arith.constant dense<0.000000e+00> : vector<16x20xf32>
    %reduce_sum3A_1014 = vector.multi_reduction <add>, %select_n3A_1012, %reduce_sum3A_1013 [2] : vector<16x20x96xf32> to vector<16x20xf32>
    %get3A_1015 = arith.constant 0 : index
    %get3A_1016 = arith.constant 2 : index
    %get3A_1017 = memref.load %arg3[%get3A_1015, %get3A_1016] : memref<1x4xf32, #tpu.memory_space<smem>>
    %mul3A_1018 = arith.constant 5.000000e-01 : f32
    %mul3A_1019 = arith.mulf %mul3A_1018, %get3A_1017 : f32
    %max3A_1020 = arith.constant 0.000000e+00 : f32
    %max3A_1021 = vector.broadcast %max3A_1020 : f32 to vector<16x20xf32>
    %max3A_1022 = arith.maximumf %reduce_sum3A_1014, %max3A_1021 : vector<16x20xf32>
    %abs3A_1023 = math.absf %reduce_sum3A_1014 : vector<16x20xf32>
    %neg3A_1024 = arith.constant 0.000000e+00 : f32
    %neg3A_1025 = vector.broadcast %neg3A_1024 : f32 to vector<16x20xf32>
    %neg3A_1026 = arith.subf %neg3A_1025, %abs3A_1023 : vector<16x20xf32>
    %exp3A_1027 = math.exp %neg3A_1026 : vector<16x20xf32>
    %add3A_1028 = arith.constant 1.000000e+00 : f32
    %add3A_1029 = vector.broadcast %add3A_1028 : f32 to vector<16x20xf32>
    %add3A_1030 = arith.addf %add3A_1029, %exp3A_1027 : vector<16x20xf32>
    %log3A_1031 = math.log %add3A_1030 : vector<16x20xf32>
    %add3A_1032 = arith.addf %max3A_1022, %log3A_1031 : vector<16x20xf32>
    %mul3A_1033 = arith.constant 5.000000e-01 : f32
    %mul3A_1034 = vector.broadcast %mul3A_1033 : f32 to vector<16x20xf32>
    %mul3A_1035 = arith.mulf %mul3A_1034, %add3A_1032 : vector<16x20xf32>
    %sub3A_1036 = arith.subf %mul3A_1035, %reduce_sum3A_1014 : vector<16x20xf32>
    %mul3A_1037 = arith.mulf %sub3A_1036, %squeeze3A_733 : vector<16x20xf32>
    %reduce_sum3A_1038 = vector.shape_cast %mul3A_1037 : vector<16x20xf32> to vector<1x16x20xf32>
    %reduce_sum3A_1039 = arith.constant dense<0.000000e+00> : vector<1xf32>
    %reduce_sum3A_1040 = vector.multi_reduction <add>, %reduce_sum3A_1038, %reduce_sum3A_1039 [1, 2] : vector<1x16x20xf32> to vector<1xf32>
    %reduce_sum3A_1041 = vector.shape_cast %reduce_sum3A_1040 : vector<1xf32> to vector<1x1x1xf32>
    %reduce_sum3A_1042 = vector.extract %reduce_sum3A_1041[0, 0, 0] : f32 from vector<1x1x1xf32>
    %add3A_1043 = arith.addf %mul3A_1019, %reduce_sum3A_1042 : f32
    %mul3A_1044 = arith.constant 4.000000e-01 : f32
    %mul3A_1045 = arith.mulf %mul3A_1044, %add3A_1043 : f32
    %ge3A_1046 = arith.constant 5 : i32
    %ge3A_1047 = vector.broadcast %ge3A_1046 : i32 to vector<16x20x96xi32>
    %ge3A_1048 = arith.cmpi sge, %iota3A, %ge3A_1047 : vector<16x20x96xi32>
    %le3A_1049 = arith.constant 84 : i32
    %le3A_1050 = vector.broadcast %le3A_1049 : i32 to vector<16x20x96xi32>
    %le3A_1051 = arith.cmpi sle, %iota3A, %le3A_1050 : vector<16x20x96xi32>
    %and3A_1052 = arith.andi %ge3A_1048, %le3A_1051 : vector<16x20x96xi1>
    %max3A_1053 = arith.constant 0.000000e+00 : f32
    %max3A_1054 = vector.broadcast %max3A_1053 : f32 to vector<16x20x96xf32>
    %max3A_1055 = arith.maximumf %squeeze3A_731, %max3A_1054 : vector<16x20x96xf32>
    %abs3A_1056 = math.absf %squeeze3A_731 : vector<16x20x96xf32>
    %neg3A_1057 = arith.constant 0.000000e+00 : f32
    %neg3A_1058 = vector.broadcast %neg3A_1057 : f32 to vector<16x20x96xf32>
    %neg3A_1059 = arith.subf %neg3A_1058, %abs3A_1056 : vector<16x20x96xf32>
    %exp3A_1060 = math.exp %neg3A_1059 : vector<16x20x96xf32>
    %add3A_1061 = arith.constant 1.000000e+00 : f32
    %add3A_1062 = vector.broadcast %add3A_1061 : f32 to vector<16x20x96xf32>
    %add3A_1063 = arith.addf %add3A_1062, %exp3A_1060 : vector<16x20x96xf32>
    %log3A_1064 = math.log %add3A_1063 : vector<16x20x96xf32>
    %add3A_1065 = arith.addf %max3A_1055, %log3A_1064 : vector<16x20x96xf32>
    %jit3A_1066 = arith.constant 0.000000e+00 : f32
    %broadcast_in_dim3A_1067 = vector.broadcast %jit3A_1066 : f32 to vector<16x20x96xf32>
    %select_n3A_1068 = arith.select %and3A_1052, %add3A_1065, %broadcast_in_dim3A_1067 : vector<16x20x96xi1>, vector<16x20x96xf32>
    %reduce_sum3A_1069 = arith.constant dense<0.000000e+00> : vector<16x20xf32>
    %reduce_sum3A_1070 = vector.multi_reduction <add>, %select_n3A_1068, %reduce_sum3A_1069 [2] : vector<16x20x96xf32> to vector<16x20xf32>
    %mul3A_1071 = arith.mulf %reduce_sum3A_1070, %squeeze3A_733 : vector<16x20xf32>
    %reduce_sum3A_1072 = vector.shape_cast %mul3A_1071 : vector<16x20xf32> to vector<1x16x20xf32>
    %reduce_sum3A_1073 = arith.constant dense<0.000000e+00> : vector<1xf32>
    %reduce_sum3A_1074 = vector.multi_reduction <add>, %reduce_sum3A_1072, %reduce_sum3A_1073 [1, 2] : vector<1x16x20xf32> to vector<1xf32>
    %reduce_sum3A_1075 = vector.shape_cast %reduce_sum3A_1074 : vector<1xf32> to vector<1x1x1xf32>
    %reduce_sum3A_1076 = vector.extract %reduce_sum3A_1075[0, 0, 0] : f32 from vector<1x1x1xf32>
    %eq3A_1077 = arith.constant 85 : i32
    %eq3A_1078 = vector.broadcast %eq3A_1077 : i32 to vector<16x20x96xi32>
    %eq3A_1079 = arith.cmpi eq, %iota3A, %eq3A_1078 : vector<16x20x96xi32>
    %jit3A_1080 = arith.constant 0.000000e+00 : f32
    %broadcast_in_dim3A_1081 = vector.broadcast %jit3A_1080 : f32 to vector<16x20x96xf32>
    %select_n3A_1082 = arith.select %eq3A_1079, %squeeze3A_731, %broadcast_in_dim3A_1081 : vector<16x20x96xi1>, vector<16x20x96xf32>
    %reduce_sum3A_1083 = arith.constant dense<0.000000e+00> : vector<16x20xf32>
    %reduce_sum3A_1084 = vector.multi_reduction <add>, %select_n3A_1082, %reduce_sum3A_1083 [2] : vector<16x20x96xf32> to vector<16x20xf32>
    %mul3A_1085 = arith.mulf %reduce_sum3A_1084, %squeeze3A_735 : vector<16x20xf32>
    %reduce_sum3A_1086 = vector.shape_cast %mul3A_1085 : vector<16x20xf32> to vector<1x16x20xf32>
    %reduce_sum3A_1087 = arith.constant dense<0.000000e+00> : vector<1xf32>
    %reduce_sum3A_1088 = vector.multi_reduction <add>, %reduce_sum3A_1086, %reduce_sum3A_1087 [1, 2] : vector<1x16x20xf32> to vector<1xf32>
    %reduce_sum3A_1089 = vector.shape_cast %reduce_sum3A_1088 : vector<1xf32> to vector<1x1x1xf32>
    %reduce_sum3A_1090 = vector.extract %reduce_sum3A_1089[0, 0, 0] : f32 from vector<1x1x1xf32>
    %sub3A_1091 = arith.subf %reduce_sum3A_1076, %reduce_sum3A_1090 : f32
    %add3A_1092 = arith.addf %div3A_1006, %mul3A_1045 : f32
    %mul3A_1093 = arith.constant 5.000000e-01 : f32
    %mul3A_1094 = arith.mulf %mul3A_1093, %sub3A_1091 : f32
    %add3A_1095 = arith.addf %add3A_1092, %mul3A_1094 : f32
    %add3A_1096 = arith.addf %add3A_729, %add3A_1095 : f32
    %div3A_1097 = arith.constant 1.600000e+01 : f32
    %div3A_1098 = arith.divf %add3A_1096, %div3A_1097 : f32
    %swap3A = arith.constant 0 : index
    %swap3A_1099 = arith.constant 0 : index
    %swap3A_1100 = memref.load %arg4[%swap3A, %swap3A_1099] : memref<1x1xf32, #tpu.memory_space<smem>>
    memref.store %div3A_1098, %arg4[%swap3A, %swap3A_1099] : memref<1x1xf32, #tpu.memory_space<smem>>
    return
  }
  func.func @transform_0(%arg0: i32) -> (i32, i32, i32, i32) {
    %c0_i32 = arith.constant 0 : i32
    %c0_i32_0 = arith.constant 0 : i32
    %c0_i32_1 = arith.constant 0 : i32
    %c0_i32_2 = arith.constant 0 : i32
    %c0_i32_3 = arith.constant 0 : i32
    return %c0_i32, %c0_i32_0, %c0_i32_1, %c0_i32_2 : i32, i32, i32, i32
  }
  func.func @transform_1(%arg0: i32) -> (i32, i32, i32, i32) {
    %c0_i32 = arith.constant 0 : i32
    %c0_i32_0 = arith.constant 0 : i32
    %c0_i32_1 = arith.constant 0 : i32
    %c0_i32_2 = arith.constant 0 : i32
    %c0_i32_3 = arith.constant 0 : i32
    return %c0_i32, %c0_i32_0, %c0_i32_1, %c0_i32_2 : i32, i32, i32, i32
  }
  func.func @transform_2(%arg0: i32) -> (i32, i32) {
    %c0_i32 = arith.constant 0 : i32
    %c0_i32_0 = arith.constant 0 : i32
    %c0_i32_1 = arith.constant 0 : i32
    return %c0_i32, %c0_i32_0 : i32, i32
  }
  func.func @transform_3(%arg0: i32) -> (i32, i32) {
    %c0_i32 = arith.constant 0 : i32
    %c0_i32_0 = arith.constant 0 : i32
    %c0_i32_1 = arith.constant 0 : i32
    return %c0_i32, %c0_i32_0 : i32, i32
  }
}

</mosaic_0001>

<sc_bundles>
// kernel: kernel.6.cloned.1.call-start
scs
__scs_entry_jumppad:
0x0: {  	(pc) =	sbr.rel $0x88, $3  }
0x1: {  	(tag) =	ssettag $0x0;
	lr =	simm.s32 $0x1  }
0x2: {  	[smem:$0x3F9C] =	sst lr;
	_ =	strace $0xD0000000  }
0x3: {  	_ = 	snop  }
0x4: {  	_ = 	snop  }
0x5: {  	_ = 	snop  }
0x6: {  	_ = 	snop  }
0x7: {  	_ = 	snop  }
__scs_overlays_trampoline_lowered:
0x8: {  	[smem:$0x3FAB] =	sst s0  }
0x9: {  	[smem:$0x3FAC] =	sst s1  }
0xa: {  	[smem:$0x3FAD] =	sst s2  }
0xb: {  	[smem:$0x3FAE] =	sst s3  }
0xc: {  	[smem:$0x3FAF] =	sst s4  }
0xd: {  	[smem:$0x3FB0] =	sst s5  }
0xe: {  	[smem:$0x3FB1] =	sst s6  }
0xf: {  	[smem:$0x3FB2] =	sst s7  }
0x10: {  	[smem:$0x3FB3] =	sst s8  }
0x11: {  	[smem:$0x3FB4] =	sst s9;
	s0 =	simm.s32 @!p0 $0x0  }
0x12: {  	s1 =	sld [smem:$0x3F9A];
	s0 =	simm.s32 @p0 $0x1  }
0x13: {  	[smem:$0x3FB5] =	sst s0;
	s0 =	simm.s32 @!p1 $0x0  }
0x14: {  	s2 =	sld [smem:$0x3F99];
	s0 =	simm.s32 @p1 $0x1  }
0x15: {  	[smem:$0x3FB6] =	sst s0;
	s0 =	simm.s32 @!p2 $0x0  }
0x16: {  	s3 =	sld [smem:$0x3FDB];
	s0 =	simm.s32 @p2 $0x1  }
0x17: {  	s4 =	simm.s32 $0x1BF5;
	[smem:$0x3FB8] =	sst s0  }
0x18: {  	s0 =	sld [smem:$0x3F9B];
	_ =	swait.ge [sflag:s4], $0x0  }
0x19: {  	s7 =	sld [smem:$0x3F9C]  }
0x1a: {  	s8 =	sadd.s32 $0xFFFFE003, lr  }
0x1b: {  	s9 =	sadd.s32 $0xFFFFFEF7, lr;
	s5 =	simm.s32 $0xFFFFFFFF;
	p2 =	slt.u32 s8, $0xFFFFF086  }
0x1c: {  	p1 =	slt.u32 s9, $0xF7A;
	s5 =	simm.s32 @!p2 $0x0  }
0x1d: {  	s5 =	simm.s32 @p1 $0x1;
	p0 =	seq.s32 s7, s2  }
0x1e: {  	s7 =	smul.u32 @!p0 $0xF7A, s2;
	p2 =	seq.s32 @!p0 s5, $0x0  }
0x1f: {  	s9 =	smul.u32 $0xF7A, s1;
	s8 =	simm.s32 @!p0 $0x1BF5;
	p2 =	por !p2, p0  }
0x20: {  	[sflag:s8] =	ssyncset.s32 @!p0 $0xFFFFF086;
	s6 =	sadd.s32 @!p0 s3, s7;
	s7 =	simm.s32 @!p0 $0x108  }
0x21: {  	s3 =	sadd.s32 s3, s9;
	s6 =	sadd.s32 @!p0 $0x88, s6;
	s7 =	simm.s32 @p2 $0x1082  }
0x22: {  	[simem:s7], [sflag:s8] =	dma.local @!p0 [hbm:s6], $0xF7A  }
0x23: {  	s9 =	sor.u32 $0xD0000000, s2;
	s6 =	simm.s32 $0x108;
	_ =	swait.ge @!p0 [sflag:s8], $0x0  }
0x24: {  	s3 =	sadd.s32 $0x88, s3;
	s6 =	simm.s32 @!p1 $0x1082;
	[sflag:s4] =	ssyncset.s32 $0xFFFFF086  }
0x25: {  	[simem:s6], [sflag:s4] =	dma.local [hbm:s3], $0xF7A  }
0x26: {  	[smem:$0x3F9C] =	sst s1;
	(tag) =	ssettag s2;
	_ =	strace s9  }
0x27: {  	s1 =	sld [smem:$0x3FAC]  }
0x28: {  	s2 =	sld [smem:$0x3FAD]  }
0x29: {  	s4 =	sld [smem:$0x3FAF]  }
0x2a: {  	p0 =	seq.s32 s5, $0x0;
	s5 =	sld [smem:$0x3FB0]  }
0x2b: {  	s6 =	sld [smem:$0x3FB1]  }
0x2c: {  	s7 =	sld [smem:$0x3FB2]  }
0x2d: {  	s3 =	simm.s32 $0x108;
	s8 =	sld [smem:$0x3FB3]  }
0x2e: {  	s3 =	simm.s32 @!p0 $0x1082;
	s9 =	sld [smem:$0x3FB4]  }
0x2f: {  	lr =	sadd.s32 s0, s3;
	s0 =	sld [smem:$0x3FAB]  }
0x30: {  	s3 =	sld [smem:$0x3FAE]  }
0x31: {  	[smem:$0x3FB7] =	sst s10  }
0x32: {  	s10 =	sld [smem:$0x3FB5];
	_ =	sdelay $0x3  }
0x33: {  	p0 =	seq.s32 s10, $0x1;
	s10 =	sld [smem:$0x3FB7];
	_ =	sdelay $0x3  }
0x34: {  	[smem:$0x3FB7] =	sst s10  }
0x35: {  	s10 =	sld [smem:$0x3FB6];
	_ =	sdelay $0x3  }
0x36: {  	p1 =	seq.s32 s10, $0x1;
	s10 =	sld [smem:$0x3FB7];
	_ =	sdelay $0x3  }
0x37: {  	[smem:$0x3FB7] =	sst s10  }
0x38: {  	s10 =	sld [smem:$0x3FB8]  }
0x39: {  	_ = 	snop;
	(pc) =	sbr.ind lr, $3  }
0x3a: {  	_ = 	snop  }
0x3b: {  	_ = 	snop  }
0x3c: {  	p2 =	seq.s32 s10, $0x1;
	s10 =	sld [smem:$0x3FB7]  }
0x3d: {  	_ =	shalt  }
0x3e: {  	_ =	shalt  }
0x3f: {  	_ =	shalt  }
0x40: {  	_ =	shalt  }
0x41: {  	_ =	shalt  }
0x42: {  	_ =	shalt  }
0x43: {  	_ =	shalt  }
0x44: {  	_ =	shalt  }
0x45: {  	_ =	shalt  }
0x46: {  	_ =	shalt  }
0x47: {  	_ =	shalt  }
0x48: {  	_ =	shalt  }
0x49: {  	_ =	shalt  }
0x4a: {  	_ =	shalt  }
0x4b: {  	_ =	shalt  }
0x4c: {  	_ =	shalt  }
0x4d: {  	_ =	shalt  }
0x4e: {  	_ =	shalt  }
0x4f: {  	_ =	shalt  }
0x50: {  	_ =	shalt  }
0x51: {  	_ =	shalt  }
0x52: {  	_ =	shalt  }
0x53: {  	_ =	shalt  }
0x54: {  	_ =	shalt  }
0x55: {  	_ =	shalt  }
0x56: {  	_ =	shalt  }
0x57: {  	_ =	shalt  }
0x58: {  	_ =	shalt  }
0x59: {  	_ =	shalt  }
0x5a: {  	_ =	shalt  }
0x5b: {  	_ =	shalt  }
0x5c: {  	_ =	shalt  }
0x5d: {  	_ =	shalt  }
0x5e: {  	_ =	shalt  }
0x5f: {  	_ =	shalt  }
0x60: {  	_ =	shalt  }
0x61: {  	_ =	shalt  }
0x62: {  	_ =	shalt  }
0x63: {  	_ =	shalt  }
0x64: {  	_ =	shalt  }
0x65: {  	_ =	shalt  }
0x66: {  	_ =	shalt  }
0x67: {  	_ =	shalt  }
0x68: {  	_ =	shalt  }
0x69: {  	_ =	shalt  }
0x6a: {  	_ =	shalt  }
0x6b: {  	_ =	shalt  }
0x6c: {  	_ =	shalt  }
0x6d: {  	_ =	shalt  }
0x6e: {  	_ =	shalt  }
0x6f: {  	_ =	shalt  }
0x70: {  	_ =	shalt  }
0x71: {  	_ =	shalt  }
0x72: {  	_ =	shalt  }
0x73: {  	_ =	shalt  }
0x74: {  	_ =	shalt  }
0x75: {  	_ =	shalt  }
0x76: {  	_ =	shalt  }
0x77: {  	_ =	shalt  }
0x78: {  	_ =	shalt  }
0x79: {  	_ =	shalt  }
0x7a: {  	_ =	shalt  }
0x7b: {  	_ =	shalt  }
0x7c: {  	_ =	shalt  }
0x7d: {  	_ =	shalt  }
0x7e: {  	_ =	shalt  }
0x7f: {  	_ =	shalt  }
0x80: {  	_ =	shalt  }
0x81: {  	_ =	shalt  }
0x82: {  	_ =	shalt  }
0x83: {  	_ =	shalt  }
0x84: {  	_ =	shalt  }
0x85: {  	_ =	shalt  }
0x86: {  	_ =	shalt  }
0x87: {  	_ =	shalt  }
.Lfunc_end0:
.L_simem_size_0:
called_computation_lowered:
.L_overlay_start_0:
0x88: {  	s2 =	sld [smem:$0x3FD9]  }
0x89: {  	s3 =	sld [smem:$0x3FFE];
	_ =	sdelay $0x1  }
0x8a: {  	s1 =	srdreg.scid  }
0x8b: {  	s0 =	sand.u32 $0x1, s1  }
0x8c: {  	s16 =	sshll.u32 s0, $0xA;
	s2 =	sadd.s32 s3, s2  }
0x8d: {  	s2 =	sadd.s32 s2, s16  }
0x8e: {  	[smem:$0x3FC3] =	sst s2  }
0x8f: {  	_ = 	snop  }
0x90: {  	(tm) =	ssettm $0x1  }
0x91: {  	s17 =	sld [smem:$0x3FFB];
	_ =	sdelay $0x3  }
0x92: {  	_ =	strace s17  }
0x93: {  	s2 =	sld [smem:$0x3FFC];
	_ =	sdelay $0x3  }
0x94: {  	_ =	strace s2  }
0x95: {  	s2 =	sld [smem:$0x3FFD];
	_ =	sdelay $0x3  }
0x96: {  	_ =	strace s2  }
0x97: {  	_ =	strace $0x8FFFFFFF  }
0x98: {  	s18 =	sld [smem:$0x3FDB];
	_ =	sdelay $0x1  }
0x99: {  	s19 =	simm.s32 $_scs_section_size  }
0x9a: {  	s4 =	simm.s32 $_size__tile_overlayer_lowered;
	s5 =	simm.s32 $_tile_overlayer_lowered  }
0x9b: {  	s22 =	simm.s32 $0x1BFF;
	s21 =	sshll.u32 s5, $0x1;
	s2 =	sadd.s32 s19, s18  }
0x9c: {  	s6 =	simm.s32 $0x0;
	s20 =	sshll.u32 s4, $0x1;
	s4 =	sadd.s32 s21, s2  }
0x9d: {  	[timem:s6], [sflag:s22] =	dma.local [hbm:s4], s20  }
0x9e: {  	_ =	swait.ge [sflag:s22], s20  }
0x9f: {  	s3 =	ssub.s32 $0x0, s20;
	[sflag:s22] =	ssyncset.done $0x0  }
0xa0: {  	[sflag:s22] =	ssyncadd.s32 s3;
	_ =	sdelay $0x1  }
0xa1: {  	s23 =	simm.s32 $0x1B8B  }
0xa2: {  	_ =	swait.ge [sflag:s23], $0x1  }
0xa3: {  	[sflag:s23] =	ssyncset.done $0x0  }
0xa4: {  	s25 =	simm.s32 $0x1B8E;
	s24 =	sld [smem:$0x3FFE];
	[sflag:s23] =	ssyncadd.s32 $0xFFFFFFFF  }
0xa5: {  	s26 =	simm.s32 $execute0_lowered;
	[smem:$0x3FD2] =	sst s25  }
0xa6: {  	s4 =	sshll.u32 s26, $0x1;
	_ =	strace $0x80000046;
	[dreg:$0x1] =	wrdreg $0xFFFFFFFF  }
0xa7: {  	s28 =	simm.s32 $_size_execute0_lowered;
	s2 =	sadd.s32 s2, s4;
	[dreg:$0x0] =	wrdreg $0x0  }
0xa8: {  	s4 =	sshll.u32 s28, $0x1;
	[dreg:$0x2] =	wrdreg s2  }
0xa9: {  	[dreg:$0x3] =	wrdreg s4  }
0xaa: {  	[dreg:$0x4] =	wrdreg $0xC0  }
0xab: {  	_ =	task [dreg:s6], $0x5FFFF  }
0xac: {  	[dreg:$0x1] =	wrdreg $0xFFFFFFFF  }
0xad: {  	[dreg:$0x0] =	wrdreg $0x60  }
0xae: {  	[dreg:$0x2] =	wrdreg s24  }
0xaf: {  	[dreg:$0x3] =	wrdreg $0x9  }
0xb0: {  	_ =	task.clear_ibuf [dreg:s6], $0x4FFFF;
	_ =	strace $0x90000046  }
0xb1: {  	s29 =	simm.s32 $0x9;
	_ =	strace $0x80000048  }
0xb2: {  	_ =	swait.ge [sflag:s29], $0x1  }
0xb3: {  	[sflag:s29] =	ssyncadd.s32 $0xFFFFFFFF  }
0xb4: {  	_ =	strace $0x90000048  }
0xb5: {  	_ =	sfence  }
0xb6: {  	s30 =	sld [smem:$0x0];
	_ =	sdelay $0x2  }
0xb7: {  	s31 =	sshll.u32 s1, $0xD;
	s1 =	sshrl.u32 s1, $0x2  }
0xb8: {  	s3 =	sand.u32 $0x4000, s31;
	s1 =	sadd.s32 s1, s30  }
0xb9: {  	s0 =	sor.u32 s3, s0;
	s1 =	sshll.u32 s1, $0x11  }
0xba: {  	s0 =	sor.u32 s1, s0  }
0xbb: {  	s0 =	sadd.s32 $0x8F2B, s0  }
0xbc: {  	[sflag:s0] =	ssyncadd.remote.s32 $0x1  }
0xbd: {  	_ =	sfence.sel $0xFFFF  }
0xbe: {  	[dreg:$0x0] =	wrdreg $0xFFFFFFFF;
	(pc) =	sbr.abs _section_cstart, $3  }
0xbf: {  	[dreg:$0x1] =	wrdreg $0xFFFFFFFF  }
0xc0: {  	_ =	task.clear_ibuf [dreg:s6], $0x2FFFF;
	_ =	strace $0x9FFFFFFF  }
0xc1: {  	(tm) =	ssettm $0x7FFFFFFF  }
tec
execute0_lowered:
.L_overlay_start_1:
0x0: {  	(tag) =	ssettag $0x1  }
0x1: {  	s5 =	rddreg [dreg:$0x0]  }
0x2: {  	s0 =	rddreg [dreg:$0x1];
	s2 =	simm.s32 $0x0  }
0x3: {  	s1 =	stileid.u32;
	s8 =	srdreg.scid;
	p1 =	por $0x0, $0x0  }
0x4: {  	[smem:$0x7FF] =	sst s2;
	s4 =	sadd.s32 $0x9F7C00, s5;
	s6 =	sshll.u32 s1, $0x1  }
0x5: {  	s7 =	sadd.s32 $0x435800, s5;
	s3 =	sadd.s32 $0x186200, s5;
	s8 =	sand.u32 $0x1, s8  }
0x6: {  	s10 =	sshrl.u32 s1, $0x2;
	s11 =	sadd.s32 $0x4C00, s5;
	s5 =	sadd.s32 $0xD14A00, s5  }
0x7: {  	p0 =	sgt.u32 s1, $0x7;
	_ =	strace $0x80000047;
	s9 =	sadd.s32 $0xFFFFFFF0, s6  }
0x8: {  	s6 =	sor.u32 s8, s6;
	s10 =	smul.u32 $0x3C00, s10;
	s8 =	ssub.s32 $0x2, s8  }
0x9: {  	s3 =	smov.u32 @p0 s7;
	s7 =	simm.s32 $0x80;
	s12 =	sshrl.u32 s8, $0x1  }
0xa: {  	s16 =	simm.s32 @!p0 $0x80;
	s15 =	simm.s32 @!p0 $0x2;
	s8 =	ssub.s32 s8, s12  }
0xb: {  	s9 =	sshrl.u32 s9, $0x3;
	s6 =	sshll.u32 s6, $0x7;
	s31 =	smax.u32 s8, $0x1  }
0xc: {  	s9 =	smul.u32 $0x3C00, s9;
	s6 =	sand.u32 $0x380, s6;
	s22 =	sadd.s32 $0xFFFFFFFF, s31  }
0xd: {  	s12 =	simm.s32 $0x3C0;
	s8 =	simm.s32 $0x400;
	p2 =	sne.s32 s22, $0x0  }
.Ltmp0:
0xe: {  	s9 =	sor.u32 s6, s9;
	s6 =	sor.u32 s10, s6;
	(pc) =	sbr.rel @!p2 .LBB2_3-.Ltmp0, $4  }
0xf: {  	s9 =	sadd.s32 $0x7800, s9;
	s13 =	sadd.s32 $0xF000, s6;
	s6 =	sshrl.u32 s6, $0x3  }
0x10: {  	s13 =	smov.u32 @p0 s9;
	s14 =	sadd.s32 s11, s6;
	s10 =	sadd.s32 s5, s6  }
0x11: {  	s6 =	simm.s32 $0x2;
	s9 =	simm.s32 $0x780;
	s30 =	sshrl.u32 s13, $0x3  }
0x12: {  	s13 =	simm.s32 $0x1;
	s5 =	sadd.s32 s5, s30;
	s11 =	sadd.s32 s11, s30  }
0x13: {  	s17 =	simm.s32 @!p0 $0x400;
	s18 =	simm.s32 @!p0 $0x0  }
0x14: {  	[tilespmem:s18], [sflag:$0x2] =	stream.strided.gather @!p0 [hbm4b:s14+s16], $0x780, s17, s16, $0x38;
	[tilespmem:$0xF00] =	vst v63  }
0x15: {  	_ =	swait.ge @!p0 [sflag:s15], $0x780  }
0x16: {  	s19 =	simm.s32 @!p0 $0x1;
	[sflag:s15] =	ssyncset.done @!p0 $0x0  }
0x17: {  	s20 =	simm.s32 @!p0 $0x3C0;
	s21 =	simm.s32 @!p0 $0x780;
	[sflag:s15] =	ssyncadd.s32 @!p0 $0xFFFFF880  }
0x18: {  	[tilespmem:s21], [sflag:$0x1] =	stream.indirect.gather @!p0 [hbm4b:s4+s20], $0x1, s18, s20, $0xb8;
	[tilespmem:$0xF00] =	vst v63  }
0x19: {  	_ =	swait.ge @!p0 [sflag:s19], $0x3C0  }
0x1a: {  	[sflag:s19] =	ssyncset.done @!p0 $0x0  }
0x1b: {  	[sflag:s19] =	ssyncadd.s32 @!p0 $0xFFFFFC40  }
0x1c: {  	[hbm4b:s10+s16] =	stream.strided.scatter @!p0 [tilespmem:s21], [sflag:$0x2], $0x780, s17, s16, $0x38;
	[tilespmem:$0xF00] =	vst v63  }
0x1d: {  	_ =	swait.ge @!p0 [sflag:s15], $0x780  }
0x1e: {  	[sflag:s15] =	ssyncset.done @!p0 $0x0  }
0x1f: {  	[sflag:s15] =	ssyncadd.s32 @!p0 $0xFFFFF880  }
0x20: {  	[tilespmem:s2], [sflag:$0x2] =	stream.strided.gather [hbm4b:s11+s7], $0x780, s8, s7, $0x38;
	[tilespmem:$0xF00] =	vst v63  }
0x21: {  	_ =	swait.ge [sflag:s6], $0x780  }
0x22: {  	[sflag:s6] =	ssyncset.done $0x0  }
0x23: {  	s22 =	sadd.s32 $0xFFFFFFFF, s22;
	[sflag:s6] =	ssyncadd.s32 $0xFFFFF880  }
0x24: {  	[tilespmem:s9], [sflag:$0x1] =	stream.indirect.gather [hbm4b:s3+s12], $0x1, s2, s12, $0xb8;
	[tilespmem:$0xF00] =	vst v63  }
0x25: {  	p2 =	sne.s32 s22, $0x0;
	_ =	swait.ge [sflag:s13], $0x3C0  }
.Ltmp1:
0x26: {  	[sflag:s13] =	ssyncset.done $0x0;
	(pc) =	sbr.rel @!p2 .LBB2_3-.Ltmp1, $4  }
0x27: {  	[sflag:s13] =	ssyncadd.s32 $0xFFFFFC40  }
0x28: {  	[hbm4b:s5+s7] =	stream.strided.scatter [tilespmem:s9], [sflag:$0x2], $0x780, s8, s7, $0x38;
	[tilespmem:$0xF00] =	vst v63  }
0x29: {  	_ =	swait.ge [sflag:s6], $0x780  }
0x2a: {  	p1 =	por $0x1, $0x1;
	[sflag:s6] =	ssyncset.done $0x0  }
.LBB2_2:
0x2b: {  	[sflag:s6] =	ssyncadd.s32 $0xFFFFF880  }
0x2c: {  	[tilespmem:s18], [sflag:$0x2] =	stream.strided.gather @!p0 [hbm4b:s14+s16], $0x780, s17, s16, $0x38;
	[tilespmem:$0xF00] =	vst v63  }
0x2d: {  	s23 =	simm.s32 @!p0 $0x80;
	s22 =	sadd.s32 $0xFFFFFFFF, s22;
	_ =	swait.ge @!p0 [sflag:s15], $0x780  }
0x2e: {  	p2 =	sne.s32 s22, $0x0;
	[sflag:s15] =	ssyncset.done @!p0 $0x0  }
0x2f: {  	[sflag:s15] =	ssyncadd.s32 @!p0 $0xFFFFF880  }
0x30: {  	[tilespmem:s21], [sflag:$0x1] =	stream.indirect.gather @!p0 [hbm4b:s4+s20], $0x1, s18, s20, $0xb8;
	[tilespmem:$0xF00] =	vst v63  }
0x31: {  	_ =	swait.ge @!p0 [sflag:s19], $0x3C0  }
0x32: {  	[sflag:s19] =	ssyncset.done @!p0 $0x0  }
0x33: {  	[sflag:s19] =	ssyncadd.s32 @!p0 $0xFFFFFC40  }
0x34: {  	[hbm4b:s10+s16] =	stream.strided.scatter @!p0 [tilespmem:s21], [sflag:$0x2], $0x780, s17, s16, $0x38;
	[tilespmem:$0xF00] =	vst v63  }
0x35: {  	s16 =	smov.u32 s23;
	_ =	swait.ge @!p0 [sflag:s15], $0x780  }
0x36: {  	[sflag:s15] =	ssyncset.done @!p0 $0x0  }
0x37: {  	[sflag:s15] =	ssyncadd.s32 @!p0 $0xFFFFF880  }
0x38: {  	[tilespmem:s2], [sflag:$0x2] =	stream.strided.gather [hbm4b:s11+s7], $0x780, s8, s7, $0x38;
	[tilespmem:$0xF00] =	vst v63  }
0x39: {  	_ =	swait.ge [sflag:s6], $0x780  }
0x3a: {  	[sflag:s6] =	ssyncset.done $0x0  }
0x3b: {  	[sflag:s6] =	ssyncadd.s32 $0xFFFFF880  }
0x3c: {  	[tilespmem:s9], [sflag:$0x1] =	stream.indirect.gather [hbm4b:s3+s12], $0x1, s2, s12, $0xb8;
	[tilespmem:$0xF00] =	vst v63  }
0x3d: {  	_ =	swait.ge [sflag:s13], $0x3C0  }
.Ltmp2:
0x3e: {  	[sflag:s13] =	ssyncset.done $0x0;
	(pc) =	sbr.rel @p2 .LBB2_2-.Ltmp2, $4  }
0x3f: {  	[sflag:s13] =	ssyncadd.s32 $0xFFFFFC40  }
0x40: {  	[hbm4b:s5+s7] =	stream.strided.scatter [tilespmem:s9], [sflag:$0x2], $0x780, s8, s7, $0x38;
	[tilespmem:$0xF00] =	vst v63  }
0x41: {  	_ =	swait.ge [sflag:s6], $0x780  }
0x42: {  	[sflag:s6] =	ssyncset.done $0x0  }
.LBB2_3:
0x43: {  	s17 =	simm.s32 @!p0 $0x400;
	s18 =	simm.s32 @!p0 $0x0;
	[sflag:s6] =	ssyncadd.s32 @p1 $0xFFFFF880  }
0x44: {  	[tilespmem:s18], [sflag:$0x2] =	stream.strided.gather @!p0 [hbm4b:s14+s16], $0x780, s17, s16, $0x38;
	[tilespmem:$0xF00] =	vst v63  }
0x45: {  	_ =	swait.ge @!p0 [sflag:s15], $0x780  }
0x46: {  	s19 =	simm.s32 @!p0 $0x3C0;
	[sflag:s15] =	ssyncset.done @!p0 $0x0  }
0x47: {  	s20 =	simm.s32 @!p0 $0x780;
	s14 =	simm.s32 @!p0 $0x1;
	[sflag:s15] =	ssyncadd.s32 @!p0 $0xFFFFF880  }
0x48: {  	[tilespmem:s20], [sflag:$0x1] =	stream.indirect.gather @!p0 [hbm4b:s4+s19], $0x1, s18, s19, $0xb8;
	[tilespmem:$0xF00] =	vst v63  }
0x49: {  	_ =	swait.ge @!p0 [sflag:s14], $0x3C0  }
0x4a: {  	[sflag:s14] =	ssyncset.done @!p0 $0x0  }
0x4b: {  	[sflag:s14] =	ssyncadd.s32 @!p0 $0xFFFFFC40  }
0x4c: {  	[hbm4b:s10+s16] =	stream.strided.scatter @!p0 [tilespmem:s20], [sflag:$0x2], $0x780, s17, s16, $0x38;
	[tilespmem:$0xF00] =	vst v63  }
0x4d: {  	_ =	swait.ge @!p0 [sflag:s15], $0x780  }
0x4e: {  	[sflag:s15] =	ssyncset.done @!p0 $0x0  }
0x4f: {  	[sflag:s15] =	ssyncadd.s32 @!p0 $0xFFFFF880  }
0x50: {  	[tilespmem:s2], [sflag:$0x2] =	stream.strided.gather [hbm4b:s11+s7], $0x780, s8, s7, $0x38;
	[tilespmem:$0xF00] =	vst v63  }
0x51: {  	_ =	swait.ge [sflag:s6], $0x780  }
0x52: {  	[sflag:s6] =	ssyncset.done $0x0  }
0x53: {  	[sflag:s6] =	ssyncadd.s32 $0xFFFFF880  }
0x54: {  	[tilespmem:s9], [sflag:$0x1] =	stream.indirect.gather [hbm4b:s3+s12], $0x1, s2, s12, $0xb8;
	[tilespmem:$0xF00] =	vst v63  }
0x55: {  	_ =	swait.ge [sflag:s13], $0x3C0  }
0x56: {  	[sflag:s13] =	ssyncset.done $0x0  }
0x57: {  	[sflag:s13] =	ssyncadd.s32 $0xFFFFFC40  }
0x58: {  	[hbm4b:s5+s7] =	stream.strided.scatter [tilespmem:s9], [sflag:$0x2], $0x780, s8, s7, $0x38;
	[tilespmem:$0xF00] =	vst v63  }
0x59: {  	_ =	swait.ge [sflag:s6], $0x780  }
0x5a: {  	[sflag:s6] =	ssyncset.done $0x0  }
0x5b: {  	[sflag:s6] =	ssyncadd.s32 $0xFFFFF880  }
0x5c: {  	_ =	sfence.sel $0x180000  }
0x5d: {  	[bflag:$0x0] =	sbarrier.arrive $0xFFFF  }
0x5e: {  	p0 =	sne.s32 s1, $0x0;
	_ =	strace $0x90000047  }
0x5f: {  	s0 =	sadd.s32 @!p0 $0x100000, s0;
	[bflag:$0x2] =	sbarrier.arrive $0xFFFF  }
0x60: {  	[sflag:s0] =	ssyncadd.tile.s32 @!p0 $0x1;
	_ =	shalt  }
.Lfunc_end2:
_tile_overlayer_lowered:
.L_overlay_start_2:
0x61: {  	(tag) =	ssettag $0x2  }
0x62: {  	s0 =	rddreg [dreg:$0x0];
	s2 =	stileid.u32  }
0x63: {  	s1 =	rddreg [dreg:$0x1];
	p0 =	sne.s32 s2, $0x0  }
0x64: {  	s3 =	rddreg [dreg:$0x2];
	[bflag:$0x3] =	sbarrier.arrive $0xFFFF;
	s2 =	simm.s32 @!p0 $0x1C02  }
0x65: {  	[timem:s3], [sflag:s2] =	dma.local @!p0 [hbm:s0], s1  }
0x66: {  	s0 =	simm.s32 @!p0 $0x2  }
0x67: {  	_ =	swait.ge @!p0 [sflag:s0], s1  }
0x68: {  	s1 =	ssub.s32 @!p0 $0x0, s1;
	[sflag:s0] =	ssyncset.done @!p0 $0x0  }
0x69: {  	[sflag:s0] =	ssyncadd.s32 @!p0 s1  }
0x6a: {  	[bflag:$0x3] =	sbarrier.arrive $0xFFFF  }
0x6b: {  	_ =	shalt  }

</sc_bundles>
